<compile_context>
chip_gen: v7x
topology: tpu7x:2x2x1
jax: 0.10.2.dev20260603
libtpu: 0.0.44.dev20260713+nightly
codegen_flags: <defaults>
</compile_context>

<pallas_src>
import jax
import jax.numpy as jnp
from jax import lax
from jax.experimental import pallas as pl
from jax.experimental.pallas import tpu as pltpu
from jax.experimental.pallas import tpu_sc as plsc

K = 1024
CH = 256
B = 4
H = W = 32
N0 = H * W
N1 = N0 // 4
N2 = N0 // 16
R0 = B * N0

NC, NS, LANES = 2, 16, 16
NW = NC * NS
BPW = R0 // NW

HIGHEST = lax.Precision.HIGHEST
BPG = 2


def _fold_rows(t):
    sz = t.shape[0]
    while sz > 1:
        sz //= 2
        t = t[:sz] + t[sz:]
    return t


def _match_body(x0_ref, x1_ref, x2s_ref, cb0_ref, cb1_ref, c20_ref, c21_ref,
                zsel_ref, zb_ref):
    c20 = c20_ref[...]
    c21 = c21_ref[...]

    def scale(xs, cb_ref, c2, need_p):
        n = xs.shape[1]
        x2row = _fold_rows(xs * xs)
        prod = lax.dot_general(cb_ref[...], xs, (((1,), (0,)), ((), ())),
                               preferred_element_type=jnp.float32)
        dist = x2row - 2.0 * prod + c2
        dmin = jnp.min(dist, axis=0, keepdims=True)
        ii = lax.broadcasted_iota(jnp.int32, (K, n), 0).astype(jnp.float32)
        idxrow = jnp.min(jnp.where(dist == dmin, ii, float(K)),
                         axis=0, keepdims=True)
        if not need_p:
            return None, idxrow
        denom = jnp.sum(jnp.exp(dmin - dist), axis=0, keepdims=True)
        return 1.0 / denom, idxrow

    for g in range(BPG):
        _per_image(g, x0_ref, x1_ref, x2s_ref, cb0_ref, cb1_ref, c20, c21,
                   scale, zsel_ref, zb_ref)


def _per_image(g, x0_ref, x1_ref, x2s_ref, cb0_ref, cb1_ref, c20, c21,
               scale, zsel_ref, zb_ref):
    p0, i0 = scale(x0_ref[g], cb0_ref, c20, True)
    p1, i1 = scale(x1_ref[g], cb0_ref, c20, True)
    p2, i2 = scale(x2s_ref[g], cb0_ref, c20, True)
    _, zb = scale(x0_ref[g], cb1_ref, c21, False)

    def up_onehot(n_coarse, n_fine, wsrc, wdst):
        q = lax.broadcasted_iota(jnp.int32, (1, n_fine), 1)
        m = (q // wdst // 2) * wsrc + (q % wdst) // 2
        r = lax.broadcasted_iota(jnp.int32, (n_coarse, n_fine), 0)
        return (r == m).astype(jnp.float32)

    u2 = up_onehot(N2, N1, W // 4, W // 2)
    s2u = lax.dot_general(jnp.concatenate([p2, i2], axis=0),
                          u2, (((1,), (0,)), ((), ())),
                          precision=HIGHEST, preferred_element_type=jnp.float32)
    c12 = s2u[0:1] > p1
    pw = jnp.where(c12, s2u[0:1], p1)
    iwf = jnp.where(c12, s2u[1:2], i1)
    u1 = up_onehot(N1, N0, W // 2, W)
    s1u = lax.dot_general(jnp.concatenate([pw, iwf], axis=0), u1,
                          (((1,), (0,)), ((), ())),
                          precision=HIGHEST, preferred_element_type=jnp.float32)
    c01 = s1u[0:1] > p0
    zself = jnp.where(c01, s1u[1:2], i0)
    zsel_ref[pl.ds(g * N0, N0)] = jnp.reshape(
        (zself + 0.5).astype(jnp.int32), (N0,))
    zb_ref[pl.ds(g * N0, N0)] = jnp.reshape(zb.astype(jnp.int32), (N0,))


def _tc_match(x0, x1, x2s, cb0, cb1, c20, c21):
    full = lambda shape: pl.BlockSpec(shape, lambda b: (0,) * len(shape))
    per_b = lambda shape: pl.BlockSpec(shape, lambda b: (b, 0, 0))
    lin = lambda n: pl.BlockSpec((n,), lambda b: (b,))
    return pl.pallas_call(
        _match_body,
        grid=(B // BPG,),
        in_specs=[
            per_b((BPG, CH, N0)), per_b((BPG, CH, N1)), per_b((BPG, CH, N2)),
            full((K, CH)), full((K, CH)), full((K, 1)), full((K, 1)),
        ],
        out_specs=[lin(BPG * N0), lin(BPG * N0)],
        out_shape=[
            jax.ShapeDtypeStruct((R0,), jnp.int32),
            jax.ShapeDtypeStruct((R0,), jnp.int32),
        ],
    )(x0, x1, x2s, cb0, cb1, c20, c21)


def _sc_body(zs_h, zb_h, cb0_h, cb1_h, q_h,
             zs_v, zb_v, rows0_v, rows1_v, sem_a, sem_b):
    wid = lax.axis_index("s") * NC + lax.axis_index("c")
    base = wid * BPW
    pltpu.sync_copy(zs_h.at[pl.ds(base, BPW)], zs_v)
    cp_a = pltpu.async_copy(cb0_h.at[zs_v], rows0_v, sem_a)
    pltpu.sync_copy(zb_h.at[pl.ds(base, BPW)], zb_v)
    cp_b = pltpu.async_copy(cb1_h.at[zb_v], rows1_v, sem_b)
    cp_a.wait()
    cp_b.wait()

    @plsc.parallel_loop(0, BPW, 1, unroll=8)
    def _add_row(r):
        for c in range(CH // LANES):
            s2 = pl.ds(c * LANES, LANES)
            rows0_v[r, s2] = (rows0_v[r, s2] + rows1_v[r, s2]) * 0.5

    pltpu.sync_copy(rows0_v, q_h.at[pl.ds(base, BPW)])


def _sc_combine(zsel, zb, cb0, cb1):
    mesh = plsc.VectorSubcoreMesh(core_axis_name="c", subcore_axis_name="s",
                                  num_cores=NC, num_subcores=NS)
    fn = pl.kernel(
        _sc_body,
        out_type=jax.ShapeDtypeStruct((R0, CH), jnp.float32),
        mesh=mesh,
        scratch_types=[
            pltpu.VMEM((BPW,), jnp.int32),
            pltpu.VMEM((BPW,), jnp.int32),
            pltpu.VMEM((BPW, CH), jnp.float32),
            pltpu.VMEM((BPW, CH), jnp.float32),
            pltpu.SemaphoreType.DMA,
            pltpu.SemaphoreType.DMA,
        ],
    )
    return fn(zsel, zb, cb0, cb1)


def kernel(input, cb0, cb1, cb2, cb3):
    b, c, h, w = input.shape
    r1 = jax.image.resize(input, (b, c, h // 2, w // 2), method='bilinear')
    r2 = jax.image.resize(input, (b, c, h // 4, w // 4), method='bilinear')
    x0 = input.reshape(B, CH, N0)
    x1 = r1.reshape(B, CH, N1)
    x2s = r2.reshape(B, CH, N2)

    c20 = jnp.sum(cb0 * cb0, axis=-1).reshape(K, 1)
    c21 = jnp.sum(cb1 * cb1, axis=-1).reshape(K, 1)
    zsel, zb = _tc_match(x0, x1, x2s, cb0, cb1, c20, c21)
    q = _sc_combine(zsel, zb, cb0, cb1)

    zidx0 = jnp.stack([zsel.reshape(b, h, w), zb.reshape(b, h, w)], axis=1)
    quant0 = jnp.transpose(q.reshape(b, h, w, CH), (0, 3, 1, 2))
    return input, zidx0, quant0

# --- scband reference (transcript-rebuilt; emitter-appended) ---
"""Pipeline reference for scband-vqvaezmulti-scale-20890720928600 (READ-ONLY COPY).

The authoritative reference and input builder live on the scoring server;
editing this copy changes nothing except your own understanding.
"""

import jax, jax.numpy as jnp
import numpy as np

NUM_SCALE = 3
K = 1024
C = 256


def _match(x, cb):
    # x: (..., c), cb: (K, c). Returns (zsoft, zidx) like a VQ quantizer's match().
    x2 = jnp.sum(x * x, axis=-1, keepdims=True)
    cb2 = jnp.sum(cb * cb, axis=-1)
    dist = x2 - 2.0 * jnp.einsum('...c,kc->...k', x, cb) + cb2
    zsoft = jax.nn.softmax(-dist, axis=-1)
    zidx = jnp.argmax(zsoft, axis=-1)
    return zsoft, zidx


def _avg_pool(x, k):
    # x: (b, h, w, c)
    b, h, w, c = x.shape
    return x.reshape(b, h // k, k, w // k, k, c).mean(axis=(2, 4))


def _nearest_up(x, k):
    # x: (b, h, w, c)
    return jnp.repeat(jnp.repeat(x, k, axis=1), k, axis=2)


def _ms_fuse(cbs, encodes):
    # cbs: list of 1+s codebooks (K, c); encodes: list of (b, h_i, w_i, c)
    s = len(encodes)
    b, h, w, c = encodes[0].shape
    assert c % 2 == 0
    zidx1s, encode1s, quant1s = [], [], []
    for i1 in range(s):
        enc_list = []
        for j1, e in enumerate(encodes):
            if j1 == i1:
                e1 = e
            elif j1 < i1:
                e1 = _avg_pool(e, 2 ** (i1 - j1))
            else:
                e1 = _nearest_up(e, 2 ** (j1 - i1))
            enc_list.append(e1)
        enc1 = jnp.stack(enc_list, axis=0)  # (s, b, hi, wi, c)
        zsoft, zidx = _match(enc1, cbs[0])  # (s,b,hi,wi,K), (s,b,hi,wi)
        zsoft11 = jnp.max(zsoft, axis=-1)   # (s,b,hi,wi)
        zidx11 = zidx
        # tau == 0 -> no gumbel softmax
        zidx12 = jnp.argmax(zsoft11, axis=0)  # (b,hi,wi)
        zidx1 = jnp.take_along_axis(zidx11, zidx12[None], axis=0)[0]
        idx_e = jnp.broadcast_to(zidx12[None, ..., None], (1,) + zidx12.shape + (enc1.shape[-1],))
        encode1 = jnp.take_along_axis(enc1, idx_e, axis=0)[0]
        quant1 = jnp.take(cbs[0], zidx1, axis=0)
        zidx1s.append(zidx1)
        encode1s.append(encode1)
        quant1s.append(quant1)
    zidx2s, encode2s, quant2s = [], [], []
    for i2 in range(s):
        zsoft2, zidx2 = _match(encodes[i2], cbs[1 + i2])
        quant2 = jnp.take(cbs[1 + i2], zidx2, axis=0)
        zidx2s.append(zidx2)
        encode2s.append(encodes[i2])
        quant2s.append(quant2)
    zidxs = [jnp.stack([u, v], axis=-1) for u, v in zip(zidx1s, zidx2s)]
    encs = [(u + v) / 2 for u, v in zip(encode1s, encode2s)]
    qts = [(u + v) / 2 for u, v in zip(quant1s, quant2s)]
    return zidxs, encs, qts


def _forward(inp, cbs):
    b, c, h, w = inp.shape
    inputs = [inp] + [jax.image.resize(inp, (b, c, h // (2 ** i), w // (2 ** i)), method='bilinear') for i in range(1, NUM_SCALE)]
    encodes = inputs  # identity encoder (encode=None -> identity), project=None
    encodes_ = [jnp.transpose(e, (0, 2, 3, 1)) for e in encodes]
    zidxs_, encs_, qts_ = _ms_fuse(cbs, encodes_)
    # alpha == 0 -> residuals_ = quants_; straight-through estimator
    stes_ = [e + jax.lax.stop_gradient(q - e) for e, q in zip(encs_, qts_)]
    zidx0 = jnp.transpose(zidxs_[0], (0, 3, 1, 2))   # (b, 2, h, w)
    quant0 = jnp.transpose(stes_[0], (0, 3, 1, 2))   # (b, c, h, w)
    return encodes[0], zidx0, quant0


def setup_inputs(seed: int = 0):
    key = jax.random.key(seed)
    ks = jax.random.split(key, 5)
    inp = jax.random.normal(ks[0], (4, C, 32, 32), dtype=jnp.float32)
    out = {'input': inp}
    for i in range(4):
        out['cb%d' % i] = jax.random.normal(ks[1 + i], (K, C), dtype=jnp.float32) * 0.5
    return out


def reference(input, cb0, cb1, cb2, cb3):
    # decode=None, retr=True, eaq=False -> (encodes[0], zidxs[0], quants[0]); Nones dropped
    return _forward(input, [cb0, cb1, cb2, cb3])

if __name__ == "__main__":
    import jax
    _d = setup_inputs()
    print(jax.jit(kernel)(*tuple(_d.values())))

</pallas_src>

<mosaic_0001>
#map = affine_map<(d0, d1) -> (0)>
#map1 = affine_map<(d0, d1) -> (0, 0)>
module attributes {stable_mosaic.version = 14 : i64} {
  func.func @_sc_body(%arg0: i32, %arg1: i32, %arg2: memref<4096xi32, #tpu.memory_space<hbm>>, %arg3: memref<4096xi32, #tpu.memory_space<hbm>>, %arg4: memref<1024x256xf32, #tpu.memory_space<hbm>>, %arg5: memref<1024x256xf32, #tpu.memory_space<hbm>>, %arg6: memref<4096x256xf32, #tpu.memory_space<hbm>>, %arg7: memref<128xi32, #tpu.memory_space<vmem>>, %arg8: memref<128xi32, #tpu.memory_space<vmem>>, %arg9: memref<128x256xf32, #tpu.memory_space<vmem>>, %arg10: memref<128x256xf32, #tpu.memory_space<vmem>>, %arg11: memref<!tpu.dma_semaphore, #tpu.memory_space<semaphore_mem>>, %arg12: memref<!tpu.dma_semaphore, #tpu.memory_space<semaphore_mem>>) attributes {dimension_semantics = [#tpu.dimension_semantics<core_parallel>, #tpu.dimension_semantics<subcore_parallel>], iteration_bounds = array<i64: 2, 16>, scalar_prefetch = 0 : i64, scratch_operands = 6 : i64, tpu.core_type = #tpu.core_type<sc_vector_subcore>, window_params = [{transform_indices = #map}, {transform_indices = #map}, {transform_indices = #map1}, {transform_indices = #map1}, {transform_indices = #map1}]} {
    %mul3A = arith.constant 2 : i32
    %mul3A_0 = arith.muli %arg1, %mul3A : i32
    %add3A = arith.addi %mul3A_0, %arg0 : i32
    %mul3A_1 = arith.constant 128 : i32
    %mul3A_2 = arith.muli %add3A, %mul3A_1 : i32
    "tpu.region"() ({
      %run_scoped3A = tpu.sem_alloc : memref<!tpu.dma_semaphore, #tpu.memory_space<semaphore_mem>>
      %dma_start3A_15 = tpu.memref_slice %arg2[%mul3A_2] : memref<4096xi32, #tpu.memory_space<hbm>> -> memref<128xi32, #tpu.memory_space<hbm>>
      %dma_start3A_16 = tpu.memref_slice %arg2[%mul3A_2] : memref<4096xi32, #tpu.memory_space<hbm>> -> memref<128xi32, #tpu.memory_space<hbm>>
      tpu.enqueue_dma source(%dma_start3A_16 : memref<128xi32, #tpu.memory_space<hbm>>) target(%arg7 : memref<128xi32, #tpu.memory_space<vmem>>) target_semaphore(%run_scoped3A : memref<!tpu.dma_semaphore, #tpu.memory_space<semaphore_mem>>)
      %dma_wait3A_17 = tpu.memref_slice %arg2[%mul3A_2] : memref<4096xi32, #tpu.memory_space<hbm>> -> memref<128xi32, #tpu.memory_space<hbm>>
      %dma_wait3A_18 = tpu.memref_slice %arg2[%mul3A_2] : memref<4096xi32, #tpu.memory_space<hbm>> -> memref<128xi32, #tpu.memory_space<hbm>>
      tpu.wait_dma2 semaphore(%run_scoped3A : memref<!tpu.dma_semaphore, #tpu.memory_space<semaphore_mem>>) src(%dma_wait3A_18 : memref<128xi32, #tpu.memory_space<hbm>>) dst(%arg7 : memref<128xi32, #tpu.memory_space<vmem>>)
      tpu.yield
    }) : () -> ()
    %dma_start3A = arith.constant 0 : i32
    %dma_start3A_3 = arith.constant 0 : i32
    %dma_start3A_4 = tpu.memref_slice %arg4[%dma_start3A, %dma_start3A_3] : memref<1024x256xf32, #tpu.memory_space<hbm>> -> memref<1024x256xf32, #tpu.memory_space<hbm>>
    tpu.enqueue_indirect_dma source(%dma_start3A_4 : memref<1024x256xf32, #tpu.memory_space<hbm>>) target(%arg9 : memref<128x256xf32, #tpu.memory_space<vmem>>) offsets(%arg7 : memref<128xi32, #tpu.memory_space<vmem>>) semaphore(%arg11 : memref<!tpu.dma_semaphore, #tpu.memory_space<semaphore_mem>>)
    "tpu.region"() ({
      %run_scoped3A = tpu.sem_alloc : memref<!tpu.dma_semaphore, #tpu.memory_space<semaphore_mem>>
      %dma_start3A_15 = tpu.memref_slice %arg3[%mul3A_2] : memref<4096xi32, #tpu.memory_space<hbm>> -> memref<128xi32, #tpu.memory_space<hbm>>
      %dma_start3A_16 = tpu.memref_slice %arg3[%mul3A_2] : memref<4096xi32, #tpu.memory_space<hbm>> -> memref<128xi32, #tpu.memory_space<hbm>>
      tpu.enqueue_dma source(%dma_start3A_16 : memref<128xi32, #tpu.memory_space<hbm>>) target(%arg8 : memref<128xi32, #tpu.memory_space<vmem>>) target_semaphore(%run_scoped3A : memref<!tpu.dma_semaphore, #tpu.memory_space<semaphore_mem>>)
      %dma_wait3A_17 = tpu.memref_slice %arg3[%mul3A_2] : memref<4096xi32, #tpu.memory_space<hbm>> -> memref<128xi32, #tpu.memory_space<hbm>>
      %dma_wait3A_18 = tpu.memref_slice %arg3[%mul3A_2] : memref<4096xi32, #tpu.memory_space<hbm>> -> memref<128xi32, #tpu.memory_space<hbm>>
      tpu.wait_dma2 semaphore(%run_scoped3A : memref<!tpu.dma_semaphore, #tpu.memory_space<semaphore_mem>>) src(%dma_wait3A_18 : memref<128xi32, #tpu.memory_space<hbm>>) dst(%arg8 : memref<128xi32, #tpu.memory_space<vmem>>)
      tpu.yield
    }) : () -> ()
    %dma_start3A_5 = arith.constant 0 : i32
    %dma_start3A_6 = arith.constant 0 : i32
    %dma_start3A_7 = tpu.memref_slice %arg5[%dma_start3A_5, %dma_start3A_6] : memref<1024x256xf32, #tpu.memory_space<hbm>> -> memref<1024x256xf32, #tpu.memory_space<hbm>>
    tpu.enqueue_indirect_dma source(%dma_start3A_7 : memref<1024x256xf32, #tpu.memory_space<hbm>>) target(%arg10 : memref<128x256xf32, #tpu.memory_space<vmem>>) offsets(%arg8 : memref<128xi32, #tpu.memory_space<vmem>>) semaphore(%arg12 : memref<!tpu.dma_semaphore, #tpu.memory_space<semaphore_mem>>)
    %dma_wait3A = arith.constant 0 : i32
    %dma_wait3A_8 = arith.constant 0 : i32
    %dma_wait3A_9 = tpu.memref_slice %arg4[%dma_wait3A, %dma_wait3A_8] : memref<1024x256xf32, #tpu.memory_space<hbm>> -> memref<1024x256xf32, #tpu.memory_space<hbm>>
    tpu.wait_indirect_dma semaphore(%arg11 : memref<!tpu.dma_semaphore, #tpu.memory_space<semaphore_mem>>) src(%dma_wait3A_9 : memref<1024x256xf32, #tpu.memory_space<hbm>>) dst(%arg9 : memref<128x256xf32, #tpu.memory_space<vmem>>)
    %dma_wait3A_10 = arith.constant 0 : i32
    %dma_wait3A_11 = arith.constant 0 : i32
    %dma_wait3A_12 = tpu.memref_slice %arg5[%dma_wait3A_10, %dma_wait3A_11] : memref<1024x256xf32, #tpu.memory_space<hbm>> -> memref<1024x256xf32, #tpu.memory_space<hbm>>
    tpu.wait_indirect_dma semaphore(%arg12 : memref<!tpu.dma_semaphore, #tpu.memory_space<semaphore_mem>>) src(%dma_wait3A_12 : memref<1024x256xf32, #tpu.memory_space<hbm>>) dst(%arg10 : memref<128x256xf32, #tpu.memory_space<vmem>>)
    %parallel_loop3A = arith.constant 0 : i32
    %parallel_loop3A_13 = arith.constant 128 : i32
    %parallel_loop3A_14 = arith.constant 1 : i32
    scf.for %parallel_loop3A_15 = %parallel_loop3A to %parallel_loop3A_13 step %parallel_loop3A_14  : i32 {
      %parallel_loop3A_16 = arith.index_cast %parallel_loop3A_15 : i32 to index
      %parallel_loop3A_17 = arith.constant 0 : index
      %parallel_loop3A_18 = tpu.vector_load %arg9[%parallel_loop3A_16, %parallel_loop3A_17] {strides = array<i32>} : memref<128x256xf32, #tpu.memory_space<vmem>>, vector<1x16xf32>,
      %parallel_loop3A_19 = vector.shape_cast %parallel_loop3A_18 : vector<1x16xf32> to vector<16xf32>
      %parallel_loop3A_20 = arith.index_cast %parallel_loop3A_15 : i32 to index
      %parallel_loop3A_21 = arith.constant 0 : index
      %parallel_loop3A_22 = tpu.vector_load %arg10[%parallel_loop3A_20, %parallel_loop3A_21] {strides = array<i32>} : memref<128x256xf32, #tpu.memory_space<vmem>>, vector<1x16xf32>,
      %parallel_loop3A_23 = vector.shape_cast %parallel_loop3A_22 : vector<1x16xf32> to vector<16xf32>
      %parallel_loop3A_24 = arith.addf %parallel_loop3A_19, %parallel_loop3A_23 : vector<16xf32>
      %parallel_loop3A_25 = arith.constant 5.000000e-01 : f32
      %parallel_loop3A_26 = vector.broadcast %parallel_loop3A_25 : f32 to vector<16xf32>
      %parallel_loop3A_27 = arith.mulf %parallel_loop3A_24, %parallel_loop3A_26 : vector<16xf32>
      %parallel_loop3A_28 = arith.index_cast %parallel_loop3A_15 : i32 to index
      %parallel_loop3A_29 = arith.constant 0 : index
      %parallel_loop3A_30 = tpu.vector_load %arg9[%parallel_loop3A_28, %parallel_loop3A_29] {strides = array<i32>} : memref<128x256xf32, #tpu.memory_space<vmem>>, vector<1x16xf32>,
      %parallel_loop3A_31 = vector.shape_cast %parallel_loop3A_30 : vector<1x16xf32> to vector<16xf32>
      %parallel_loop3A_32 = vector.shape_cast %parallel_loop3A_27 : vector<16xf32> to vector<1x16xf32>
      tpu.vector_store %arg9[%parallel_loop3A_28, %parallel_loop3A_29], %parallel_loop3A_32 {strides = array<i32>} : memref<128x256xf32, #tpu.memory_space<vmem>>, vector<1x16xf32>,
      %parallel_loop3A_33 = arith.index_cast %parallel_loop3A_15 : i32 to index
      %parallel_loop3A_34 = arith.constant 16 : index
      %parallel_loop3A_35 = tpu.vector_load %arg9[%parallel_loop3A_33, %parallel_loop3A_34] {strides = array<i32>} : memref<128x256xf32, #tpu.memory_space<vmem>>, vector<1x16xf32>,
      %parallel_loop3A_36 = vector.shape_cast %parallel_loop3A_35 : vector<1x16xf32> to vector<16xf32>
      %parallel_loop3A_37 = arith.index_cast %parallel_loop3A_15 : i32 to index
      %parallel_loop3A_38 = arith.constant 16 : index
      %parallel_loop3A_39 = tpu.vector_load %arg10[%parallel_loop3A_37, %parallel_loop3A_38] {strides = array<i32>} : memref<128x256xf32, #tpu.memory_space<vmem>>, vector<1x16xf32>,
      %parallel_loop3A_40 = vector.shape_cast %parallel_loop3A_39 : vector<1x16xf32> to vector<16xf32>
      %parallel_loop3A_41 = arith.addf %parallel_loop3A_36, %parallel_loop3A_40 : vector<16xf32>
      %parallel_loop3A_42 = arith.constant 5.000000e-01 : f32
      %parallel_loop3A_43 = vector.broadcast %parallel_loop3A_42 : f32 to vector<16xf32>
      %parallel_loop3A_44 = arith.mulf %parallel_loop3A_41, %parallel_loop3A_43 : vector<16xf32>
      %parallel_loop3A_45 = arith.index_cast %parallel_loop3A_15 : i32 to index
      %parallel_loop3A_46 = arith.constant 16 : index
      %parallel_loop3A_47 = tpu.vector_load %arg9[%parallel_loop3A_45, %parallel_loop3A_46] {strides = array<i32>} : memref<128x256xf32, #tpu.memory_space<vmem>>, vector<1x16xf32>,
      %parallel_loop3A_48 = vector.shape_cast %parallel_loop3A_47 : vector<1x16xf32> to vector<16xf32>
      %parallel_loop3A_49 = vector.shape_cast %parallel_loop3A_44 : vector<16xf32> to vector<1x16xf32>
      tpu.vector_store %arg9[%parallel_loop3A_45, %parallel_loop3A_46], %parallel_loop3A_49 {strides = array<i32>} : memref<128x256xf32, #tpu.memory_space<vmem>>, vector<1x16xf32>,
      %parallel_loop3A_50 = arith.index_cast %parallel_loop3A_15 : i32 to index
      %parallel_loop3A_51 = arith.constant 32 : index
      %parallel_loop3A_52 = tpu.vector_load %arg9[%parallel_loop3A_50, %parallel_loop3A_51] {strides = array<i32>} : memref<128x256xf32, #tpu.memory_space<vmem>>, vector<1x16xf32>,
      %parallel_loop3A_53 = vector.shape_cast %parallel_loop3A_52 : vector<1x16xf32> to vector<16xf32>
      %parallel_loop3A_54 = arith.index_cast %parallel_loop3A_15 : i32 to index
      %parallel_loop3A_55 = arith.constant 32 : index
      %parallel_loop3A_56 = tpu.vector_load %arg10[%parallel_loop3A_54, %parallel_loop3A_55] {strides = array<i32>} : memref<128x256xf32, #tpu.memory_space<vmem>>, vector<1x16xf32>,
      %parallel_loop3A_57 = vector.shape_cast %parallel_loop3A_56 : vector<1x16xf32> to vector<16xf32>
      %parallel_loop3A_58 = arith.addf %parallel_loop3A_53, %parallel_loop3A_57 : vector<16xf32>
      %parallel_loop3A_59 = arith.constant 5.000000e-01 : f32
      %parallel_loop3A_60 = vector.broadcast %parallel_loop3A_59 : f32 to vector<16xf32>
      %parallel_loop3A_61 = arith.mulf %parallel_loop3A_58, %parallel_loop3A_60 : vector<16xf32>
      %parallel_loop3A_62 = arith.index_cast %parallel_loop3A_15 : i32 to index
      %parallel_loop3A_63 = arith.constant 32 : index
      %parallel_loop3A_64 = tpu.vector_load %arg9[%parallel_loop3A_62, %parallel_loop3A_63] {strides = array<i32>} : memref<128x256xf32, #tpu.memory_space<vmem>>, vector<1x16xf32>,
      %parallel_loop3A_65 = vector.shape_cast %parallel_loop3A_64 : vector<1x16xf32> to vector<16xf32>
      %parallel_loop3A_66 = vector.shape_cast %parallel_loop3A_61 : vector<16xf32> to vector<1x16xf32>
      tpu.vector_store %arg9[%parallel_loop3A_62, %parallel_loop3A_63], %parallel_loop3A_66 {strides = array<i32>} : memref<128x256xf32, #tpu.memory_space<vmem>>, vector<1x16xf32>,
      %parallel_loop3A_67 = arith.index_cast %parallel_loop3A_15 : i32 to index
      %parallel_loop3A_68 = arith.constant 48 : index
      %parallel_loop3A_69 = tpu.vector_load %arg9[%parallel_loop3A_67, %parallel_loop3A_68] {strides = array<i32>} : memref<128x256xf32, #tpu.memory_space<vmem>>, vector<1x16xf32>,
      %parallel_loop3A_70 = vector.shape_cast %parallel_loop3A_69 : vector<1x16xf32> to vector<16xf32>
      %parallel_loop3A_71 = arith.index_cast %parallel_loop3A_15 : i32 to index
      %parallel_loop3A_72 = arith.constant 48 : index
      %parallel_loop3A_73 = tpu.vector_load %arg10[%parallel_loop3A_71, %parallel_loop3A_72] {strides = array<i32>} : memref<128x256xf32, #tpu.memory_space<vmem>>, vector<1x16xf32>,
      %parallel_loop3A_74 = vector.shape_cast %parallel_loop3A_73 : vector<1x16xf32> to vector<16xf32>
      %parallel_loop3A_75 = arith.addf %parallel_loop3A_70, %parallel_loop3A_74 : vector<16xf32>
      %parallel_loop3A_76 = arith.constant 5.000000e-01 : f32
      %parallel_loop3A_77 = vector.broadcast %parallel_loop3A_76 : f32 to vector<16xf32>
      %parallel_loop3A_78 = arith.mulf %parallel_loop3A_75, %parallel_loop3A_77 : vector<16xf32>
      %parallel_loop3A_79 = arith.index_cast %parallel_loop3A_15 : i32 to index
      %parallel_loop3A_80 = arith.constant 48 : index
      %parallel_loop3A_81 = tpu.vector_load %arg9[%parallel_loop3A_79, %parallel_loop3A_80] {strides = array<i32>} : memref<128x256xf32, #tpu.memory_space<vmem>>, vector<1x16xf32>,
      %parallel_loop3A_82 = vector.shape_cast %parallel_loop3A_81 : vector<1x16xf32> to vector<16xf32>
      %parallel_loop3A_83 = vector.shape_cast %parallel_loop3A_78 : vector<16xf32> to vector<1x16xf32>
      tpu.vector_store %arg9[%parallel_loop3A_79, %parallel_loop3A_80], %parallel_loop3A_83 {strides = array<i32>} : memref<128x256xf32, #tpu.memory_space<vmem>>, vector<1x16xf32>,
      %parallel_loop3A_84 = arith.index_cast %parallel_loop3A_15 : i32 to index
      %parallel_loop3A_85 = arith.constant 64 : index
      %parallel_loop3A_86 = tpu.vector_load %arg9[%parallel_loop3A_84, %parallel_loop3A_85] {strides = array<i32>} : memref<128x256xf32, #tpu.memory_space<vmem>>, vector<1x16xf32>,
      %parallel_loop3A_87 = vector.shape_cast %parallel_loop3A_86 : vector<1x16xf32> to vector<16xf32>
      %parallel_loop3A_88 = arith.index_cast %parallel_loop3A_15 : i32 to index
      %parallel_loop3A_89 = arith.constant 64 : index
      %parallel_loop3A_90 = tpu.vector_load %arg10[%parallel_loop3A_88, %parallel_loop3A_89] {strides = array<i32>} : memref<128x256xf32, #tpu.memory_space<vmem>>, vector<1x16xf32>,
      %parallel_loop3A_91 = vector.shape_cast %parallel_loop3A_90 : vector<1x16xf32> to vector<16xf32>
      %parallel_loop3A_92 = arith.addf %parallel_loop3A_87, %parallel_loop3A_91 : vector<16xf32>
      %parallel_loop3A_93 = arith.constant 5.000000e-01 : f32
      %parallel_loop3A_94 = vector.broadcast %parallel_loop3A_93 : f32 to vector<16xf32>
      %parallel_loop3A_95 = arith.mulf %parallel_loop3A_92, %parallel_loop3A_94 : vector<16xf32>
      %parallel_loop3A_96 = arith.index_cast %parallel_loop3A_15 : i32 to index
      %parallel_loop3A_97 = arith.constant 64 : index
      %parallel_loop3A_98 = tpu.vector_load %arg9[%parallel_loop3A_96, %parallel_loop3A_97] {strides = array<i32>} : memref<128x256xf32, #tpu.memory_space<vmem>>, vector<1x16xf32>,
      %parallel_loop3A_99 = vector.shape_cast %parallel_loop3A_98 : vector<1x16xf32> to vector<16xf32>
      %parallel_loop3A_100 = vector.shape_cast %parallel_loop3A_95 : vector<16xf32> to vector<1x16xf32>
      tpu.vector_store %arg9[%parallel_loop3A_96, %parallel_loop3A_97], %parallel_loop3A_100 {strides = array<i32>} : memref<128x256xf32, #tpu.memory_space<vmem>>, vector<1x16xf32>,
      %parallel_loop3A_101 = arith.index_cast %parallel_loop3A_15 : i32 to index
      %parallel_loop3A_102 = arith.constant 80 : index
      %parallel_loop3A_103 = tpu.vector_load %arg9[%parallel_loop3A_101, %parallel_loop3A_102] {strides = array<i32>} : memref<128x256xf32, #tpu.memory_space<vmem>>, vector<1x16xf32>,
      %parallel_loop3A_104 = vector.shape_cast %parallel_loop3A_103 : vector<1x16xf32> to vector<16xf32>
      %parallel_loop3A_105 = arith.index_cast %parallel_loop3A_15 : i32 to index
      %parallel_loop3A_106 = arith.constant 80 : index
      %parallel_loop3A_107 = tpu.vector_load %arg10[%parallel_loop3A_105, %parallel_loop3A_106] {strides = array<i32>} : memref<128x256xf32, #tpu.memory_space<vmem>>, vector<1x16xf32>,
      %parallel_loop3A_108 = vector.shape_cast %parallel_loop3A_107 : vector<1x16xf32> to vector<16xf32>
      %parallel_loop3A_109 = arith.addf %parallel_loop3A_104, %parallel_loop3A_108 : vector<16xf32>
      %parallel_loop3A_110 = arith.constant 5.000000e-01 : f32
      %parallel_loop3A_111 = vector.broadcast %parallel_loop3A_110 : f32 to vector<16xf32>
      %parallel_loop3A_112 = arith.mulf %parallel_loop3A_109, %parallel_loop3A_111 : vector<16xf32>
      %parallel_loop3A_113 = arith.index_cast %parallel_loop3A_15 : i32 to index
      %parallel_loop3A_114 = arith.constant 80 : index
      %parallel_loop3A_115 = tpu.vector_load %arg9[%parallel_loop3A_113, %parallel_loop3A_114] {strides = array<i32>} : memref<128x256xf32, #tpu.memory_space<vmem>>, vector<1x16xf32>,
      %parallel_loop3A_116 = vector.shape_cast %parallel_loop3A_115 : vector<1x16xf32> to vector<16xf32>
      %parallel_loop3A_117 = vector.shape_cast %parallel_loop3A_112 : vector<16xf32> to vector<1x16xf32>
      tpu.vector_store %arg9[%parallel_loop3A_113, %parallel_loop3A_114], %parallel_loop3A_117 {strides = array<i32>} : memref<128x256xf32, #tpu.memory_space<vmem>>, vector<1x16xf32>,
      %parallel_loop3A_118 = arith.index_cast %parallel_loop3A_15 : i32 to index
      %parallel_loop3A_119 = arith.constant 96 : index
      %parallel_loop3A_120 = tpu.vector_load %arg9[%parallel_loop3A_118, %parallel_loop3A_119] {strides = array<i32>} : memref<128x256xf32, #tpu.memory_space<vmem>>, vector<1x16xf32>,
      %parallel_loop3A_121 = vector.shape_cast %parallel_loop3A_120 : vector<1x16xf32> to vector<16xf32>
      %parallel_loop3A_122 = arith.index_cast %parallel_loop3A_15 : i32 to index
      %parallel_loop3A_123 = arith.constant 96 : index
      %parallel_loop3A_124 = tpu.vector_load %arg10[%parallel_loop3A_122, %parallel_loop3A_123] {strides = array<i32>} : memref<128x256xf32, #tpu.memory_space<vmem>>, vector<1x16xf32>,
      %parallel_loop3A_125 = vector.shape_cast %parallel_loop3A_124 : vector<1x16xf32> to vector<16xf32>
      %parallel_loop3A_126 = arith.addf %parallel_loop3A_121, %parallel_loop3A_125 : vector<16xf32>
      %parallel_loop3A_127 = arith.constant 5.000000e-01 : f32
      %parallel_loop3A_128 = vector.broadcast %parallel_loop3A_127 : f32 to vector<16xf32>
      %parallel_loop3A_129 = arith.mulf %parallel_loop3A_126, %parallel_loop3A_128 : vector<16xf32>
      %parallel_loop3A_130 = arith.index_cast %parallel_loop3A_15 : i32 to index
      %parallel_loop3A_131 = arith.constant 96 : index
      %parallel_loop3A_132 = tpu.vector_load %arg9[%parallel_loop3A_130, %parallel_loop3A_131] {strides = array<i32>} : memref<128x256xf32, #tpu.memory_space<vmem>>, vector<1x16xf32>,
      %parallel_loop3A_133 = vector.shape_cast %parallel_loop3A_132 : vector<1x16xf32> to vector<16xf32>
      %parallel_loop3A_134 = vector.shape_cast %parallel_loop3A_129 : vector<16xf32> to vector<1x16xf32>
      tpu.vector_store %arg9[%parallel_loop3A_130, %parallel_loop3A_131], %parallel_loop3A_134 {strides = array<i32>} : memref<128x256xf32, #tpu.memory_space<vmem>>, vector<1x16xf32>,
      %parallel_loop3A_135 = arith.index_cast %parallel_loop3A_15 : i32 to index
      %parallel_loop3A_136 = arith.constant 112 : index
      %parallel_loop3A_137 = tpu.vector_load %arg9[%parallel_loop3A_135, %parallel_loop3A_136] {strides = array<i32>} : memref<128x256xf32, #tpu.memory_space<vmem>>, vector<1x16xf32>,
      %parallel_loop3A_138 = vector.shape_cast %parallel_loop3A_137 : vector<1x16xf32> to vector<16xf32>
      %parallel_loop3A_139 = arith.index_cast %parallel_loop3A_15 : i32 to index
      %parallel_loop3A_140 = arith.constant 112 : index
      %parallel_loop3A_141 = tpu.vector_load %arg10[%parallel_loop3A_139, %parallel_loop3A_140] {strides = array<i32>} : memref<128x256xf32, #tpu.memory_space<vmem>>, vector<1x16xf32>,
      %parallel_loop3A_142 = vector.shape_cast %parallel_loop3A_141 : vector<1x16xf32> to vector<16xf32>
      %parallel_loop3A_143 = arith.addf %parallel_loop3A_138, %parallel_loop3A_142 : vector<16xf32>
      %parallel_loop3A_144 = arith.constant 5.000000e-01 : f32
      %parallel_loop3A_145 = vector.broadcast %parallel_loop3A_144 : f32 to vector<16xf32>
      %parallel_loop3A_146 = arith.mulf %parallel_loop3A_143, %parallel_loop3A_145 : vector<16xf32>
      %parallel_loop3A_147 = arith.index_cast %parallel_loop3A_15 : i32 to index
      %parallel_loop3A_148 = arith.constant 112 : index
      %parallel_loop3A_149 = tpu.vector_load %arg9[%parallel_loop3A_147, %parallel_loop3A_148] {strides = array<i32>} : memref<128x256xf32, #tpu.memory_space<vmem>>, vector<1x16xf32>,
      %parallel_loop3A_150 = vector.shape_cast %parallel_loop3A_149 : vector<1x16xf32> to vector<16xf32>
      %parallel_loop3A_151 = vector.shape_cast %parallel_loop3A_146 : vector<16xf32> to vector<1x16xf32>
      tpu.vector_store %arg9[%parallel_loop3A_147, %parallel_loop3A_148], %parallel_loop3A_151 {strides = array<i32>} : memref<128x256xf32, #tpu.memory_space<vmem>>, vector<1x16xf32>,
      %parallel_loop3A_152 = arith.index_cast %parallel_loop3A_15 : i32 to index
      %parallel_loop3A_153 = arith.constant 128 : index
      %parallel_loop3A_154 = tpu.vector_load %arg9[%parallel_loop3A_152, %parallel_loop3A_153] {strides = array<i32>} : memref<128x256xf32, #tpu.memory_space<vmem>>, vector<1x16xf32>,
      %parallel_loop3A_155 = vector.shape_cast %parallel_loop3A_154 : vector<1x16xf32> to vector<16xf32>
      %parallel_loop3A_156 = arith.index_cast %parallel_loop3A_15 : i32 to index
      %parallel_loop3A_157 = arith.constant 128 : index
      %parallel_loop3A_158 = tpu.vector_load %arg10[%parallel_loop3A_156, %parallel_loop3A_157] {strides = array<i32>} : memref<128x256xf32, #tpu.memory_space<vmem>>, vector<1x16xf32>,
      %parallel_loop3A_159 = vector.shape_cast %parallel_loop3A_158 : vector<1x16xf32> to vector<16xf32>
      %parallel_loop3A_160 = arith.addf %parallel_loop3A_155, %parallel_loop3A_159 : vector<16xf32>
      %parallel_loop3A_161 = arith.constant 5.000000e-01 : f32
      %parallel_loop3A_162 = vector.broadcast %parallel_loop3A_161 : f32 to vector<16xf32>
      %parallel_loop3A_163 = arith.mulf %parallel_loop3A_160, %parallel_loop3A_162 : vector<16xf32>
      %parallel_loop3A_164 = arith.index_cast %parallel_loop3A_15 : i32 to index
      %parallel_loop3A_165 = arith.constant 128 : index
      %parallel_loop3A_166 = tpu.vector_load %arg9[%parallel_loop3A_164, %parallel_loop3A_165] {strides = array<i32>} : memref<128x256xf32, #tpu.memory_space<vmem>>, vector<1x16xf32>,
      %parallel_loop3A_167 = vector.shape_cast %parallel_loop3A_166 : vector<1x16xf32> to vector<16xf32>
      %parallel_loop3A_168 = vector.shape_cast %parallel_loop3A_163 : vector<16xf32> to vector<1x16xf32>
      tpu.vector_store %arg9[%parallel_loop3A_164, %parallel_loop3A_165], %parallel_loop3A_168 {strides = array<i32>} : memref<128x256xf32, #tpu.memory_space<vmem>>, vector<1x16xf32>,
      %parallel_loop3A_169 = arith.index_cast %parallel_loop3A_15 : i32 to index
      %parallel_loop3A_170 = arith.constant 144 : index
      %parallel_loop3A_171 = tpu.vector_load %arg9[%parallel_loop3A_169, %parallel_loop3A_170] {strides = array<i32>} : memref<128x256xf32, #tpu.memory_space<vmem>>, vector<1x16xf32>,
      %parallel_loop3A_172 = vector.shape_cast %parallel_loop3A_171 : vector<1x16xf32> to vector<16xf32>
      %parallel_loop3A_173 = arith.index_cast %parallel_loop3A_15 : i32 to index
      %parallel_loop3A_174 = arith.constant 144 : index
      %parallel_loop3A_175 = tpu.vector_load %arg10[%parallel_loop3A_173, %parallel_loop3A_174] {strides = array<i32>} : memref<128x256xf32, #tpu.memory_space<vmem>>, vector<1x16xf32>,
      %parallel_loop3A_176 = vector.shape_cast %parallel_loop3A_175 : vector<1x16xf32> to vector<16xf32>
      %parallel_loop3A_177 = arith.addf %parallel_loop3A_172, %parallel_loop3A_176 : vector<16xf32>
      %parallel_loop3A_178 = arith.constant 5.000000e-01 : f32
      %parallel_loop3A_179 = vector.broadcast %parallel_loop3A_178 : f32 to vector<16xf32>
      %parallel_loop3A_180 = arith.mulf %parallel_loop3A_177, %parallel_loop3A_179 : vector<16xf32>
      %parallel_loop3A_181 = arith.index_cast %parallel_loop3A_15 : i32 to index
      %parallel_loop3A_182 = arith.constant 144 : index
      %parallel_loop3A_183 = tpu.vector_load %arg9[%parallel_loop3A_181, %parallel_loop3A_182] {strides = array<i32>} : memref<128x256xf32, #tpu.memory_space<vmem>>, vector<1x16xf32>,
      %parallel_loop3A_184 = vector.shape_cast %parallel_loop3A_183 : vector<1x16xf32> to vector<16xf32>
      %parallel_loop3A_185 = vector.shape_cast %parallel_loop3A_180 : vector<16xf32> to vector<1x16xf32>
      tpu.vector_store %arg9[%parallel_loop3A_181, %parallel_loop3A_182], %parallel_loop3A_185 {strides = array<i32>} : memref<128x256xf32, #tpu.memory_space<vmem>>, vector<1x16xf32>,
      %parallel_loop3A_186 = arith.index_cast %parallel_loop3A_15 : i32 to index
      %parallel_loop3A_187 = arith.constant 160 : index
      %parallel_loop3A_188 = tpu.vector_load %arg9[%parallel_loop3A_186, %parallel_loop3A_187] {strides = array<i32>} : memref<128x256xf32, #tpu.memory_space<vmem>>, vector<1x16xf32>,
      %parallel_loop3A_189 = vector.shape_cast %parallel_loop3A_188 : vector<1x16xf32> to vector<16xf32>
      %parallel_loop3A_190 = arith.index_cast %parallel_loop3A_15 : i32 to index
      %parallel_loop3A_191 = arith.constant 160 : index
      %parallel_loop3A_192 = tpu.vector_load %arg10[%parallel_loop3A_190, %parallel_loop3A_191] {strides = array<i32>} : memref<128x256xf32, #tpu.memory_space<vmem>>, vector<1x16xf32>,
      %parallel_loop3A_193 = vector.shape_cast %parallel_loop3A_192 : vector<1x16xf32> to vector<16xf32>
      %parallel_loop3A_194 = arith.addf %parallel_loop3A_189, %parallel_loop3A_193 : vector<16xf32>
      %parallel_loop3A_195 = arith.constant 5.000000e-01 : f32
      %parallel_loop3A_196 = vector.broadcast %parallel_loop3A_195 : f32 to vector<16xf32>
      %parallel_loop3A_197 = arith.mulf %parallel_loop3A_194, %parallel_loop3A_196 : vector<16xf32>
      %parallel_loop3A_198 = arith.index_cast %parallel_loop3A_15 : i32 to index
      %parallel_loop3A_199 = arith.constant 160 : index
      %parallel_loop3A_200 = tpu.vector_load %arg9[%parallel_loop3A_198, %parallel_loop3A_199] {strides = array<i32>} : memref<128x256xf32, #tpu.memory_space<vmem>>, vector<1x16xf32>,
      %parallel_loop3A_201 = vector.shape_cast %parallel_loop3A_200 : vector<1x16xf32> to vector<16xf32>
      %parallel_loop3A_202 = vector.shape_cast %parallel_loop3A_197 : vector<16xf32> to vector<1x16xf32>
      tpu.vector_store %arg9[%parallel_loop3A_198, %parallel_loop3A_199], %parallel_loop3A_202 {strides = array<i32>} : memref<128x256xf32, #tpu.memory_space<vmem>>, vector<1x16xf32>,
      %parallel_loop3A_203 = arith.index_cast %parallel_loop3A_15 : i32 to index
      %parallel_loop3A_204 = arith.constant 176 : index
      %parallel_loop3A_205 = tpu.vector_load %arg9[%parallel_loop3A_203, %parallel_loop3A_204] {strides = array<i32>} : memref<128x256xf32, #tpu.memory_space<vmem>>, vector<1x16xf32>,
      %parallel_loop3A_206 = vector.shape_cast %parallel_loop3A_205 : vector<1x16xf32> to vector<16xf32>
      %parallel_loop3A_207 = arith.index_cast %parallel_loop3A_15 : i32 to index
      %parallel_loop3A_208 = arith.constant 176 : index
      %parallel_loop3A_209 = tpu.vector_load %arg10[%parallel_loop3A_207, %parallel_loop3A_208] {strides = array<i32>} : memref<128x256xf32, #tpu.memory_space<vmem>>, vector<1x16xf32>,
      %parallel_loop3A_210 = vector.shape_cast %parallel_loop3A_209 : vector<1x16xf32> to vector<16xf32>
      %parallel_loop3A_211 = arith.addf %parallel_loop3A_206, %parallel_loop3A_210 : vector<16xf32>
      %parallel_loop3A_212 = arith.constant 5.000000e-01 : f32
      %parallel_loop3A_213 = vector.broadcast %parallel_loop3A_212 : f32 to vector<16xf32>
      %parallel_loop3A_214 = arith.mulf %parallel_loop3A_211, %parallel_loop3A_213 : vector<16xf32>
      %parallel_loop3A_215 = arith.index_cast %parallel_loop3A_15 : i32 to index
      %parallel_loop3A_216 = arith.constant 176 : index
      %parallel_loop3A_217 = tpu.vector_load %arg9[%parallel_loop3A_215, %parallel_loop3A_216] {strides = array<i32>} : memref<128x256xf32, #tpu.memory_space<vmem>>, vector<1x16xf32>,
      %parallel_loop3A_218 = vector.shape_cast %parallel_loop3A_217 : vector<1x16xf32> to vector<16xf32>
      %parallel_loop3A_219 = vector.shape_cast %parallel_loop3A_214 : vector<16xf32> to vector<1x16xf32>
      tpu.vector_store %arg9[%parallel_loop3A_215, %parallel_loop3A_216], %parallel_loop3A_219 {strides = array<i32>} : memref<128x256xf32, #tpu.memory_space<vmem>>, vector<1x16xf32>,
      %parallel_loop3A_220 = arith.index_cast %parallel_loop3A_15 : i32 to index
      %parallel_loop3A_221 = arith.constant 192 : index
      %parallel_loop3A_222 = tpu.vector_load %arg9[%parallel_loop3A_220, %parallel_loop3A_221] {strides = array<i32>} : memref<128x256xf32, #tpu.memory_space<vmem>>, vector<1x16xf32>,
      %parallel_loop3A_223 = vector.shape_cast %parallel_loop3A_222 : vector<1x16xf32> to vector<16xf32>
      %parallel_loop3A_224 = arith.index_cast %parallel_loop3A_15 : i32 to index
      %parallel_loop3A_225 = arith.constant 192 : index
      %parallel_loop3A_226 = tpu.vector_load %arg10[%parallel_loop3A_224, %parallel_loop3A_225] {strides = array<i32>} : memref<128x256xf32, #tpu.memory_space<vmem>>, vector<1x16xf32>,
      %parallel_loop3A_227 = vector.shape_cast %parallel_loop3A_226 : vector<1x16xf32> to vector<16xf32>
      %parallel_loop3A_228 = arith.addf %parallel_loop3A_223, %parallel_loop3A_227 : vector<16xf32>
      %parallel_loop3A_229 = arith.constant 5.000000e-01 : f32
      %parallel_loop3A_230 = vector.broadcast %parallel_loop3A_229 : f32 to vector<16xf32>
      %parallel_loop3A_231 = arith.mulf %parallel_loop3A_228, %parallel_loop3A_230 : vector<16xf32>
      %parallel_loop3A_232 = arith.index_cast %parallel_loop3A_15 : i32 to index
      %parallel_loop3A_233 = arith.constant 192 : index
      %parallel_loop3A_234 = tpu.vector_load %arg9[%parallel_loop3A_232, %parallel_loop3A_233] {strides = array<i32>} : memref<128x256xf32, #tpu.memory_space<vmem>>, vector<1x16xf32>,
      %parallel_loop3A_235 = vector.shape_cast %parallel_loop3A_234 : vector<1x16xf32> to vector<16xf32>
      %parallel_loop3A_236 = vector.shape_cast %parallel_loop3A_231 : vector<16xf32> to vector<1x16xf32>
      tpu.vector_store %arg9[%parallel_loop3A_232, %parallel_loop3A_233], %parallel_loop3A_236 {strides = array<i32>} : memref<128x256xf32, #tpu.memory_space<vmem>>, vector<1x16xf32>,
      %parallel_loop3A_237 = arith.index_cast %parallel_loop3A_15 : i32 to index
      %parallel_loop3A_238 = arith.constant 208 : index
      %parallel_loop3A_239 = tpu.vector_load %arg9[%parallel_loop3A_237, %parallel_loop3A_238] {strides = array<i32>} : memref<128x256xf32, #tpu.memory_space<vmem>>, vector<1x16xf32>,
      %parallel_loop3A_240 = vector.shape_cast %parallel_loop3A_239 : vector<1x16xf32> to vector<16xf32>
      %parallel_loop3A_241 = arith.index_cast %parallel_loop3A_15 : i32 to index
      %parallel_loop3A_242 = arith.constant 208 : index
      %parallel_loop3A_243 = tpu.vector_load %arg10[%parallel_loop3A_241, %parallel_loop3A_242] {strides = array<i32>} : memref<128x256xf32, #tpu.memory_space<vmem>>, vector<1x16xf32>,
      %parallel_loop3A_244 = vector.shape_cast %parallel_loop3A_243 : vector<1x16xf32> to vector<16xf32>
      %parallel_loop3A_245 = arith.addf %parallel_loop3A_240, %parallel_loop3A_244 : vector<16xf32>
      %parallel_loop3A_246 = arith.constant 5.000000e-01 : f32
      %parallel_loop3A_247 = vector.broadcast %parallel_loop3A_246 : f32 to vector<16xf32>
      %parallel_loop3A_248 = arith.mulf %parallel_loop3A_245, %parallel_loop3A_247 : vector<16xf32>
      %parallel_loop3A_249 = arith.index_cast %parallel_loop3A_15 : i32 to index
      %parallel_loop3A_250 = arith.constant 208 : index
      %parallel_loop3A_251 = tpu.vector_load %arg9[%parallel_loop3A_249, %parallel_loop3A_250] {strides = array<i32>} : memref<128x256xf32, #tpu.memory_space<vmem>>, vector<1x16xf32>,
      %parallel_loop3A_252 = vector.shape_cast %parallel_loop3A_251 : vector<1x16xf32> to vector<16xf32>
      %parallel_loop3A_253 = vector.shape_cast %parallel_loop3A_248 : vector<16xf32> to vector<1x16xf32>
      tpu.vector_store %arg9[%parallel_loop3A_249, %parallel_loop3A_250], %parallel_loop3A_253 {strides = array<i32>} : memref<128x256xf32, #tpu.memory_space<vmem>>, vector<1x16xf32>,
      %parallel_loop3A_254 = arith.index_cast %parallel_loop3A_15 : i32 to index
      %parallel_loop3A_255 = arith.constant 224 : index
      %parallel_loop3A_256 = tpu.vector_load %arg9[%parallel_loop3A_254, %parallel_loop3A_255] {strides = array<i32>} : memref<128x256xf32, #tpu.memory_space<vmem>>, vector<1x16xf32>,
      %parallel_loop3A_257 = vector.shape_cast %parallel_loop3A_256 : vector<1x16xf32> to vector<16xf32>
      %parallel_loop3A_258 = arith.index_cast %parallel_loop3A_15 : i32 to index
      %parallel_loop3A_259 = arith.constant 224 : index
      %parallel_loop3A_260 = tpu.vector_load %arg10[%parallel_loop3A_258, %parallel_loop3A_259] {strides = array<i32>} : memref<128x256xf32, #tpu.memory_space<vmem>>, vector<1x16xf32>,
      %parallel_loop3A_261 = vector.shape_cast %parallel_loop3A_260 : vector<1x16xf32> to vector<16xf32>
      %parallel_loop3A_262 = arith.addf %parallel_loop3A_257, %parallel_loop3A_261 : vector<16xf32>
      %parallel_loop3A_263 = arith.constant 5.000000e-01 : f32
      %parallel_loop3A_264 = vector.broadcast %parallel_loop3A_263 : f32 to vector<16xf32>
      %parallel_loop3A_265 = arith.mulf %parallel_loop3A_262, %parallel_loop3A_264 : vector<16xf32>
      %parallel_loop3A_266 = arith.index_cast %parallel_loop3A_15 : i32 to index
      %parallel_loop3A_267 = arith.constant 224 : index
      %parallel_loop3A_268 = tpu.vector_load %arg9[%parallel_loop3A_266, %parallel_loop3A_267] {strides = array<i32>} : memref<128x256xf32, #tpu.memory_space<vmem>>, vector<1x16xf32>,
      %parallel_loop3A_269 = vector.shape_cast %parallel_loop3A_268 : vector<1x16xf32> to vector<16xf32>
      %parallel_loop3A_270 = vector.shape_cast %parallel_loop3A_265 : vector<16xf32> to vector<1x16xf32>
      tpu.vector_store %arg9[%parallel_loop3A_266, %parallel_loop3A_267], %parallel_loop3A_270 {strides = array<i32>} : memref<128x256xf32, #tpu.memory_space<vmem>>, vector<1x16xf32>,
      %parallel_loop3A_271 = arith.index_cast %parallel_loop3A_15 : i32 to index
      %parallel_loop3A_272 = arith.constant 240 : index
      %parallel_loop3A_273 = tpu.vector_load %arg9[%parallel_loop3A_271, %parallel_loop3A_272] {strides = array<i32>} : memref<128x256xf32, #tpu.memory_space<vmem>>, vector<1x16xf32>,
      %parallel_loop3A_274 = vector.shape_cast %parallel_loop3A_273 : vector<1x16xf32> to vector<16xf32>
      %parallel_loop3A_275 = arith.index_cast %parallel_loop3A_15 : i32 to index
      %parallel_loop3A_276 = arith.constant 240 : index
      %parallel_loop3A_277 = tpu.vector_load %arg10[%parallel_loop3A_275, %parallel_loop3A_276] {strides = array<i32>} : memref<128x256xf32, #tpu.memory_space<vmem>>, vector<1x16xf32>,
      %parallel_loop3A_278 = vector.shape_cast %parallel_loop3A_277 : vector<1x16xf32> to vector<16xf32>
      %parallel_loop3A_279 = arith.addf %parallel_loop3A_274, %parallel_loop3A_278 : vector<16xf32>
      %parallel_loop3A_280 = arith.constant 5.000000e-01 : f32
      %parallel_loop3A_281 = vector.broadcast %parallel_loop3A_280 : f32 to vector<16xf32>
      %parallel_loop3A_282 = arith.mulf %parallel_loop3A_279, %parallel_loop3A_281 : vector<16xf32>
      %parallel_loop3A_283 = arith.index_cast %parallel_loop3A_15 : i32 to index
      %parallel_loop3A_284 = arith.constant 240 : index
      %parallel_loop3A_285 = tpu.vector_load %arg9[%parallel_loop3A_283, %parallel_loop3A_284] {strides = array<i32>} : memref<128x256xf32, #tpu.memory_space<vmem>>, vector<1x16xf32>,
      %parallel_loop3A_286 = vector.shape_cast %parallel_loop3A_285 : vector<1x16xf32> to vector<16xf32>
      %parallel_loop3A_287 = vector.shape_cast %parallel_loop3A_282 : vector<16xf32> to vector<1x16xf32>
      tpu.vector_store %arg9[%parallel_loop3A_283, %parallel_loop3A_284], %parallel_loop3A_287 {strides = array<i32>} : memref<128x256xf32, #tpu.memory_space<vmem>>, vector<1x16xf32>,
    } {sc.loop_unroll_factor = 8 : i64, sc.parallel_access}
    "tpu.region"() ({
      %run_scoped3A = tpu.sem_alloc : memref<!tpu.dma_semaphore, #tpu.memory_space<semaphore_mem>>
      %dma_start3A_15 = arith.constant 0 : i32
      %dma_start3A_16 = tpu.memref_slice %arg6[%mul3A_2, %dma_start3A_15] : memref<4096x256xf32, #tpu.memory_space<hbm>> -> memref<128x256xf32, #tpu.memory_space<hbm>>
      %dma_start3A_17 = arith.constant 0 : i32
      %dma_start3A_18 = tpu.memref_slice %arg6[%mul3A_2, %dma_start3A_17] : memref<4096x256xf32, #tpu.memory_space<hbm>> -> memref<128x256xf32, #tpu.memory_space<hbm>>
      tpu.enqueue_dma source(%arg9 : memref<128x256xf32, #tpu.memory_space<vmem>>) target(%dma_start3A_18 : memref<128x256xf32, #tpu.memory_space<hbm>>) target_semaphore(%run_scoped3A : memref<!tpu.dma_semaphore, #tpu.memory_space<semaphore_mem>>)
      %dma_wait3A_19 = arith.constant 0 : i32
      %dma_wait3A_20 = tpu.memref_slice %arg6[%mul3A_2, %dma_wait3A_19] : memref<4096x256xf32, #tpu.memory_space<hbm>> -> memref<128x256xf32, #tpu.memory_space<hbm>>
      %dma_wait3A_21 = arith.constant 0 : i32
      %dma_wait3A_22 = tpu.memref_slice %arg6[%mul3A_2, %dma_wait3A_21] : memref<4096x256xf32, #tpu.memory_space<hbm>> -> memref<128x256xf32, #tpu.memory_space<hbm>>
      tpu.wait_dma2 semaphore(%run_scoped3A : memref<!tpu.dma_semaphore, #tpu.memory_space<semaphore_mem>>) src(%arg9 : memref<128x256xf32, #tpu.memory_space<vmem>>) dst(%dma_wait3A_22 : memref<128x256xf32, #tpu.memory_space<hbm>>)
      tpu.yield
    }) : () -> ()
    return
  }
}

module attributes {stable_mosaic.version = 14 : i64} {
  func.func @_match_body(%arg0: i32, %arg1: memref<2x256x1024xf32, #tpu.memory_space<vmem>>, %arg2: memref<2x256x256xf32, #tpu.memory_space<vmem>>, %arg3: memref<2x256x64xf32, #tpu.memory_space<vmem>>, %arg4: memref<1024x256xf32, #tpu.memory_space<vmem>>, %arg5: memref<1024x256xf32, #tpu.memory_space<vmem>>, %arg6: memref<1024x1xf32, #tpu.memory_space<vmem>>, %arg7: memref<1024x1xf32, #tpu.memory_space<vmem>>, %arg8: memref<2048xi32, #tpu.memory_space<vmem>>, %arg9: memref<2048xi32, #tpu.memory_space<vmem>>) attributes {dimension_semantics = [#tpu.dimension_semantics<arbitrary>], iteration_bounds = array<i64: 2>, scalar_prefetch = 0 : i64, scratch_operands = 0 : i64, tpu.core_type = #tpu.core_type<tc>, window_params = [{transform_indices = @transform_0, window_bounds = array<i64: 2, 256, 1024>}, {transform_indices = @transform_1, window_bounds = array<i64: 2, 256, 256>}, {transform_indices = @transform_2, window_bounds = array<i64: 2, 256, 64>}, {pipeline_mode = #tpu.pipeline_mode<synchronous>, transform_indices = @transform_3, window_bounds = array<i64: 1024, 256>}, {pipeline_mode = #tpu.pipeline_mode<synchronous>, transform_indices = @transform_4, window_bounds = array<i64: 1024, 256>}, {pipeline_mode = #tpu.pipeline_mode<synchronous>, transform_indices = @transform_5, window_bounds = array<i64: 1024, 1>}, {pipeline_mode = #tpu.pipeline_mode<synchronous>, transform_indices = @transform_6, window_bounds = array<i64: 1024, 1>}, {transform_indices = @transform_7, window_bounds = array<i64: 2048>}, {transform_indices = @transform_8, window_bounds = array<i64: 2048>}]} {
    %get3A = arith.constant 0 : index
    %get3A_0 = arith.constant 0 : index
    %get3A_1 = vector.load %arg6[%get3A, %get3A_0] : memref<1024x1xf32, #tpu.memory_space<vmem>>, vector<1024x1xf32>
    %get3A_2 = arith.constant 0 : index
    %get3A_3 = arith.constant 0 : index
    %get3A_4 = vector.load %arg7[%get3A_2, %get3A_3] : memref<1024x1xf32, #tpu.memory_space<vmem>>, vector<1024x1xf32>
    %get3A_5 = arith.constant 0 : index
    %get3A_6 = arith.constant 0 : index
    %get3A_7 = arith.constant 0 : index
    %get3A_8 = vector.load %arg1[%get3A_5, %get3A_6, %get3A_7] : memref<2x256x1024xf32, #tpu.memory_space<vmem>>, vector<1x256x1024xf32>
    %get3A_9 = vector.shape_cast %get3A_8 : vector<1x256x1024xf32> to vector<256x1024xf32>
    %mul3A = arith.mulf %get3A_9, %get3A_9 : vector<256x1024xf32>
    %slice3A = vector.extract_strided_slice %mul3A {offsets = [0, 0], sizes = [128, 1024], strides = [1, 1]} : vector<256x1024xf32> to vector<128x1024xf32>
    %slice3A_10 = vector.extract_strided_slice %mul3A {offsets = [128, 0], sizes = [128, 1024], strides = [1, 1]} : vector<256x1024xf32> to vector<128x1024xf32>
    %add3A = arith.addf %slice3A, %slice3A_10 : vector<128x1024xf32>
    %slice3A_11 = vector.extract_strided_slice %add3A {offsets = [0, 0], sizes = [64, 1024], strides = [1, 1]} : vector<128x1024xf32> to vector<64x1024xf32>
    %slice3A_12 = vector.extract_strided_slice %add3A {offsets = [64, 0], sizes = [64, 1024], strides = [1, 1]} : vector<128x1024xf32> to vector<64x1024xf32>
    %add3A_13 = arith.addf %slice3A_11, %slice3A_12 : vector<64x1024xf32>
    %slice3A_14 = vector.extract_strided_slice %add3A_13 {offsets = [0, 0], sizes = [32, 1024], strides = [1, 1]} : vector<64x1024xf32> to vector<32x1024xf32>
    %slice3A_15 = vector.extract_strided_slice %add3A_13 {offsets = [32, 0], sizes = [32, 1024], strides = [1, 1]} : vector<64x1024xf32> to vector<32x1024xf32>
    %add3A_16 = arith.addf %slice3A_14, %slice3A_15 : vector<32x1024xf32>
    %slice3A_17 = vector.extract_strided_slice %add3A_16 {offsets = [0, 0], sizes = [16, 1024], strides = [1, 1]} : vector<32x1024xf32> to vector<16x1024xf32>
    %slice3A_18 = vector.extract_strided_slice %add3A_16 {offsets = [16, 0], sizes = [16, 1024], strides = [1, 1]} : vector<32x1024xf32> to vector<16x1024xf32>
    %add3A_19 = arith.addf %slice3A_17, %slice3A_18 : vector<16x1024xf32>
    %slice3A_20 = vector.extract_strided_slice %add3A_19 {offsets = [0, 0], sizes = [8, 1024], strides = [1, 1]} : vector<16x1024xf32> to vector<8x1024xf32>
    %slice3A_21 = vector.extract_strided_slice %add3A_19 {offsets = [8, 0], sizes = [8, 1024], strides = [1, 1]} : vector<16x1024xf32> to vector<8x1024xf32>
    %add3A_22 = arith.addf %slice3A_20, %slice3A_21 : vector<8x1024xf32>
    %slice3A_23 = vector.extract_strided_slice %add3A_22 {offsets = [0, 0], sizes = [4, 1024], strides = [1, 1]} : vector<8x1024xf32> to vector<4x1024xf32>
    %slice3A_24 = vector.extract_strided_slice %add3A_22 {offsets = [4, 0], sizes = [4, 1024], strides = [1, 1]} : vector<8x1024xf32> to vector<4x1024xf32>
    %add3A_25 = arith.addf %slice3A_23, %slice3A_24 : vector<4x1024xf32>
    %slice3A_26 = vector.extract_strided_slice %add3A_25 {offsets = [0, 0], sizes = [2, 1024], strides = [1, 1]} : vector<4x1024xf32> to vector<2x1024xf32>
    %slice3A_27 = vector.extract_strided_slice %add3A_25 {offsets = [2, 0], sizes = [2, 1024], strides = [1, 1]} : vector<4x1024xf32> to vector<2x1024xf32>
    %add3A_28 = arith.addf %slice3A_26, %slice3A_27 : vector<2x1024xf32>
    %slice3A_29 = vector.extract_strided_slice %add3A_28 {offsets = [0, 0], sizes = [1, 1024], strides = [1, 1]} : vector<2x1024xf32> to vector<1x1024xf32>
    %slice3A_30 = vector.extract_strided_slice %add3A_28 {offsets = [1, 0], sizes = [1, 1024], strides = [1, 1]} : vector<2x1024xf32> to vector<1x1024xf32>
    %add3A_31 = arith.addf %slice3A_29, %slice3A_30 : vector<1x1024xf32>
    %get3A_32 = arith.constant 0 : index
    %get3A_33 = arith.constant 0 : index
    %get3A_34 = vector.load %arg4[%get3A_32, %get3A_33] : memref<1024x256xf32, #tpu.memory_space<vmem>>, vector<1024x256xf32>
    %dot_general3A = arith.constant dense<0.000000e+00> : vector<1024x1024xf32>
    %dot_general3A_35 = tpu.matmul %get3A_34, %get3A_9, %dot_general3A {dimension_numbers = #tpu.dot_dimension_numbers<[1], [0], [0], [1], [0, 0, 1, 1], [], []>, transpose_lhs_hint = false} : vector<1024x256xf32>, vector<256x1024xf32>, vector<1024x1024xf32> -> vector<1024x1024xf32>
    %mul3A_36 = arith.constant 2.000000e+00 : f32
    %mul3A_37 = vector.broadcast %mul3A_36 : f32 to vector<1024x1024xf32>
    %mul3A_38 = arith.mulf %mul3A_37, %dot_general3A_35 : vector<1024x1024xf32>
    %sub3A = vector.broadcast %add3A_31 : vector<1x1024xf32> to vector<1024x1024xf32>
    %sub3A_39 = arith.subf %sub3A, %mul3A_38 : vector<1024x1024xf32>
    %add3A_40 = vector.broadcast %get3A_1 : vector<1024x1xf32> to vector<1024x1024xf32>
    %add3A_41 = arith.addf %sub3A_39, %add3A_40 : vector<1024x1024xf32>
    %reduce_min3A = arith.constant dense<0x7F800000> : vector<1024xf32>
    %reduce_min3A_42 = vector.multi_reduction <minimumf>, %add3A_41, %reduce_min3A [0] : vector<1024x1024xf32> to vector<1024xf32>
    %broadcast_in_dim3A = vector.shape_cast %reduce_min3A_42 : vector<1024xf32> to vector<1x1024xf32>
    %iota3A = tpu.iota {dimensions = array<i32: 0>} : vector<1024x1024xi32>
    %convert_element_type3A = arith.sitofp %iota3A : vector<1024x1024xi32> to vector<1024x1024xf32>
    %eq3A = vector.broadcast %broadcast_in_dim3A : vector<1x1024xf32> to vector<1024x1024xf32>
    %eq3A_43 = arith.cmpf oeq, %add3A_41, %eq3A : vector<1024x1024xf32>
    %jit3A = arith.constant 1.024000e+03 : f32
    %broadcast_in_dim3A_44 = vector.broadcast %jit3A : f32 to vector<1024x1024xf32>
    %select_n3A = arith.select %eq3A_43, %convert_element_type3A, %broadcast_in_dim3A_44 : vector<1024x1024xi1>, vector<1024x1024xf32>
    %reduce_min3A_45 = arith.constant dense<0x7F800000> : vector<1024xf32>
    %reduce_min3A_46 = vector.multi_reduction <minimumf>, %select_n3A, %reduce_min3A_45 [0] : vector<1024x1024xf32> to vector<1024xf32>
    %broadcast_in_dim3A_47 = vector.shape_cast %reduce_min3A_46 : vector<1024xf32> to vector<1x1024xf32>
    %sub3A_48 = vector.broadcast %broadcast_in_dim3A : vector<1x1024xf32> to vector<1024x1024xf32>
    %sub3A_49 = arith.subf %sub3A_48, %add3A_41 : vector<1024x1024xf32>
    %exp3A = math.exp %sub3A_49 : vector<1024x1024xf32>
    %reduce_sum3A = arith.constant dense<0.000000e+00> : vector<1024xf32>
    %reduce_sum3A_50 = vector.multi_reduction <add>, %exp3A, %reduce_sum3A [0] : vector<1024x1024xf32> to vector<1024xf32>
    %broadcast_in_dim3A_51 = vector.shape_cast %reduce_sum3A_50 : vector<1024xf32> to vector<1x1024xf32>
    %div3A = arith.constant 1.000000e+00 : f32
    %div3A_52 = vector.broadcast %div3A : f32 to vector<1x1024xf32>
    %div3A_53 = arith.divf %div3A_52, %broadcast_in_dim3A_51 : vector<1x1024xf32>
    %get3A_54 = arith.constant 0 : index
    %get3A_55 = arith.constant 0 : index
    %get3A_56 = arith.constant 0 : index
    %get3A_57 = vector.load %arg2[%get3A_54, %get3A_55, %get3A_56] : memref<2x256x256xf32, #tpu.memory_space<vmem>>, vector<1x256x256xf32>
    %get3A_58 = vector.shape_cast %get3A_57 : vector<1x256x256xf32> to vector<256x256xf32>
    %mul3A_59 = arith.mulf %get3A_58, %get3A_58 : vector<256x256xf32>
    %slice3A_60 = vector.extract_strided_slice %mul3A_59 {offsets = [0, 0], sizes = [128, 256], strides = [1, 1]} : vector<256x256xf32> to vector<128x256xf32>
    %slice3A_61 = vector.extract_strided_slice %mul3A_59 {offsets = [128, 0], sizes = [128, 256], strides = [1, 1]} : vector<256x256xf32> to vector<128x256xf32>
    %add3A_62 = arith.addf %slice3A_60, %slice3A_61 : vector<128x256xf32>
    %slice3A_63 = vector.extract_strided_slice %add3A_62 {offsets = [0, 0], sizes = [64, 256], strides = [1, 1]} : vector<128x256xf32> to vector<64x256xf32>
    %slice3A_64 = vector.extract_strided_slice %add3A_62 {offsets = [64, 0], sizes = [64, 256], strides = [1, 1]} : vector<128x256xf32> to vector<64x256xf32>
    %add3A_65 = arith.addf %slice3A_63, %slice3A_64 : vector<64x256xf32>
    %slice3A_66 = vector.extract_strided_slice %add3A_65 {offsets = [0, 0], sizes = [32, 256], strides = [1, 1]} : vector<64x256xf32> to vector<32x256xf32>
    %slice3A_67 = vector.extract_strided_slice %add3A_65 {offsets = [32, 0], sizes = [32, 256], strides = [1, 1]} : vector<64x256xf32> to vector<32x256xf32>
    %add3A_68 = arith.addf %slice3A_66, %slice3A_67 : vector<32x256xf32>
    %slice3A_69 = vector.extract_strided_slice %add3A_68 {offsets = [0, 0], sizes = [16, 256], strides = [1, 1]} : vector<32x256xf32> to vector<16x256xf32>
    %slice3A_70 = vector.extract_strided_slice %add3A_68 {offsets = [16, 0], sizes = [16, 256], strides = [1, 1]} : vector<32x256xf32> to vector<16x256xf32>
    %add3A_71 = arith.addf %slice3A_69, %slice3A_70 : vector<16x256xf32>
    %slice3A_72 = vector.extract_strided_slice %add3A_71 {offsets = [0, 0], sizes = [8, 256], strides = [1, 1]} : vector<16x256xf32> to vector<8x256xf32>
    %slice3A_73 = vector.extract_strided_slice %add3A_71 {offsets = [8, 0], sizes = [8, 256], strides = [1, 1]} : vector<16x256xf32> to vector<8x256xf32>
    %add3A_74 = arith.addf %slice3A_72, %slice3A_73 : vector<8x256xf32>
    %slice3A_75 = vector.extract_strided_slice %add3A_74 {offsets = [0, 0], sizes = [4, 256], strides = [1, 1]} : vector<8x256xf32> to vector<4x256xf32>
    %slice3A_76 = vector.extract_strided_slice %add3A_74 {offsets = [4, 0], sizes = [4, 256], strides = [1, 1]} : vector<8x256xf32> to vector<4x256xf32>
    %add3A_77 = arith.addf %slice3A_75, %slice3A_76 : vector<4x256xf32>
    %slice3A_78 = vector.extract_strided_slice %add3A_77 {offsets = [0, 0], sizes = [2, 256], strides = [1, 1]} : vector<4x256xf32> to vector<2x256xf32>
    %slice3A_79 = vector.extract_strided_slice %add3A_77 {offsets = [2, 0], sizes = [2, 256], strides = [1, 1]} : vector<4x256xf32> to vector<2x256xf32>
    %add3A_80 = arith.addf %slice3A_78, %slice3A_79 : vector<2x256xf32>
    %slice3A_81 = vector.extract_strided_slice %add3A_80 {offsets = [0, 0], sizes = [1, 256], strides = [1, 1]} : vector<2x256xf32> to vector<1x256xf32>
    %slice3A_82 = vector.extract_strided_slice %add3A_80 {offsets = [1, 0], sizes = [1, 256], strides = [1, 1]} : vector<2x256xf32> to vector<1x256xf32>
    %add3A_83 = arith.addf %slice3A_81, %slice3A_82 : vector<1x256xf32>
    %get3A_84 = arith.constant 0 : index
    %get3A_85 = arith.constant 0 : index
    %get3A_86 = vector.load %arg4[%get3A_84, %get3A_85] : memref<1024x256xf32, #tpu.memory_space<vmem>>, vector<1024x256xf32>
    %dot_general3A_87 = arith.constant dense<0.000000e+00> : vector<1024x256xf32>
    %dot_general3A_88 = tpu.matmul %get3A_86, %get3A_58, %dot_general3A_87 {dimension_numbers = #tpu.dot_dimension_numbers<[1], [0], [0], [1], [0, 0, 1, 1], [], []>, transpose_lhs_hint = false} : vector<1024x256xf32>, vector<256x256xf32>, vector<1024x256xf32> -> vector<1024x256xf32>
    %mul3A_89 = arith.constant 2.000000e+00 : f32
    %mul3A_90 = vector.broadcast %mul3A_89 : f32 to vector<1024x256xf32>
    %mul3A_91 = arith.mulf %mul3A_90, %dot_general3A_88 : vector<1024x256xf32>
    %sub3A_92 = vector.broadcast %add3A_83 : vector<1x256xf32> to vector<1024x256xf32>
    %sub3A_93 = arith.subf %sub3A_92, %mul3A_91 : vector<1024x256xf32>
    %add3A_94 = vector.broadcast %get3A_1 : vector<1024x1xf32> to vector<1024x256xf32>
    %add3A_95 = arith.addf %sub3A_93, %add3A_94 : vector<1024x256xf32>
    %reduce_min3A_96 = arith.constant dense<0x7F800000> : vector<256xf32>
    %reduce_min3A_97 = vector.multi_reduction <minimumf>, %add3A_95, %reduce_min3A_96 [0] : vector<1024x256xf32> to vector<256xf32>
    %broadcast_in_dim3A_98 = vector.shape_cast %reduce_min3A_97 : vector<256xf32> to vector<1x256xf32>
    %iota3A_99 = tpu.iota {dimensions = array<i32: 0>} : vector<1024x256xi32>
    %convert_element_type3A_100 = arith.sitofp %iota3A_99 : vector<1024x256xi32> to vector<1024x256xf32>
    %eq3A_101 = vector.broadcast %broadcast_in_dim3A_98 : vector<1x256xf32> to vector<1024x256xf32>
    %eq3A_102 = arith.cmpf oeq, %add3A_95, %eq3A_101 : vector<1024x256xf32>
    %jit3A_103 = arith.constant 1.024000e+03 : f32
    %broadcast_in_dim3A_104 = vector.broadcast %jit3A_103 : f32 to vector<1024x256xf32>
    %select_n3A_105 = arith.select %eq3A_102, %convert_element_type3A_100, %broadcast_in_dim3A_104 : vector<1024x256xi1>, vector<1024x256xf32>
    %reduce_min3A_106 = arith.constant dense<0x7F800000> : vector<256xf32>
    %reduce_min3A_107 = vector.multi_reduction <minimumf>, %select_n3A_105, %reduce_min3A_106 [0] : vector<1024x256xf32> to vector<256xf32>
    %broadcast_in_dim3A_108 = vector.shape_cast %reduce_min3A_107 : vector<256xf32> to vector<1x256xf32>
    %sub3A_109 = vector.broadcast %broadcast_in_dim3A_98 : vector<1x256xf32> to vector<1024x256xf32>
    %sub3A_110 = arith.subf %sub3A_109, %add3A_95 : vector<1024x256xf32>
    %exp3A_111 = math.exp %sub3A_110 : vector<1024x256xf32>
    %reduce_sum3A_112 = arith.constant dense<0.000000e+00> : vector<256xf32>
    %reduce_sum3A_113 = vector.multi_reduction <add>, %exp3A_111, %reduce_sum3A_112 [0] : vector<1024x256xf32> to vector<256xf32>
    %broadcast_in_dim3A_114 = vector.shape_cast %reduce_sum3A_113 : vector<256xf32> to vector<1x256xf32>
    %div3A_115 = arith.constant 1.000000e+00 : f32
    %div3A_116 = vector.broadcast %div3A_115 : f32 to vector<1x256xf32>
    %div3A_117 = arith.divf %div3A_116, %broadcast_in_dim3A_114 : vector<1x256xf32>
    %get3A_118 = arith.constant 0 : index
    %get3A_119 = arith.constant 0 : index
    %get3A_120 = arith.constant 0 : index
    %get3A_121 = vector.load %arg3[%get3A_118, %get3A_119, %get3A_120] : memref<2x256x64xf32, #tpu.memory_space<vmem>>, vector<1x256x64xf32>
    %get3A_122 = vector.shape_cast %get3A_121 : vector<1x256x64xf32> to vector<256x64xf32>
    %mul3A_123 = arith.mulf %get3A_122, %get3A_122 : vector<256x64xf32>
    %slice3A_124 = vector.extract_strided_slice %mul3A_123 {offsets = [0, 0], sizes = [128, 64], strides = [1, 1]} : vector<256x64xf32> to vector<128x64xf32>
    %slice3A_125 = vector.extract_strided_slice %mul3A_123 {offsets = [128, 0], sizes = [128, 64], strides = [1, 1]} : vector<256x64xf32> to vector<128x64xf32>
    %add3A_126 = arith.addf %slice3A_124, %slice3A_125 : vector<128x64xf32>
    %slice3A_127 = vector.extract_strided_slice %add3A_126 {offsets = [0, 0], sizes = [64, 64], strides = [1, 1]} : vector<128x64xf32> to vector<64x64xf32>
    %slice3A_128 = vector.extract_strided_slice %add3A_126 {offsets = [64, 0], sizes = [64, 64], strides = [1, 1]} : vector<128x64xf32> to vector<64x64xf32>
    %add3A_129 = arith.addf %slice3A_127, %slice3A_128 : vector<64x64xf32>
    %slice3A_130 = vector.extract_strided_slice %add3A_129 {offsets = [0, 0], sizes = [32, 64], strides = [1, 1]} : vector<64x64xf32> to vector<32x64xf32>
    %slice3A_131 = vector.extract_strided_slice %add3A_129 {offsets = [32, 0], sizes = [32, 64], strides = [1, 1]} : vector<64x64xf32> to vector<32x64xf32>
    %add3A_132 = arith.addf %slice3A_130, %slice3A_131 : vector<32x64xf32>
    %slice3A_133 = vector.extract_strided_slice %add3A_132 {offsets = [0, 0], sizes = [16, 64], strides = [1, 1]} : vector<32x64xf32> to vector<16x64xf32>
    %slice3A_134 = vector.extract_strided_slice %add3A_132 {offsets = [16, 0], sizes = [16, 64], strides = [1, 1]} : vector<32x64xf32> to vector<16x64xf32>
    %add3A_135 = arith.addf %slice3A_133, %slice3A_134 : vector<16x64xf32>
    %slice3A_136 = vector.extract_strided_slice %add3A_135 {offsets = [0, 0], sizes = [8, 64], strides = [1, 1]} : vector<16x64xf32> to vector<8x64xf32>
    %slice3A_137 = vector.extract_strided_slice %add3A_135 {offsets = [8, 0], sizes = [8, 64], strides = [1, 1]} : vector<16x64xf32> to vector<8x64xf32>
    %add3A_138 = arith.addf %slice3A_136, %slice3A_137 : vector<8x64xf32>
    %slice3A_139 = vector.extract_strided_slice %add3A_138 {offsets = [0, 0], sizes = [4, 64], strides = [1, 1]} : vector<8x64xf32> to vector<4x64xf32>
    %slice3A_140 = vector.extract_strided_slice %add3A_138 {offsets = [4, 0], sizes = [4, 64], strides = [1, 1]} : vector<8x64xf32> to vector<4x64xf32>
    %add3A_141 = arith.addf %slice3A_139, %slice3A_140 : vector<4x64xf32>
    %slice3A_142 = vector.extract_strided_slice %add3A_141 {offsets = [0, 0], sizes = [2, 64], strides = [1, 1]} : vector<4x64xf32> to vector<2x64xf32>
    %slice3A_143 = vector.extract_strided_slice %add3A_141 {offsets = [2, 0], sizes = [2, 64], strides = [1, 1]} : vector<4x64xf32> to vector<2x64xf32>
    %add3A_144 = arith.addf %slice3A_142, %slice3A_143 : vector<2x64xf32>
    %slice3A_145 = vector.extract_strided_slice %add3A_144 {offsets = [0, 0], sizes = [1, 64], strides = [1, 1]} : vector<2x64xf32> to vector<1x64xf32>
    %slice3A_146 = vector.extract_strided_slice %add3A_144 {offsets = [1, 0], sizes = [1, 64], strides = [1, 1]} : vector<2x64xf32> to vector<1x64xf32>
    %add3A_147 = arith.addf %slice3A_145, %slice3A_146 : vector<1x64xf32>
    %get3A_148 = arith.constant 0 : index
    %get3A_149 = arith.constant 0 : index
    %get3A_150 = vector.load %arg4[%get3A_148, %get3A_149] : memref<1024x256xf32, #tpu.memory_space<vmem>>, vector<1024x256xf32>
    %dot_general3A_151 = arith.constant dense<0.000000e+00> : vector<1024x64xf32>
    %dot_general3A_152 = tpu.matmul %get3A_150, %get3A_122, %dot_general3A_151 {dimension_numbers = #tpu.dot_dimension_numbers<[1], [0], [0], [1], [0, 0, 1, 1], [], []>, transpose_lhs_hint = false} : vector<1024x256xf32>, vector<256x64xf32>, vector<1024x64xf32> -> vector<1024x64xf32>
    %mul3A_153 = arith.constant 2.000000e+00 : f32
    %mul3A_154 = vector.broadcast %mul3A_153 : f32 to vector<1024x64xf32>
    %mul3A_155 = arith.mulf %mul3A_154, %dot_general3A_152 : vector<1024x64xf32>
    %sub3A_156 = vector.broadcast %add3A_147 : vector<1x64xf32> to vector<1024x64xf32>
    %sub3A_157 = arith.subf %sub3A_156, %mul3A_155 : vector<1024x64xf32>
    %add3A_158 = vector.broadcast %get3A_1 : vector<1024x1xf32> to vector<1024x64xf32>
    %add3A_159 = arith.addf %sub3A_157, %add3A_158 : vector<1024x64xf32>
    %reduce_min3A_160 = arith.constant dense<0x7F800000> : vector<64xf32>
    %reduce_min3A_161 = vector.multi_reduction <minimumf>, %add3A_159, %reduce_min3A_160 [0] : vector<1024x64xf32> to vector<64xf32>
    %broadcast_in_dim3A_162 = vector.shape_cast %reduce_min3A_161 : vector<64xf32> to vector<1x64xf32>
    %iota3A_163 = tpu.iota {dimensions = array<i32: 0>} : vector<1024x64xi32>
    %convert_element_type3A_164 = arith.sitofp %iota3A_163 : vector<1024x64xi32> to vector<1024x64xf32>
    %eq3A_165 = vector.broadcast %broadcast_in_dim3A_162 : vector<1x64xf32> to vector<1024x64xf32>
    %eq3A_166 = arith.cmpf oeq, %add3A_159, %eq3A_165 : vector<1024x64xf32>
    %jit3A_167 = arith.constant 1.024000e+03 : f32
    %broadcast_in_dim3A_168 = vector.broadcast %jit3A_167 : f32 to vector<1024x64xf32>
    %select_n3A_169 = arith.select %eq3A_166, %convert_element_type3A_164, %broadcast_in_dim3A_168 : vector<1024x64xi1>, vector<1024x64xf32>
    %reduce_min3A_170 = arith.constant dense<0x7F800000> : vector<64xf32>
    %reduce_min3A_171 = vector.multi_reduction <minimumf>, %select_n3A_169, %reduce_min3A_170 [0] : vector<1024x64xf32> to vector<64xf32>
    %broadcast_in_dim3A_172 = vector.shape_cast %reduce_min3A_171 : vector<64xf32> to vector<1x64xf32>
    %sub3A_173 = vector.broadcast %broadcast_in_dim3A_162 : vector<1x64xf32> to vector<1024x64xf32>
    %sub3A_174 = arith.subf %sub3A_173, %add3A_159 : vector<1024x64xf32>
    %exp3A_175 = math.exp %sub3A_174 : vector<1024x64xf32>
    %reduce_sum3A_176 = arith.constant dense<0.000000e+00> : vector<64xf32>
    %reduce_sum3A_177 = vector.multi_reduction <add>, %exp3A_175, %reduce_sum3A_176 [0] : vector<1024x64xf32> to vector<64xf32>
    %broadcast_in_dim3A_178 = vector.shape_cast %reduce_sum3A_177 : vector<64xf32> to vector<1x64xf32>
    %div3A_179 = arith.constant 1.000000e+00 : f32
    %div3A_180 = vector.broadcast %div3A_179 : f32 to vector<1x64xf32>
    %div3A_181 = arith.divf %div3A_180, %broadcast_in_dim3A_178 : vector<1x64xf32>
    %get3A_182 = arith.constant 0 : index
    %get3A_183 = arith.constant 0 : index
    %get3A_184 = arith.constant 0 : index
    %get3A_185 = vector.load %arg1[%get3A_182, %get3A_183, %get3A_184] : memref<2x256x1024xf32, #tpu.memory_space<vmem>>, vector<1x256x1024xf32>
    %get3A_186 = vector.shape_cast %get3A_185 : vector<1x256x1024xf32> to vector<256x1024xf32>
    %mul3A_187 = arith.mulf %get3A_186, %get3A_186 : vector<256x1024xf32>
    %slice3A_188 = vector.extract_strided_slice %mul3A_187 {offsets = [0, 0], sizes = [128, 1024], strides = [1, 1]} : vector<256x1024xf32> to vector<128x1024xf32>
    %slice3A_189 = vector.extract_strided_slice %mul3A_187 {offsets = [128, 0], sizes = [128, 1024], strides = [1, 1]} : vector<256x1024xf32> to vector<128x1024xf32>
    %add3A_190 = arith.addf %slice3A_188, %slice3A_189 : vector<128x1024xf32>
    %slice3A_191 = vector.extract_strided_slice %add3A_190 {offsets = [0, 0], sizes = [64, 1024], strides = [1, 1]} : vector<128x1024xf32> to vector<64x1024xf32>
    %slice3A_192 = vector.extract_strided_slice %add3A_190 {offsets = [64, 0], sizes = [64, 1024], strides = [1, 1]} : vector<128x1024xf32> to vector<64x1024xf32>
    %add3A_193 = arith.addf %slice3A_191, %slice3A_192 : vector<64x1024xf32>
    %slice3A_194 = vector.extract_strided_slice %add3A_193 {offsets = [0, 0], sizes = [32, 1024], strides = [1, 1]} : vector<64x1024xf32> to vector<32x1024xf32>
    %slice3A_195 = vector.extract_strided_slice %add3A_193 {offsets = [32, 0], sizes = [32, 1024], strides = [1, 1]} : vector<64x1024xf32> to vector<32x1024xf32>
    %add3A_196 = arith.addf %slice3A_194, %slice3A_195 : vector<32x1024xf32>
    %slice3A_197 = vector.extract_strided_slice %add3A_196 {offsets = [0, 0], sizes = [16, 1024], strides = [1, 1]} : vector<32x1024xf32> to vector<16x1024xf32>
    %slice3A_198 = vector.extract_strided_slice %add3A_196 {offsets = [16, 0], sizes = [16, 1024], strides = [1, 1]} : vector<32x1024xf32> to vector<16x1024xf32>
    %add3A_199 = arith.addf %slice3A_197, %slice3A_198 : vector<16x1024xf32>
    %slice3A_200 = vector.extract_strided_slice %add3A_199 {offsets = [0, 0], sizes = [8, 1024], strides = [1, 1]} : vector<16x1024xf32> to vector<8x1024xf32>
    %slice3A_201 = vector.extract_strided_slice %add3A_199 {offsets = [8, 0], sizes = [8, 1024], strides = [1, 1]} : vector<16x1024xf32> to vector<8x1024xf32>
    %add3A_202 = arith.addf %slice3A_200, %slice3A_201 : vector<8x1024xf32>
    %slice3A_203 = vector.extract_strided_slice %add3A_202 {offsets = [0, 0], sizes = [4, 1024], strides = [1, 1]} : vector<8x1024xf32> to vector<4x1024xf32>
    %slice3A_204 = vector.extract_strided_slice %add3A_202 {offsets = [4, 0], sizes = [4, 1024], strides = [1, 1]} : vector<8x1024xf32> to vector<4x1024xf32>
    %add3A_205 = arith.addf %slice3A_203, %slice3A_204 : vector<4x1024xf32>
    %slice3A_206 = vector.extract_strided_slice %add3A_205 {offsets = [0, 0], sizes = [2, 1024], strides = [1, 1]} : vector<4x1024xf32> to vector<2x1024xf32>
    %slice3A_207 = vector.extract_strided_slice %add3A_205 {offsets = [2, 0], sizes = [2, 1024], strides = [1, 1]} : vector<4x1024xf32> to vector<2x1024xf32>
    %add3A_208 = arith.addf %slice3A_206, %slice3A_207 : vector<2x1024xf32>
    %slice3A_209 = vector.extract_strided_slice %add3A_208 {offsets = [0, 0], sizes = [1, 1024], strides = [1, 1]} : vector<2x1024xf32> to vector<1x1024xf32>
    %slice3A_210 = vector.extract_strided_slice %add3A_208 {offsets = [1, 0], sizes = [1, 1024], strides = [1, 1]} : vector<2x1024xf32> to vector<1x1024xf32>
    %add3A_211 = arith.addf %slice3A_209, %slice3A_210 : vector<1x1024xf32>
    %get3A_212 = arith.constant 0 : index
    %get3A_213 = arith.constant 0 : index
    %get3A_214 = vector.load %arg5[%get3A_212, %get3A_213] : memref<1024x256xf32, #tpu.memory_space<vmem>>, vector<1024x256xf32>
    %dot_general3A_215 = arith.constant dense<0.000000e+00> : vector<1024x1024xf32>
    %dot_general3A_216 = tpu.matmul %get3A_214, %get3A_186, %dot_general3A_215 {dimension_numbers = #tpu.dot_dimension_numbers<[1], [0], [0], [1], [0, 0, 1, 1], [], []>, transpose_lhs_hint = false} : vector<1024x256xf32>, vector<256x1024xf32>, vector<1024x1024xf32> -> vector<1024x1024xf32>
    %mul3A_217 = arith.constant 2.000000e+00 : f32
    %mul3A_218 = vector.broadcast %mul3A_217 : f32 to vector<1024x1024xf32>
    %mul3A_219 = arith.mulf %mul3A_218, %dot_general3A_216 : vector<1024x1024xf32>
    %sub3A_220 = vector.broadcast %add3A_211 : vector<1x1024xf32> to vector<1024x1024xf32>
    %sub3A_221 = arith.subf %sub3A_220, %mul3A_219 : vector<1024x1024xf32>
    %add3A_222 = vector.broadcast %get3A_4 : vector<1024x1xf32> to vector<1024x1024xf32>
    %add3A_223 = arith.addf %sub3A_221, %add3A_222 : vector<1024x1024xf32>
    %reduce_min3A_224 = arith.constant dense<0x7F800000> : vector<1024xf32>
    %reduce_min3A_225 = vector.multi_reduction <minimumf>, %add3A_223, %reduce_min3A_224 [0] : vector<1024x1024xf32> to vector<1024xf32>
    %broadcast_in_dim3A_226 = vector.shape_cast %reduce_min3A_225 : vector<1024xf32> to vector<1x1024xf32>
    %iota3A_227 = tpu.iota {dimensions = array<i32: 0>} : vector<1024x1024xi32>
    %convert_element_type3A_228 = arith.sitofp %iota3A_227 : vector<1024x1024xi32> to vector<1024x1024xf32>
    %eq3A_229 = vector.broadcast %broadcast_in_dim3A_226 : vector<1x1024xf32> to vector<1024x1024xf32>
    %eq3A_230 = arith.cmpf oeq, %add3A_223, %eq3A_229 : vector<1024x1024xf32>
    %jit3A_231 = arith.constant 1.024000e+03 : f32
    %broadcast_in_dim3A_232 = vector.broadcast %jit3A_231 : f32 to vector<1024x1024xf32>
    %select_n3A_233 = arith.select %eq3A_230, %convert_element_type3A_228, %broadcast_in_dim3A_232 : vector<1024x1024xi1>, vector<1024x1024xf32>
    %reduce_min3A_234 = arith.constant dense<0x7F800000> : vector<1024xf32>
    %reduce_min3A_235 = vector.multi_reduction <minimumf>, %select_n3A_233, %reduce_min3A_234 [0] : vector<1024x1024xf32> to vector<1024xf32>
    %broadcast_in_dim3A_236 = vector.shape_cast %reduce_min3A_235 : vector<1024xf32> to vector<1x1024xf32>
    %iota3A_237 = tpu.iota {dimensions = array<i32: 1>} : vector<1x256xi32>
    %jit3A_238 = arith.constant 16 : i32
    %div3A_239 = vector.broadcast %jit3A_238 : i32 to vector<1x256xi32>
    %div3A_240 = arith.divsi %iota3A_237, %div3A_239 : vector<1x256xi32>
    %sign3A = arith.constant 0 : i32
    %sign3A_241 = vector.broadcast %sign3A : i32 to vector<1x256xi32>
    %sign3A_242 = arith.cmpi sgt, %iota3A_237, %sign3A_241 : vector<1x256xi32>
    %sign3A_243 = arith.extui %sign3A_242 : vector<1x256xi1> to vector<1x256xi32>
    %sign3A_244 = arith.constant 0 : i32
    %sign3A_245 = vector.broadcast %sign3A_244 : i32 to vector<1x256xi32>
    %sign3A_246 = arith.cmpi slt, %iota3A_237, %sign3A_245 : vector<1x256xi32>
    %sign3A_247 = arith.extui %sign3A_246 : vector<1x256xi1> to vector<1x256xi32>
    %sign3A_248 = arith.subi %sign3A_243, %sign3A_247 : vector<1x256xi32>
    %sign3A_249 = arith.constant 0 : i32
    %sign3A_250 = arith.cmpi sgt, %jit3A_238, %sign3A_249 : i32
    %sign3A_251 = arith.extui %sign3A_250 : i1 to i32
    %sign3A_252 = arith.constant 0 : i32
    %sign3A_253 = arith.cmpi slt, %jit3A_238, %sign3A_252 : i32
    %sign3A_254 = arith.extui %sign3A_253 : i1 to i32
    %sign3A_255 = arith.subi %sign3A_251, %sign3A_254 : i32
    %ne3A = vector.broadcast %sign3A_255 : i32 to vector<1x256xi32>
    %ne3A_256 = arith.cmpi ne, %sign3A_248, %ne3A : vector<1x256xi32>
    %rem3A = vector.broadcast %jit3A_238 : i32 to vector<1x256xi32>
    %rem3A_257 = arith.remsi %iota3A_237, %rem3A : vector<1x256xi32>
    %ne3A_258 = arith.constant 0 : i32
    %ne3A_259 = vector.broadcast %ne3A_258 : i32 to vector<1x256xi32>
    %ne3A_260 = arith.cmpi ne, %rem3A_257, %ne3A_259 : vector<1x256xi32>
    %and3A = arith.andi %ne3A_256, %ne3A_260 : vector<1x256xi1>
    %sub3A_261 = arith.constant 1 : i32
    %sub3A_262 = vector.broadcast %sub3A_261 : i32 to vector<1x256xi32>
    %sub3A_263 = arith.subi %div3A_240, %sub3A_262 : vector<1x256xi32>
    %select_n3A_264 = arith.select %and3A, %sub3A_263, %div3A_240 : vector<1x256xi1>, vector<1x256xi32>
    %jit3A_265 = arith.constant 2 : i32
    %div3A_266 = vector.broadcast %jit3A_265 : i32 to vector<1x256xi32>
    %div3A_267 = arith.divsi %select_n3A_264, %div3A_266 : vector<1x256xi32>
    %sign3A_268 = arith.constant 0 : i32
    %sign3A_269 = vector.broadcast %sign3A_268 : i32 to vector<1x256xi32>
    %sign3A_270 = arith.cmpi sgt, %select_n3A_264, %sign3A_269 : vector<1x256xi32>
    %sign3A_271 = arith.extui %sign3A_270 : vector<1x256xi1> to vector<1x256xi32>
    %sign3A_272 = arith.constant 0 : i32
    %sign3A_273 = vector.broadcast %sign3A_272 : i32 to vector<1x256xi32>
    %sign3A_274 = arith.cmpi slt, %select_n3A_264, %sign3A_273 : vector<1x256xi32>
    %sign3A_275 = arith.extui %sign3A_274 : vector<1x256xi1> to vector<1x256xi32>
    %sign3A_276 = arith.subi %sign3A_271, %sign3A_275 : vector<1x256xi32>
    %sign3A_277 = arith.constant 0 : i32
    %sign3A_278 = arith.cmpi sgt, %jit3A_265, %sign3A_277 : i32
    %sign3A_279 = arith.extui %sign3A_278 : i1 to i32
    %sign3A_280 = arith.constant 0 : i32
    %sign3A_281 = arith.cmpi slt, %jit3A_265, %sign3A_280 : i32
    %sign3A_282 = arith.extui %sign3A_281 : i1 to i32
    %sign3A_283 = arith.subi %sign3A_279, %sign3A_282 : i32
    %ne3A_284 = vector.broadcast %sign3A_283 : i32 to vector<1x256xi32>
    %ne3A_285 = arith.cmpi ne, %sign3A_276, %ne3A_284 : vector<1x256xi32>
    %rem3A_286 = vector.broadcast %jit3A_265 : i32 to vector<1x256xi32>
    %rem3A_287 = arith.remsi %select_n3A_264, %rem3A_286 : vector<1x256xi32>
    %ne3A_288 = arith.constant 0 : i32
    %ne3A_289 = vector.broadcast %ne3A_288 : i32 to vector<1x256xi32>
    %ne3A_290 = arith.cmpi ne, %rem3A_287, %ne3A_289 : vector<1x256xi32>
    %and3A_291 = arith.andi %ne3A_285, %ne3A_290 : vector<1x256xi1>
    %sub3A_292 = arith.constant 1 : i32
    %sub3A_293 = vector.broadcast %sub3A_292 : i32 to vector<1x256xi32>
    %sub3A_294 = arith.subi %div3A_267, %sub3A_293 : vector<1x256xi32>
    %select_n3A_295 = arith.select %and3A_291, %sub3A_294, %div3A_267 : vector<1x256xi1>, vector<1x256xi32>
    %mul3A_296 = arith.constant 8 : i32
    %mul3A_297 = vector.broadcast %mul3A_296 : i32 to vector<1x256xi32>
    %mul3A_298 = arith.muli %select_n3A_295, %mul3A_297 : vector<1x256xi32>
    %jit3A_299 = arith.constant 16 : i32
    %eq3A_300 = arith.constant 0 : i32
    %eq3A_301 = arith.cmpi eq, %jit3A_299, %eq3A_300 : i32
    %jit3A_302 = arith.constant 1 : i32
    %select_n3A_303 = arith.select %eq3A_301, %jit3A_302, %jit3A_299 : i32
    %rem3A_304 = vector.broadcast %select_n3A_303 : i32 to vector<1x256xi32>
    %rem3A_305 = arith.remsi %iota3A_237, %rem3A_304 : vector<1x256xi32>
    %ne3A_306 = arith.constant 0 : i32
    %ne3A_307 = vector.broadcast %ne3A_306 : i32 to vector<1x256xi32>
    %ne3A_308 = arith.cmpi ne, %rem3A_305, %ne3A_307 : vector<1x256xi32>
    %lt3A = arith.constant 0 : i32
    %lt3A_309 = vector.broadcast %lt3A : i32 to vector<1x256xi32>
    %lt3A_310 = arith.cmpi slt, %rem3A_305, %lt3A_309 : vector<1x256xi32>
    %lt3A_311 = arith.constant 0 : i32
    %lt3A_312 = arith.cmpi slt, %select_n3A_303, %lt3A_311 : i32
    %ne3A_313 = vector.broadcast %lt3A_312 : i1 to vector<1x256xi1>
    %ne3A_314 = vector.broadcast %ne3A_313 : vector<1x256xi1> to vector<1x256xi1>
    %ne3A_315 = arith.xori %lt3A_310, %ne3A_314 : vector<1x256xi1>
    %and3A_316 = arith.andi %ne3A_315, %ne3A_308 : vector<1x256xi1>
    %add3A_317 = vector.broadcast %select_n3A_303 : i32 to vector<1x256xi32>
    %add3A_318 = arith.addi %rem3A_305, %add3A_317 : vector<1x256xi32>
    %select_n3A_319 = arith.select %and3A_316, %add3A_318, %rem3A_305 : vector<1x256xi1>, vector<1x256xi32>
    %jit3A_320 = arith.constant 2 : i32
    %div3A_321 = vector.broadcast %jit3A_320 : i32 to vector<1x256xi32>
    %div3A_322 = arith.divsi %select_n3A_319, %div3A_321 : vector<1x256xi32>
    %sign3A_323 = arith.constant 0 : i32
    %sign3A_324 = vector.broadcast %sign3A_323 : i32 to vector<1x256xi32>
    %sign3A_325 = arith.cmpi sgt, %select_n3A_319, %sign3A_324 : vector<1x256xi32>
    %sign3A_326 = arith.extui %sign3A_325 : vector<1x256xi1> to vector<1x256xi32>
    %sign3A_327 = arith.constant 0 : i32
    %sign3A_328 = vector.broadcast %sign3A_327 : i32 to vector<1x256xi32>
    %sign3A_329 = arith.cmpi slt, %select_n3A_319, %sign3A_328 : vector<1x256xi32>
    %sign3A_330 = arith.extui %sign3A_329 : vector<1x256xi1> to vector<1x256xi32>
    %sign3A_331 = arith.subi %sign3A_326, %sign3A_330 : vector<1x256xi32>
    %sign3A_332 = arith.constant 0 : i32
    %sign3A_333 = arith.cmpi sgt, %jit3A_320, %sign3A_332 : i32
    %sign3A_334 = arith.extui %sign3A_333 : i1 to i32
    %sign3A_335 = arith.constant 0 : i32
    %sign3A_336 = arith.cmpi slt, %jit3A_320, %sign3A_335 : i32
    %sign3A_337 = arith.extui %sign3A_336 : i1 to i32
    %sign3A_338 = arith.subi %sign3A_334, %sign3A_337 : i32
    %ne3A_339 = vector.broadcast %sign3A_338 : i32 to vector<1x256xi32>
    %ne3A_340 = arith.cmpi ne, %sign3A_331, %ne3A_339 : vector<1x256xi32>
    %rem3A_341 = vector.broadcast %jit3A_320 : i32 to vector<1x256xi32>
    %rem3A_342 = arith.remsi %select_n3A_319, %rem3A_341 : vector<1x256xi32>
    %ne3A_343 = arith.constant 0 : i32
    %ne3A_344 = vector.broadcast %ne3A_343 : i32 to vector<1x256xi32>
    %ne3A_345 = arith.cmpi ne, %rem3A_342, %ne3A_344 : vector<1x256xi32>
    %and3A_346 = arith.andi %ne3A_340, %ne3A_345 : vector<1x256xi1>
    %sub3A_347 = arith.constant 1 : i32
    %sub3A_348 = vector.broadcast %sub3A_347 : i32 to vector<1x256xi32>
    %sub3A_349 = arith.subi %div3A_322, %sub3A_348 : vector<1x256xi32>
    %select_n3A_350 = arith.select %and3A_346, %sub3A_349, %div3A_322 : vector<1x256xi1>, vector<1x256xi32>
    %add3A_351 = arith.addi %mul3A_298, %select_n3A_350 : vector<1x256xi32>
    %iota3A_352 = tpu.iota {dimensions = array<i32: 0>} : vector<64x256xi32>
    %eq3A_353 = vector.broadcast %add3A_351 : vector<1x256xi32> to vector<64x256xi32>
    %eq3A_354 = arith.cmpi eq, %iota3A_352, %eq3A_353 : vector<64x256xi32>
    %convert_element_type3A_355 = arith.extui %eq3A_354 : vector<64x256xi1> to vector<64x256xi32>
    %convert_element_type3A_356 = arith.sitofp %convert_element_type3A_355 : vector<64x256xi32> to vector<64x256xf32>
    %concatenate3A = tpu.concatenate %div3A_181, %broadcast_in_dim3A_172 in 0 : vector<1x64xf32>, vector<1x64xf32> -> vector<2x64xf32>
    %dot_general3A_357 = arith.constant dense<0.000000e+00> : vector<2x256xf32>
    %dot_general3A_358 = tpu.matmul %concatenate3A, %convert_element_type3A_356, %dot_general3A_357 {dimension_numbers = #tpu.dot_dimension_numbers<[1], [0], [0], [1], [0, 0, 1, 1], [], []>, precision = #tpu.contract_precision<fp32>, transpose_lhs_hint = false} : vector<2x64xf32>, vector<64x256xf32>, vector<2x256xf32> -> vector<2x256xf32>
    %slice3A_359 = vector.extract_strided_slice %dot_general3A_358 {offsets = [0, 0], sizes = [1, 256], strides = [1, 1]} : vector<2x256xf32> to vector<1x256xf32>
    %gt3A = arith.cmpf ogt, %slice3A_359, %div3A_117 : vector<1x256xf32>
    %slice3A_360 = vector.extract_strided_slice %dot_general3A_358 {offsets = [0, 0], sizes = [1, 256], strides = [1, 1]} : vector<2x256xf32> to vector<1x256xf32>
    %select_n3A_361 = arith.select %gt3A, %slice3A_360, %div3A_117 : vector<1x256xi1>, vector<1x256xf32>
    %slice3A_362 = vector.extract_strided_slice %dot_general3A_358 {offsets = [1, 0], sizes = [1, 256], strides = [1, 1]} : vector<2x256xf32> to vector<1x256xf32>
    %select_n3A_363 = arith.select %gt3A, %slice3A_362, %broadcast_in_dim3A_108 : vector<1x256xi1>, vector<1x256xf32>
    %iota3A_364 = tpu.iota {dimensions = array<i32: 1>} : vector<1x1024xi32>
    %jit3A_365 = arith.constant 32 : i32
    %div3A_366 = vector.broadcast %jit3A_365 : i32 to vector<1x1024xi32>
    %div3A_367 = arith.divsi %iota3A_364, %div3A_366 : vector<1x1024xi32>
    %sign3A_368 = arith.constant 0 : i32
    %sign3A_369 = vector.broadcast %sign3A_368 : i32 to vector<1x1024xi32>
    %sign3A_370 = arith.cmpi sgt, %iota3A_364, %sign3A_369 : vector<1x1024xi32>
    %sign3A_371 = arith.extui %sign3A_370 : vector<1x1024xi1> to vector<1x1024xi32>
    %sign3A_372 = arith.constant 0 : i32
    %sign3A_373 = vector.broadcast %sign3A_372 : i32 to vector<1x1024xi32>
    %sign3A_374 = arith.cmpi slt, %iota3A_364, %sign3A_373 : vector<1x1024xi32>
    %sign3A_375 = arith.extui %sign3A_374 : vector<1x1024xi1> to vector<1x1024xi32>
    %sign3A_376 = arith.subi %sign3A_371, %sign3A_375 : vector<1x1024xi32>
    %sign3A_377 = arith.constant 0 : i32
    %sign3A_378 = arith.cmpi sgt, %jit3A_365, %sign3A_377 : i32
    %sign3A_379 = arith.extui %sign3A_378 : i1 to i32
    %sign3A_380 = arith.constant 0 : i32
    %sign3A_381 = arith.cmpi slt, %jit3A_365, %sign3A_380 : i32
    %sign3A_382 = arith.extui %sign3A_381 : i1 to i32
    %sign3A_383 = arith.subi %sign3A_379, %sign3A_382 : i32
    %ne3A_384 = vector.broadcast %sign3A_383 : i32 to vector<1x1024xi32>
    %ne3A_385 = arith.cmpi ne, %sign3A_376, %ne3A_384 : vector<1x1024xi32>
    %rem3A_386 = vector.broadcast %jit3A_365 : i32 to vector<1x1024xi32>
    %rem3A_387 = arith.remsi %iota3A_364, %rem3A_386 : vector<1x1024xi32>
    %ne3A_388 = arith.constant 0 : i32
    %ne3A_389 = vector.broadcast %ne3A_388 : i32 to vector<1x1024xi32>
    %ne3A_390 = arith.cmpi ne, %rem3A_387, %ne3A_389 : vector<1x1024xi32>
    %and3A_391 = arith.andi %ne3A_385, %ne3A_390 : vector<1x1024xi1>
    %sub3A_392 = arith.constant 1 : i32
    %sub3A_393 = vector.broadcast %sub3A_392 : i32 to vector<1x1024xi32>
    %sub3A_394 = arith.subi %div3A_367, %sub3A_393 : vector<1x1024xi32>
    %select_n3A_395 = arith.select %and3A_391, %sub3A_394, %div3A_367 : vector<1x1024xi1>, vector<1x1024xi32>
    %jit3A_396 = arith.constant 2 : i32
    %div3A_397 = vector.broadcast %jit3A_396 : i32 to vector<1x1024xi32>
    %div3A_398 = arith.divsi %select_n3A_395, %div3A_397 : vector<1x1024xi32>
    %sign3A_399 = arith.constant 0 : i32
    %sign3A_400 = vector.broadcast %sign3A_399 : i32 to vector<1x1024xi32>
    %sign3A_401 = arith.cmpi sgt, %select_n3A_395, %sign3A_400 : vector<1x1024xi32>
    %sign3A_402 = arith.extui %sign3A_401 : vector<1x1024xi1> to vector<1x1024xi32>
    %sign3A_403 = arith.constant 0 : i32
    %sign3A_404 = vector.broadcast %sign3A_403 : i32 to vector<1x1024xi32>
    %sign3A_405 = arith.cmpi slt, %select_n3A_395, %sign3A_404 : vector<1x1024xi32>
    %sign3A_406 = arith.extui %sign3A_405 : vector<1x1024xi1> to vector<1x1024xi32>
    %sign3A_407 = arith.subi %sign3A_402, %sign3A_406 : vector<1x1024xi32>
    %sign3A_408 = arith.constant 0 : i32
    %sign3A_409 = arith.cmpi sgt, %jit3A_396, %sign3A_408 : i32
    %sign3A_410 = arith.extui %sign3A_409 : i1 to i32
    %sign3A_411 = arith.constant 0 : i32
    %sign3A_412 = arith.cmpi slt, %jit3A_396, %sign3A_411 : i32
    %sign3A_413 = arith.extui %sign3A_412 : i1 to i32
    %sign3A_414 = arith.subi %sign3A_410, %sign3A_413 : i32
    %ne3A_415 = vector.broadcast %sign3A_414 : i32 to vector<1x1024xi32>
    %ne3A_416 = arith.cmpi ne, %sign3A_407, %ne3A_415 : vector<1x1024xi32>
    %rem3A_417 = vector.broadcast %jit3A_396 : i32 to vector<1x1024xi32>
    %rem3A_418 = arith.remsi %select_n3A_395, %rem3A_417 : vector<1x1024xi32>
    %ne3A_419 = arith.constant 0 : i32
    %ne3A_420 = vector.broadcast %ne3A_419 : i32 to vector<1x1024xi32>
    %ne3A_421 = arith.cmpi ne, %rem3A_418, %ne3A_420 : vector<1x1024xi32>
    %and3A_422 = arith.andi %ne3A_416, %ne3A_421 : vector<1x1024xi1>
    %sub3A_423 = arith.constant 1 : i32
    %sub3A_424 = vector.broadcast %sub3A_423 : i32 to vector<1x1024xi32>
    %sub3A_425 = arith.subi %div3A_398, %sub3A_424 : vector<1x1024xi32>
    %select_n3A_426 = arith.select %and3A_422, %sub3A_425, %div3A_398 : vector<1x1024xi1>, vector<1x1024xi32>
    %mul3A_427 = arith.constant 16 : i32
    %mul3A_428 = vector.broadcast %mul3A_427 : i32 to vector<1x1024xi32>
    %mul3A_429 = arith.muli %select_n3A_426, %mul3A_428 : vector<1x1024xi32>
    %jit3A_430 = arith.constant 32 : i32
    %eq3A_431 = arith.constant 0 : i32
    %eq3A_432 = arith.cmpi eq, %jit3A_430, %eq3A_431 : i32
    %jit3A_433 = arith.constant 1 : i32
    %select_n3A_434 = arith.select %eq3A_432, %jit3A_433, %jit3A_430 : i32
    %rem3A_435 = vector.broadcast %select_n3A_434 : i32 to vector<1x1024xi32>
    %rem3A_436 = arith.remsi %iota3A_364, %rem3A_435 : vector<1x1024xi32>
    %ne3A_437 = arith.constant 0 : i32
    %ne3A_438 = vector.broadcast %ne3A_437 : i32 to vector<1x1024xi32>
    %ne3A_439 = arith.cmpi ne, %rem3A_436, %ne3A_438 : vector<1x1024xi32>
    %lt3A_440 = arith.constant 0 : i32
    %lt3A_441 = vector.broadcast %lt3A_440 : i32 to vector<1x1024xi32>
    %lt3A_442 = arith.cmpi slt, %rem3A_436, %lt3A_441 : vector<1x1024xi32>
    %lt3A_443 = arith.constant 0 : i32
    %lt3A_444 = arith.cmpi slt, %select_n3A_434, %lt3A_443 : i32
    %ne3A_445 = vector.broadcast %lt3A_444 : i1 to vector<1x1024xi1>
    %ne3A_446 = vector.broadcast %ne3A_445 : vector<1x1024xi1> to vector<1x1024xi1>
    %ne3A_447 = arith.xori %lt3A_442, %ne3A_446 : vector<1x1024xi1>
    %and3A_448 = arith.andi %ne3A_447, %ne3A_439 : vector<1x1024xi1>
    %add3A_449 = vector.broadcast %select_n3A_434 : i32 to vector<1x1024xi32>
    %add3A_450 = arith.addi %rem3A_436, %add3A_449 : vector<1x1024xi32>
    %select_n3A_451 = arith.select %and3A_448, %add3A_450, %rem3A_436 : vector<1x1024xi1>, vector<1x1024xi32>
    %jit3A_452 = arith.constant 2 : i32
    %div3A_453 = vector.broadcast %jit3A_452 : i32 to vector<1x1024xi32>
    %div3A_454 = arith.divsi %select_n3A_451, %div3A_453 : vector<1x1024xi32>
    %sign3A_455 = arith.constant 0 : i32
    %sign3A_456 = vector.broadcast %sign3A_455 : i32 to vector<1x1024xi32>
    %sign3A_457 = arith.cmpi sgt, %select_n3A_451, %sign3A_456 : vector<1x1024xi32>
    %sign3A_458 = arith.extui %sign3A_457 : vector<1x1024xi1> to vector<1x1024xi32>
    %sign3A_459 = arith.constant 0 : i32
    %sign3A_460 = vector.broadcast %sign3A_459 : i32 to vector<1x1024xi32>
    %sign3A_461 = arith.cmpi slt, %select_n3A_451, %sign3A_460 : vector<1x1024xi32>
    %sign3A_462 = arith.extui %sign3A_461 : vector<1x1024xi1> to vector<1x1024xi32>
    %sign3A_463 = arith.subi %sign3A_458, %sign3A_462 : vector<1x1024xi32>
    %sign3A_464 = arith.constant 0 : i32
    %sign3A_465 = arith.cmpi sgt, %jit3A_452, %sign3A_464 : i32
    %sign3A_466 = arith.extui %sign3A_465 : i1 to i32
    %sign3A_467 = arith.constant 0 : i32
    %sign3A_468 = arith.cmpi slt, %jit3A_452, %sign3A_467 : i32
    %sign3A_469 = arith.extui %sign3A_468 : i1 to i32
    %sign3A_470 = arith.subi %sign3A_466, %sign3A_469 : i32
    %ne3A_471 = vector.broadcast %sign3A_470 : i32 to vector<1x1024xi32>
    %ne3A_472 = arith.cmpi ne, %sign3A_463, %ne3A_471 : vector<1x1024xi32>
    %rem3A_473 = vector.broadcast %jit3A_452 : i32 to vector<1x1024xi32>
    %rem3A_474 = arith.remsi %select_n3A_451, %rem3A_473 : vector<1x1024xi32>
    %ne3A_475 = arith.constant 0 : i32
    %ne3A_476 = vector.broadcast %ne3A_475 : i32 to vector<1x1024xi32>
    %ne3A_477 = arith.cmpi ne, %rem3A_474, %ne3A_476 : vector<1x1024xi32>
    %and3A_478 = arith.andi %ne3A_472, %ne3A_477 : vector<1x1024xi1>
    %sub3A_479 = arith.constant 1 : i32
    %sub3A_480 = vector.broadcast %sub3A_479 : i32 to vector<1x1024xi32>
    %sub3A_481 = arith.subi %div3A_454, %sub3A_480 : vector<1x1024xi32>
    %select_n3A_482 = arith.select %and3A_478, %sub3A_481, %div3A_454 : vector<1x1024xi1>, vector<1x1024xi32>
    %add3A_483 = arith.addi %mul3A_429, %select_n3A_482 : vector<1x1024xi32>
    %iota3A_484 = tpu.iota {dimensions = array<i32: 0>} : vector<256x1024xi32>
    %eq3A_485 = vector.broadcast %add3A_483 : vector<1x1024xi32> to vector<256x1024xi32>
    %eq3A_486 = arith.cmpi eq, %iota3A_484, %eq3A_485 : vector<256x1024xi32>
    %convert_element_type3A_487 = arith.extui %eq3A_486 : vector<256x1024xi1> to vector<256x1024xi32>
    %convert_element_type3A_488 = arith.sitofp %convert_element_type3A_487 : vector<256x1024xi32> to vector<256x1024xf32>
    %concatenate3A_489 = tpu.concatenate %select_n3A_361, %select_n3A_363 in 0 : vector<1x256xf32>, vector<1x256xf32> -> vector<2x256xf32>
    %dot_general3A_490 = arith.constant dense<0.000000e+00> : vector<2x1024xf32>
    %dot_general3A_491 = tpu.matmul %concatenate3A_489, %convert_element_type3A_488, %dot_general3A_490 {dimension_numbers = #tpu.dot_dimension_numbers<[1], [0], [0], [1], [0, 0, 1, 1], [], []>, precision = #tpu.contract_precision<fp32>, transpose_lhs_hint = false} : vector<2x256xf32>, vector<256x1024xf32>, vector<2x1024xf32> -> vector<2x1024xf32>
    %slice3A_492 = vector.extract_strided_slice %dot_general3A_491 {offsets = [0, 0], sizes = [1, 1024], strides = [1, 1]} : vector<2x1024xf32> to vector<1x1024xf32>
    %gt3A_493 = arith.cmpf ogt, %slice3A_492, %div3A_53 : vector<1x1024xf32>
    %slice3A_494 = vector.extract_strided_slice %dot_general3A_491 {offsets = [1, 0], sizes = [1, 1024], strides = [1, 1]} : vector<2x1024xf32> to vector<1x1024xf32>
    %select_n3A_495 = arith.select %gt3A_493, %slice3A_494, %broadcast_in_dim3A_47 : vector<1x1024xi1>, vector<1x1024xf32>
    %add3A_496 = arith.constant 5.000000e-01 : f32
    %add3A_497 = vector.broadcast %add3A_496 : f32 to vector<1x1024xf32>
    %add3A_498 = arith.addf %select_n3A_495, %add3A_497 : vector<1x1024xf32>
    %convert_element_type3A_499 = arith.fptosi %add3A_498 : vector<1x1024xf32> to vector<1x1024xi32>
    %reshape3A = vector.shape_cast %convert_element_type3A_499 : vector<1x1024xi32> to vector<1024xi32>
    %swap3A = arith.constant 0 : index
    %swap3A_500 = vector.load %arg8[%swap3A] : memref<2048xi32, #tpu.memory_space<vmem>>, vector<1024xi32>
    tpu.vector_store %arg8[%swap3A], %reshape3A {strides = array<i32>} : memref<2048xi32, #tpu.memory_space<vmem>>, vector<1024xi32>,
    %convert_element_type3A_501 = arith.fptosi %broadcast_in_dim3A_236 : vector<1x1024xf32> to vector<1x1024xi32>
    %reshape3A_502 = vector.shape_cast %convert_element_type3A_501 : vector<1x1024xi32> to vector<1024xi32>
    %swap3A_503 = arith.constant 0 : index
    %swap3A_504 = vector.load %arg9[%swap3A_503] : memref<2048xi32, #tpu.memory_space<vmem>>, vector<1024xi32>
    tpu.vector_store %arg9[%swap3A_503], %reshape3A_502 {strides = array<i32>} : memref<2048xi32, #tpu.memory_space<vmem>>, vector<1024xi32>,
    %get3A_505 = arith.constant 1 : index
    %get3A_506 = arith.constant 0 : index
    %get3A_507 = arith.constant 0 : index
    %get3A_508 = vector.load %arg1[%get3A_505, %get3A_506, %get3A_507] : memref<2x256x1024xf32, #tpu.memory_space<vmem>>, vector<1x256x1024xf32>
    %get3A_509 = vector.shape_cast %get3A_508 : vector<1x256x1024xf32> to vector<256x1024xf32>
    %mul3A_510 = arith.mulf %get3A_509, %get3A_509 : vector<256x1024xf32>
    %slice3A_511 = vector.extract_strided_slice %mul3A_510 {offsets = [0, 0], sizes = [128, 1024], strides = [1, 1]} : vector<256x1024xf32> to vector<128x1024xf32>
    %slice3A_512 = vector.extract_strided_slice %mul3A_510 {offsets = [128, 0], sizes = [128, 1024], strides = [1, 1]} : vector<256x1024xf32> to vector<128x1024xf32>
    %add3A_513 = arith.addf %slice3A_511, %slice3A_512 : vector<128x1024xf32>
    %slice3A_514 = vector.extract_strided_slice %add3A_513 {offsets = [0, 0], sizes = [64, 1024], strides = [1, 1]} : vector<128x1024xf32> to vector<64x1024xf32>
    %slice3A_515 = vector.extract_strided_slice %add3A_513 {offsets = [64, 0], sizes = [64, 1024], strides = [1, 1]} : vector<128x1024xf32> to vector<64x1024xf32>
    %add3A_516 = arith.addf %slice3A_514, %slice3A_515 : vector<64x1024xf32>
    %slice3A_517 = vector.extract_strided_slice %add3A_516 {offsets = [0, 0], sizes = [32, 1024], strides = [1, 1]} : vector<64x1024xf32> to vector<32x1024xf32>
    %slice3A_518 = vector.extract_strided_slice %add3A_516 {offsets = [32, 0], sizes = [32, 1024], strides = [1, 1]} : vector<64x1024xf32> to vector<32x1024xf32>
    %add3A_519 = arith.addf %slice3A_517, %slice3A_518 : vector<32x1024xf32>
    %slice3A_520 = vector.extract_strided_slice %add3A_519 {offsets = [0, 0], sizes = [16, 1024], strides = [1, 1]} : vector<32x1024xf32> to vector<16x1024xf32>
    %slice3A_521 = vector.extract_strided_slice %add3A_519 {offsets = [16, 0], sizes = [16, 1024], strides = [1, 1]} : vector<32x1024xf32> to vector<16x1024xf32>
    %add3A_522 = arith.addf %slice3A_520, %slice3A_521 : vector<16x1024xf32>
    %slice3A_523 = vector.extract_strided_slice %add3A_522 {offsets = [0, 0], sizes = [8, 1024], strides = [1, 1]} : vector<16x1024xf32> to vector<8x1024xf32>
    %slice3A_524 = vector.extract_strided_slice %add3A_522 {offsets = [8, 0], sizes = [8, 1024], strides = [1, 1]} : vector<16x1024xf32> to vector<8x1024xf32>
    %add3A_525 = arith.addf %slice3A_523, %slice3A_524 : vector<8x1024xf32>
    %slice3A_526 = vector.extract_strided_slice %add3A_525 {offsets = [0, 0], sizes = [4, 1024], strides = [1, 1]} : vector<8x1024xf32> to vector<4x1024xf32>
    %slice3A_527 = vector.extract_strided_slice %add3A_525 {offsets = [4, 0], sizes = [4, 1024], strides = [1, 1]} : vector<8x1024xf32> to vector<4x1024xf32>
    %add3A_528 = arith.addf %slice3A_526, %slice3A_527 : vector<4x1024xf32>
    %slice3A_529 = vector.extract_strided_slice %add3A_528 {offsets = [0, 0], sizes = [2, 1024], strides = [1, 1]} : vector<4x1024xf32> to vector<2x1024xf32>
    %slice3A_530 = vector.extract_strided_slice %add3A_528 {offsets = [2, 0], sizes = [2, 1024], strides = [1, 1]} : vector<4x1024xf32> to vector<2x1024xf32>
    %add3A_531 = arith.addf %slice3A_529, %slice3A_530 : vector<2x1024xf32>
    %slice3A_532 = vector.extract_strided_slice %add3A_531 {offsets = [0, 0], sizes = [1, 1024], strides = [1, 1]} : vector<2x1024xf32> to vector<1x1024xf32>
    %slice3A_533 = vector.extract_strided_slice %add3A_531 {offsets = [1, 0], sizes = [1, 1024], strides = [1, 1]} : vector<2x1024xf32> to vector<1x1024xf32>
    %add3A_534 = arith.addf %slice3A_532, %slice3A_533 : vector<1x1024xf32>
    %get3A_535 = arith.constant 0 : index
    %get3A_536 = arith.constant 0 : index
    %get3A_537 = vector.load %arg4[%get3A_535, %get3A_536] : memref<1024x256xf32, #tpu.memory_space<vmem>>, vector<1024x256xf32>
    %dot_general3A_538 = arith.constant dense<0.000000e+00> : vector<1024x1024xf32>
    %dot_general3A_539 = tpu.matmul %get3A_537, %get3A_509, %dot_general3A_538 {dimension_numbers = #tpu.dot_dimension_numbers<[1], [0], [0], [1], [0, 0, 1, 1], [], []>, transpose_lhs_hint = false} : vector<1024x256xf32>, vector<256x1024xf32>, vector<1024x1024xf32> -> vector<1024x1024xf32>
    %mul3A_540 = arith.constant 2.000000e+00 : f32
    %mul3A_541 = vector.broadcast %mul3A_540 : f32 to vector<1024x1024xf32>
    %mul3A_542 = arith.mulf %mul3A_541, %dot_general3A_539 : vector<1024x1024xf32>
    %sub3A_543 = vector.broadcast %add3A_534 : vector<1x1024xf32> to vector<1024x1024xf32>
    %sub3A_544 = arith.subf %sub3A_543, %mul3A_542 : vector<1024x1024xf32>
    %add3A_545 = vector.broadcast %get3A_1 : vector<1024x1xf32> to vector<1024x1024xf32>
    %add3A_546 = arith.addf %sub3A_544, %add3A_545 : vector<1024x1024xf32>
    %reduce_min3A_547 = arith.constant dense<0x7F800000> : vector<1024xf32>
    %reduce_min3A_548 = vector.multi_reduction <minimumf>, %add3A_546, %reduce_min3A_547 [0] : vector<1024x1024xf32> to vector<1024xf32>
    %broadcast_in_dim3A_549 = vector.shape_cast %reduce_min3A_548 : vector<1024xf32> to vector<1x1024xf32>
    %iota3A_550 = tpu.iota {dimensions = array<i32: 0>} : vector<1024x1024xi32>
    %convert_element_type3A_551 = arith.sitofp %iota3A_550 : vector<1024x1024xi32> to vector<1024x1024xf32>
    %eq3A_552 = vector.broadcast %broadcast_in_dim3A_549 : vector<1x1024xf32> to vector<1024x1024xf32>
    %eq3A_553 = arith.cmpf oeq, %add3A_546, %eq3A_552 : vector<1024x1024xf32>
    %jit3A_554 = arith.constant 1.024000e+03 : f32
    %broadcast_in_dim3A_555 = vector.broadcast %jit3A_554 : f32 to vector<1024x1024xf32>
    %select_n3A_556 = arith.select %eq3A_553, %convert_element_type3A_551, %broadcast_in_dim3A_555 : vector<1024x1024xi1>, vector<1024x1024xf32>
    %reduce_min3A_557 = arith.constant dense<0x7F800000> : vector<1024xf32>
    %reduce_min3A_558 = vector.multi_reduction <minimumf>, %select_n3A_556, %reduce_min3A_557 [0] : vector<1024x1024xf32> to vector<1024xf32>
    %broadcast_in_dim3A_559 = vector.shape_cast %reduce_min3A_558 : vector<1024xf32> to vector<1x1024xf32>
    %sub3A_560 = vector.broadcast %broadcast_in_dim3A_549 : vector<1x1024xf32> to vector<1024x1024xf32>
    %sub3A_561 = arith.subf %sub3A_560, %add3A_546 : vector<1024x1024xf32>
    %exp3A_562 = math.exp %sub3A_561 : vector<1024x1024xf32>
    %reduce_sum3A_563 = arith.constant dense<0.000000e+00> : vector<1024xf32>
    %reduce_sum3A_564 = vector.multi_reduction <add>, %exp3A_562, %reduce_sum3A_563 [0] : vector<1024x1024xf32> to vector<1024xf32>
    %broadcast_in_dim3A_565 = vector.shape_cast %reduce_sum3A_564 : vector<1024xf32> to vector<1x1024xf32>
    %div3A_566 = arith.constant 1.000000e+00 : f32
    %div3A_567 = vector.broadcast %div3A_566 : f32 to vector<1x1024xf32>
    %div3A_568 = arith.divf %div3A_567, %broadcast_in_dim3A_565 : vector<1x1024xf32>
    %get3A_569 = arith.constant 1 : index
    %get3A_570 = arith.constant 0 : index
    %get3A_571 = arith.constant 0 : index
    %get3A_572 = vector.load %arg2[%get3A_569, %get3A_570, %get3A_571] : memref<2x256x256xf32, #tpu.memory_space<vmem>>, vector<1x256x256xf32>
    %get3A_573 = vector.shape_cast %get3A_572 : vector<1x256x256xf32> to vector<256x256xf32>
    %mul3A_574 = arith.mulf %get3A_573, %get3A_573 : vector<256x256xf32>
    %slice3A_575 = vector.extract_strided_slice %mul3A_574 {offsets = [0, 0], sizes = [128, 256], strides = [1, 1]} : vector<256x256xf32> to vector<128x256xf32>
    %slice3A_576 = vector.extract_strided_slice %mul3A_574 {offsets = [128, 0], sizes = [128, 256], strides = [1, 1]} : vector<256x256xf32> to vector<128x256xf32>
    %add3A_577 = arith.addf %slice3A_575, %slice3A_576 : vector<128x256xf32>
    %slice3A_578 = vector.extract_strided_slice %add3A_577 {offsets = [0, 0], sizes = [64, 256], strides = [1, 1]} : vector<128x256xf32> to vector<64x256xf32>
    %slice3A_579 = vector.extract_strided_slice %add3A_577 {offsets = [64, 0], sizes = [64, 256], strides = [1, 1]} : vector<128x256xf32> to vector<64x256xf32>
    %add3A_580 = arith.addf %slice3A_578, %slice3A_579 : vector<64x256xf32>
    %slice3A_581 = vector.extract_strided_slice %add3A_580 {offsets = [0, 0], sizes = [32, 256], strides = [1, 1]} : vector<64x256xf32> to vector<32x256xf32>
    %slice3A_582 = vector.extract_strided_slice %add3A_580 {offsets = [32, 0], sizes = [32, 256], strides = [1, 1]} : vector<64x256xf32> to vector<32x256xf32>
    %add3A_583 = arith.addf %slice3A_581, %slice3A_582 : vector<32x256xf32>
    %slice3A_584 = vector.extract_strided_slice %add3A_583 {offsets = [0, 0], sizes = [16, 256], strides = [1, 1]} : vector<32x256xf32> to vector<16x256xf32>
    %slice3A_585 = vector.extract_strided_slice %add3A_583 {offsets = [16, 0], sizes = [16, 256], strides = [1, 1]} : vector<32x256xf32> to vector<16x256xf32>
    %add3A_586 = arith.addf %slice3A_584, %slice3A_585 : vector<16x256xf32>
    %slice3A_587 = vector.extract_strided_slice %add3A_586 {offsets = [0, 0], sizes = [8, 256], strides = [1, 1]} : vector<16x256xf32> to vector<8x256xf32>
    %slice3A_588 = vector.extract_strided_slice %add3A_586 {offsets = [8, 0], sizes = [8, 256], strides = [1, 1]} : vector<16x256xf32> to vector<8x256xf32>
    %add3A_589 = arith.addf %slice3A_587, %slice3A_588 : vector<8x256xf32>
    %slice3A_590 = vector.extract_strided_slice %add3A_589 {offsets = [0, 0], sizes = [4, 256], strides = [1, 1]} : vector<8x256xf32> to vector<4x256xf32>
    %slice3A_591 = vector.extract_strided_slice %add3A_589 {offsets = [4, 0], sizes = [4, 256], strides = [1, 1]} : vector<8x256xf32> to vector<4x256xf32>
    %add3A_592 = arith.addf %slice3A_590, %slice3A_591 : vector<4x256xf32>
    %slice3A_593 = vector.extract_strided_slice %add3A_592 {offsets = [0, 0], sizes = [2, 256], strides = [1, 1]} : vector<4x256xf32> to vector<2x256xf32>
    %slice3A_594 = vector.extract_strided_slice %add3A_592 {offsets = [2, 0], sizes = [2, 256], strides = [1, 1]} : vector<4x256xf32> to vector<2x256xf32>
    %add3A_595 = arith.addf %slice3A_593, %slice3A_594 : vector<2x256xf32>
    %slice3A_596 = vector.extract_strided_slice %add3A_595 {offsets = [0, 0], sizes = [1, 256], strides = [1, 1]} : vector<2x256xf32> to vector<1x256xf32>
    %slice3A_597 = vector.extract_strided_slice %add3A_595 {offsets = [1, 0], sizes = [1, 256], strides = [1, 1]} : vector<2x256xf32> to vector<1x256xf32>
    %add3A_598 = arith.addf %slice3A_596, %slice3A_597 : vector<1x256xf32>
    %get3A_599 = arith.constant 0 : index
    %get3A_600 = arith.constant 0 : index
    %get3A_601 = vector.load %arg4[%get3A_599, %get3A_600] : memref<1024x256xf32, #tpu.memory_space<vmem>>, vector<1024x256xf32>
    %dot_general3A_602 = arith.constant dense<0.000000e+00> : vector<1024x256xf32>
    %dot_general3A_603 = tpu.matmul %get3A_601, %get3A_573, %dot_general3A_602 {dimension_numbers = #tpu.dot_dimension_numbers<[1], [0], [0], [1], [0, 0, 1, 1], [], []>, transpose_lhs_hint = false} : vector<1024x256xf32>, vector<256x256xf32>, vector<1024x256xf32> -> vector<1024x256xf32>
    %mul3A_604 = arith.constant 2.000000e+00 : f32
    %mul3A_605 = vector.broadcast %mul3A_604 : f32 to vector<1024x256xf32>
    %mul3A_606 = arith.mulf %mul3A_605, %dot_general3A_603 : vector<1024x256xf32>
    %sub3A_607 = vector.broadcast %add3A_598 : vector<1x256xf32> to vector<1024x256xf32>
    %sub3A_608 = arith.subf %sub3A_607, %mul3A_606 : vector<1024x256xf32>
    %add3A_609 = vector.broadcast %get3A_1 : vector<1024x1xf32> to vector<1024x256xf32>
    %add3A_610 = arith.addf %sub3A_608, %add3A_609 : vector<1024x256xf32>
    %reduce_min3A_611 = arith.constant dense<0x7F800000> : vector<256xf32>
    %reduce_min3A_612 = vector.multi_reduction <minimumf>, %add3A_610, %reduce_min3A_611 [0] : vector<1024x256xf32> to vector<256xf32>
    %broadcast_in_dim3A_613 = vector.shape_cast %reduce_min3A_612 : vector<256xf32> to vector<1x256xf32>
    %iota3A_614 = tpu.iota {dimensions = array<i32: 0>} : vector<1024x256xi32>
    %convert_element_type3A_615 = arith.sitofp %iota3A_614 : vector<1024x256xi32> to vector<1024x256xf32>
    %eq3A_616 = vector.broadcast %broadcast_in_dim3A_613 : vector<1x256xf32> to vector<1024x256xf32>
    %eq3A_617 = arith.cmpf oeq, %add3A_610, %eq3A_616 : vector<1024x256xf32>
    %jit3A_618 = arith.constant 1.024000e+03 : f32
    %broadcast_in_dim3A_619 = vector.broadcast %jit3A_618 : f32 to vector<1024x256xf32>
    %select_n3A_620 = arith.select %eq3A_617, %convert_element_type3A_615, %broadcast_in_dim3A_619 : vector<1024x256xi1>, vector<1024x256xf32>
    %reduce_min3A_621 = arith.constant dense<0x7F800000> : vector<256xf32>
    %reduce_min3A_622 = vector.multi_reduction <minimumf>, %select_n3A_620, %reduce_min3A_621 [0] : vector<1024x256xf32> to vector<256xf32>
    %broadcast_in_dim3A_623 = vector.shape_cast %reduce_min3A_622 : vector<256xf32> to vector<1x256xf32>
    %sub3A_624 = vector.broadcast %broadcast_in_dim3A_613 : vector<1x256xf32> to vector<1024x256xf32>
    %sub3A_625 = arith.subf %sub3A_624, %add3A_610 : vector<1024x256xf32>
    %exp3A_626 = math.exp %sub3A_625 : vector<1024x256xf32>
    %reduce_sum3A_627 = arith.constant dense<0.000000e+00> : vector<256xf32>
    %reduce_sum3A_628 = vector.multi_reduction <add>, %exp3A_626, %reduce_sum3A_627 [0] : vector<1024x256xf32> to vector<256xf32>
    %broadcast_in_dim3A_629 = vector.shape_cast %reduce_sum3A_628 : vector<256xf32> to vector<1x256xf32>
    %div3A_630 = arith.constant 1.000000e+00 : f32
    %div3A_631 = vector.broadcast %div3A_630 : f32 to vector<1x256xf32>
    %div3A_632 = arith.divf %div3A_631, %broadcast_in_dim3A_629 : vector<1x256xf32>
    %get3A_633 = arith.constant 1 : index
    %get3A_634 = arith.constant 0 : index
    %get3A_635 = arith.constant 0 : index
    %get3A_636 = vector.load %arg3[%get3A_633, %get3A_634, %get3A_635] : memref<2x256x64xf32, #tpu.memory_space<vmem>>, vector<1x256x64xf32>
    %get3A_637 = vector.shape_cast %get3A_636 : vector<1x256x64xf32> to vector<256x64xf32>
    %mul3A_638 = arith.mulf %get3A_637, %get3A_637 : vector<256x64xf32>
    %slice3A_639 = vector.extract_strided_slice %mul3A_638 {offsets = [0, 0], sizes = [128, 64], strides = [1, 1]} : vector<256x64xf32> to vector<128x64xf32>
    %slice3A_640 = vector.extract_strided_slice %mul3A_638 {offsets = [128, 0], sizes = [128, 64], strides = [1, 1]} : vector<256x64xf32> to vector<128x64xf32>
    %add3A_641 = arith.addf %slice3A_639, %slice3A_640 : vector<128x64xf32>
    %slice3A_642 = vector.extract_strided_slice %add3A_641 {offsets = [0, 0], sizes = [64, 64], strides = [1, 1]} : vector<128x64xf32> to vector<64x64xf32>
    %slice3A_643 = vector.extract_strided_slice %add3A_641 {offsets = [64, 0], sizes = [64, 64], strides = [1, 1]} : vector<128x64xf32> to vector<64x64xf32>
    %add3A_644 = arith.addf %slice3A_642, %slice3A_643 : vector<64x64xf32>
    %slice3A_645 = vector.extract_strided_slice %add3A_644 {offsets = [0, 0], sizes = [32, 64], strides = [1, 1]} : vector<64x64xf32> to vector<32x64xf32>
    %slice3A_646 = vector.extract_strided_slice %add3A_644 {offsets = [32, 0], sizes = [32, 64], strides = [1, 1]} : vector<64x64xf32> to vector<32x64xf32>
    %add3A_647 = arith.addf %slice3A_645, %slice3A_646 : vector<32x64xf32>
    %slice3A_648 = vector.extract_strided_slice %add3A_647 {offsets = [0, 0], sizes = [16, 64], strides = [1, 1]} : vector<32x64xf32> to vector<16x64xf32>
    %slice3A_649 = vector.extract_strided_slice %add3A_647 {offsets = [16, 0], sizes = [16, 64], strides = [1, 1]} : vector<32x64xf32> to vector<16x64xf32>
    %add3A_650 = arith.addf %slice3A_648, %slice3A_649 : vector<16x64xf32>
    %slice3A_651 = vector.extract_strided_slice %add3A_650 {offsets = [0, 0], sizes = [8, 64], strides = [1, 1]} : vector<16x64xf32> to vector<8x64xf32>
    %slice3A_652 = vector.extract_strided_slice %add3A_650 {offsets = [8, 0], sizes = [8, 64], strides = [1, 1]} : vector<16x64xf32> to vector<8x64xf32>
    %add3A_653 = arith.addf %slice3A_651, %slice3A_652 : vector<8x64xf32>
    %slice3A_654 = vector.extract_strided_slice %add3A_653 {offsets = [0, 0], sizes = [4, 64], strides = [1, 1]} : vector<8x64xf32> to vector<4x64xf32>
    %slice3A_655 = vector.extract_strided_slice %add3A_653 {offsets = [4, 0], sizes = [4, 64], strides = [1, 1]} : vector<8x64xf32> to vector<4x64xf32>
    %add3A_656 = arith.addf %slice3A_654, %slice3A_655 : vector<4x64xf32>
    %slice3A_657 = vector.extract_strided_slice %add3A_656 {offsets = [0, 0], sizes = [2, 64], strides = [1, 1]} : vector<4x64xf32> to vector<2x64xf32>
    %slice3A_658 = vector.extract_strided_slice %add3A_656 {offsets = [2, 0], sizes = [2, 64], strides = [1, 1]} : vector<4x64xf32> to vector<2x64xf32>
    %add3A_659 = arith.addf %slice3A_657, %slice3A_658 : vector<2x64xf32>
    %slice3A_660 = vector.extract_strided_slice %add3A_659 {offsets = [0, 0], sizes = [1, 64], strides = [1, 1]} : vector<2x64xf32> to vector<1x64xf32>
    %slice3A_661 = vector.extract_strided_slice %add3A_659 {offsets = [1, 0], sizes = [1, 64], strides = [1, 1]} : vector<2x64xf32> to vector<1x64xf32>
    %add3A_662 = arith.addf %slice3A_660, %slice3A_661 : vector<1x64xf32>
    %get3A_663 = arith.constant 0 : index
    %get3A_664 = arith.constant 0 : index
    %get3A_665 = vector.load %arg4[%get3A_663, %get3A_664] : memref<1024x256xf32, #tpu.memory_space<vmem>>, vector<1024x256xf32>
    %dot_general3A_666 = arith.constant dense<0.000000e+00> : vector<1024x64xf32>
    %dot_general3A_667 = tpu.matmul %get3A_665, %get3A_637, %dot_general3A_666 {dimension_numbers = #tpu.dot_dimension_numbers<[1], [0], [0], [1], [0, 0, 1, 1], [], []>, transpose_lhs_hint = false} : vector<1024x256xf32>, vector<256x64xf32>, vector<1024x64xf32> -> vector<1024x64xf32>
    %mul3A_668 = arith.constant 2.000000e+00 : f32
    %mul3A_669 = vector.broadcast %mul3A_668 : f32 to vector<1024x64xf32>
    %mul3A_670 = arith.mulf %mul3A_669, %dot_general3A_667 : vector<1024x64xf32>
    %sub3A_671 = vector.broadcast %add3A_662 : vector<1x64xf32> to vector<1024x64xf32>
    %sub3A_672 = arith.subf %sub3A_671, %mul3A_670 : vector<1024x64xf32>
    %add3A_673 = vector.broadcast %get3A_1 : vector<1024x1xf32> to vector<1024x64xf32>
    %add3A_674 = arith.addf %sub3A_672, %add3A_673 : vector<1024x64xf32>
    %reduce_min3A_675 = arith.constant dense<0x7F800000> : vector<64xf32>
    %reduce_min3A_676 = vector.multi_reduction <minimumf>, %add3A_674, %reduce_min3A_675 [0] : vector<1024x64xf32> to vector<64xf32>
    %broadcast_in_dim3A_677 = vector.shape_cast %reduce_min3A_676 : vector<64xf32> to vector<1x64xf32>
    %iota3A_678 = tpu.iota {dimensions = array<i32: 0>} : vector<1024x64xi32>
    %convert_element_type3A_679 = arith.sitofp %iota3A_678 : vector<1024x64xi32> to vector<1024x64xf32>
    %eq3A_680 = vector.broadcast %broadcast_in_dim3A_677 : vector<1x64xf32> to vector<1024x64xf32>
    %eq3A_681 = arith.cmpf oeq, %add3A_674, %eq3A_680 : vector<1024x64xf32>
    %jit3A_682 = arith.constant 1.024000e+03 : f32
    %broadcast_in_dim3A_683 = vector.broadcast %jit3A_682 : f32 to vector<1024x64xf32>
    %select_n3A_684 = arith.select %eq3A_681, %convert_element_type3A_679, %broadcast_in_dim3A_683 : vector<1024x64xi1>, vector<1024x64xf32>
    %reduce_min3A_685 = arith.constant dense<0x7F800000> : vector<64xf32>
    %reduce_min3A_686 = vector.multi_reduction <minimumf>, %select_n3A_684, %reduce_min3A_685 [0] : vector<1024x64xf32> to vector<64xf32>
    %broadcast_in_dim3A_687 = vector.shape_cast %reduce_min3A_686 : vector<64xf32> to vector<1x64xf32>
    %sub3A_688 = vector.broadcast %broadcast_in_dim3A_677 : vector<1x64xf32> to vector<1024x64xf32>
    %sub3A_689 = arith.subf %sub3A_688, %add3A_674 : vector<1024x64xf32>
    %exp3A_690 = math.exp %sub3A_689 : vector<1024x64xf32>
    %reduce_sum3A_691 = arith.constant dense<0.000000e+00> : vector<64xf32>
    %reduce_sum3A_692 = vector.multi_reduction <add>, %exp3A_690, %reduce_sum3A_691 [0] : vector<1024x64xf32> to vector<64xf32>
    %broadcast_in_dim3A_693 = vector.shape_cast %reduce_sum3A_692 : vector<64xf32> to vector<1x64xf32>
    %div3A_694 = arith.constant 1.000000e+00 : f32
    %div3A_695 = vector.broadcast %div3A_694 : f32 to vector<1x64xf32>
    %div3A_696 = arith.divf %div3A_695, %broadcast_in_dim3A_693 : vector<1x64xf32>
    %get3A_697 = arith.constant 1 : index
    %get3A_698 = arith.constant 0 : index
    %get3A_699 = arith.constant 0 : index
    %get3A_700 = vector.load %arg1[%get3A_697, %get3A_698, %get3A_699] : memref<2x256x1024xf32, #tpu.memory_space<vmem>>, vector<1x256x1024xf32>
    %get3A_701 = vector.shape_cast %get3A_700 : vector<1x256x1024xf32> to vector<256x1024xf32>
    %mul3A_702 = arith.mulf %get3A_701, %get3A_701 : vector<256x1024xf32>
    %slice3A_703 = vector.extract_strided_slice %mul3A_702 {offsets = [0, 0], sizes = [128, 1024], strides = [1, 1]} : vector<256x1024xf32> to vector<128x1024xf32>
    %slice3A_704 = vector.extract_strided_slice %mul3A_702 {offsets = [128, 0], sizes = [128, 1024], strides = [1, 1]} : vector<256x1024xf32> to vector<128x1024xf32>
    %add3A_705 = arith.addf %slice3A_703, %slice3A_704 : vector<128x1024xf32>
    %slice3A_706 = vector.extract_strided_slice %add3A_705 {offsets = [0, 0], sizes = [64, 1024], strides = [1, 1]} : vector<128x1024xf32> to vector<64x1024xf32>
    %slice3A_707 = vector.extract_strided_slice %add3A_705 {offsets = [64, 0], sizes = [64, 1024], strides = [1, 1]} : vector<128x1024xf32> to vector<64x1024xf32>
    %add3A_708 = arith.addf %slice3A_706, %slice3A_707 : vector<64x1024xf32>
    %slice3A_709 = vector.extract_strided_slice %add3A_708 {offsets = [0, 0], sizes = [32, 1024], strides = [1, 1]} : vector<64x1024xf32> to vector<32x1024xf32>
    %slice3A_710 = vector.extract_strided_slice %add3A_708 {offsets = [32, 0], sizes = [32, 1024], strides = [1, 1]} : vector<64x1024xf32> to vector<32x1024xf32>
    %add3A_711 = arith.addf %slice3A_709, %slice3A_710 : vector<32x1024xf32>
    %slice3A_712 = vector.extract_strided_slice %add3A_711 {offsets = [0, 0], sizes = [16, 1024], strides = [1, 1]} : vector<32x1024xf32> to vector<16x1024xf32>
    %slice3A_713 = vector.extract_strided_slice %add3A_711 {offsets = [16, 0], sizes = [16, 1024], strides = [1, 1]} : vector<32x1024xf32> to vector<16x1024xf32>
    %add3A_714 = arith.addf %slice3A_712, %slice3A_713 : vector<16x1024xf32>
    %slice3A_715 = vector.extract_strided_slice %add3A_714 {offsets = [0, 0], sizes = [8, 1024], strides = [1, 1]} : vector<16x1024xf32> to vector<8x1024xf32>
    %slice3A_716 = vector.extract_strided_slice %add3A_714 {offsets = [8, 0], sizes = [8, 1024], strides = [1, 1]} : vector<16x1024xf32> to vector<8x1024xf32>
    %add3A_717 = arith.addf %slice3A_715, %slice3A_716 : vector<8x1024xf32>
    %slice3A_718 = vector.extract_strided_slice %add3A_717 {offsets = [0, 0], sizes = [4, 1024], strides = [1, 1]} : vector<8x1024xf32> to vector<4x1024xf32>
    %slice3A_719 = vector.extract_strided_slice %add3A_717 {offsets = [4, 0], sizes = [4, 1024], strides = [1, 1]} : vector<8x1024xf32> to vector<4x1024xf32>
    %add3A_720 = arith.addf %slice3A_718, %slice3A_719 : vector<4x1024xf32>
    %slice3A_721 = vector.extract_strided_slice %add3A_720 {offsets = [0, 0], sizes = [2, 1024], strides = [1, 1]} : vector<4x1024xf32> to vector<2x1024xf32>
    %slice3A_722 = vector.extract_strided_slice %add3A_720 {offsets = [2, 0], sizes = [2, 1024], strides = [1, 1]} : vector<4x1024xf32> to vector<2x1024xf32>
    %add3A_723 = arith.addf %slice3A_721, %slice3A_722 : vector<2x1024xf32>
    %slice3A_724 = vector.extract_strided_slice %add3A_723 {offsets = [0, 0], sizes = [1, 1024], strides = [1, 1]} : vector<2x1024xf32> to vector<1x1024xf32>
    %slice3A_725 = vector.extract_strided_slice %add3A_723 {offsets = [1, 0], sizes = [1, 1024], strides = [1, 1]} : vector<2x1024xf32> to vector<1x1024xf32>
    %add3A_726 = arith.addf %slice3A_724, %slice3A_725 : vector<1x1024xf32>
    %get3A_727 = arith.constant 0 : index
    %get3A_728 = arith.constant 0 : index
    %get3A_729 = vector.load %arg5[%get3A_727, %get3A_728] : memref<1024x256xf32, #tpu.memory_space<vmem>>, vector<1024x256xf32>
    %dot_general3A_730 = arith.constant dense<0.000000e+00> : vector<1024x1024xf32>
    %dot_general3A_731 = tpu.matmul %get3A_729, %get3A_701, %dot_general3A_730 {dimension_numbers = #tpu.dot_dimension_numbers<[1], [0], [0], [1], [0, 0, 1, 1], [], []>, transpose_lhs_hint = false} : vector<1024x256xf32>, vector<256x1024xf32>, vector<1024x1024xf32> -> vector<1024x1024xf32>
    %mul3A_732 = arith.constant 2.000000e+00 : f32
    %mul3A_733 = vector.broadcast %mul3A_732 : f32 to vector<1024x1024xf32>
    %mul3A_734 = arith.mulf %mul3A_733, %dot_general3A_731 : vector<1024x1024xf32>
    %sub3A_735 = vector.broadcast %add3A_726 : vector<1x1024xf32> to vector<1024x1024xf32>
    %sub3A_736 = arith.subf %sub3A_735, %mul3A_734 : vector<1024x1024xf32>
    %add3A_737 = vector.broadcast %get3A_4 : vector<1024x1xf32> to vector<1024x1024xf32>
    %add3A_738 = arith.addf %sub3A_736, %add3A_737 : vector<1024x1024xf32>
    %reduce_min3A_739 = arith.constant dense<0x7F800000> : vector<1024xf32>
    %reduce_min3A_740 = vector.multi_reduction <minimumf>, %add3A_738, %reduce_min3A_739 [0] : vector<1024x1024xf32> to vector<1024xf32>
    %broadcast_in_dim3A_741 = vector.shape_cast %reduce_min3A_740 : vector<1024xf32> to vector<1x1024xf32>
    %iota3A_742 = tpu.iota {dimensions = array<i32: 0>} : vector<1024x1024xi32>
    %convert_element_type3A_743 = arith.sitofp %iota3A_742 : vector<1024x1024xi32> to vector<1024x1024xf32>
    %eq3A_744 = vector.broadcast %broadcast_in_dim3A_741 : vector<1x1024xf32> to vector<1024x1024xf32>
    %eq3A_745 = arith.cmpf oeq, %add3A_738, %eq3A_744 : vector<1024x1024xf32>
    %jit3A_746 = arith.constant 1.024000e+03 : f32
    %broadcast_in_dim3A_747 = vector.broadcast %jit3A_746 : f32 to vector<1024x1024xf32>
    %select_n3A_748 = arith.select %eq3A_745, %convert_element_type3A_743, %broadcast_in_dim3A_747 : vector<1024x1024xi1>, vector<1024x1024xf32>
    %reduce_min3A_749 = arith.constant dense<0x7F800000> : vector<1024xf32>
    %reduce_min3A_750 = vector.multi_reduction <minimumf>, %select_n3A_748, %reduce_min3A_749 [0] : vector<1024x1024xf32> to vector<1024xf32>
    %broadcast_in_dim3A_751 = vector.shape_cast %reduce_min3A_750 : vector<1024xf32> to vector<1x1024xf32>
    %iota3A_752 = tpu.iota {dimensions = array<i32: 1>} : vector<1x256xi32>
    %jit3A_753 = arith.constant 16 : i32
    %div3A_754 = vector.broadcast %jit3A_753 : i32 to vector<1x256xi32>
    %div3A_755 = arith.divsi %iota3A_752, %div3A_754 : vector<1x256xi32>
    %sign3A_756 = arith.constant 0 : i32
    %sign3A_757 = vector.broadcast %sign3A_756 : i32 to vector<1x256xi32>
    %sign3A_758 = arith.cmpi sgt, %iota3A_752, %sign3A_757 : vector<1x256xi32>
    %sign3A_759 = arith.extui %sign3A_758 : vector<1x256xi1> to vector<1x256xi32>
    %sign3A_760 = arith.constant 0 : i32
    %sign3A_761 = vector.broadcast %sign3A_760 : i32 to vector<1x256xi32>
    %sign3A_762 = arith.cmpi slt, %iota3A_752, %sign3A_761 : vector<1x256xi32>
    %sign3A_763 = arith.extui %sign3A_762 : vector<1x256xi1> to vector<1x256xi32>
    %sign3A_764 = arith.subi %sign3A_759, %sign3A_763 : vector<1x256xi32>
    %sign3A_765 = arith.constant 0 : i32
    %sign3A_766 = arith.cmpi sgt, %jit3A_753, %sign3A_765 : i32
    %sign3A_767 = arith.extui %sign3A_766 : i1 to i32
    %sign3A_768 = arith.constant 0 : i32
    %sign3A_769 = arith.cmpi slt, %jit3A_753, %sign3A_768 : i32
    %sign3A_770 = arith.extui %sign3A_769 : i1 to i32
    %sign3A_771 = arith.subi %sign3A_767, %sign3A_770 : i32
    %ne3A_772 = vector.broadcast %sign3A_771 : i32 to vector<1x256xi32>
    %ne3A_773 = arith.cmpi ne, %sign3A_764, %ne3A_772 : vector<1x256xi32>
    %rem3A_774 = vector.broadcast %jit3A_753 : i32 to vector<1x256xi32>
    %rem3A_775 = arith.remsi %iota3A_752, %rem3A_774 : vector<1x256xi32>
    %ne3A_776 = arith.constant 0 : i32
    %ne3A_777 = vector.broadcast %ne3A_776 : i32 to vector<1x256xi32>
    %ne3A_778 = arith.cmpi ne, %rem3A_775, %ne3A_777 : vector<1x256xi32>
    %and3A_779 = arith.andi %ne3A_773, %ne3A_778 : vector<1x256xi1>
    %sub3A_780 = arith.constant 1 : i32
    %sub3A_781 = vector.broadcast %sub3A_780 : i32 to vector<1x256xi32>
    %sub3A_782 = arith.subi %div3A_755, %sub3A_781 : vector<1x256xi32>
    %select_n3A_783 = arith.select %and3A_779, %sub3A_782, %div3A_755 : vector<1x256xi1>, vector<1x256xi32>
    %jit3A_784 = arith.constant 2 : i32
    %div3A_785 = vector.broadcast %jit3A_784 : i32 to vector<1x256xi32>
    %div3A_786 = arith.divsi %select_n3A_783, %div3A_785 : vector<1x256xi32>
    %sign3A_787 = arith.constant 0 : i32
    %sign3A_788 = vector.broadcast %sign3A_787 : i32 to vector<1x256xi32>
    %sign3A_789 = arith.cmpi sgt, %select_n3A_783, %sign3A_788 : vector<1x256xi32>
    %sign3A_790 = arith.extui %sign3A_789 : vector<1x256xi1> to vector<1x256xi32>
    %sign3A_791 = arith.constant 0 : i32
    %sign3A_792 = vector.broadcast %sign3A_791 : i32 to vector<1x256xi32>
    %sign3A_793 = arith.cmpi slt, %select_n3A_783, %sign3A_792 : vector<1x256xi32>
    %sign3A_794 = arith.extui %sign3A_793 : vector<1x256xi1> to vector<1x256xi32>
    %sign3A_795 = arith.subi %sign3A_790, %sign3A_794 : vector<1x256xi32>
    %sign3A_796 = arith.constant 0 : i32
    %sign3A_797 = arith.cmpi sgt, %jit3A_784, %sign3A_796 : i32
    %sign3A_798 = arith.extui %sign3A_797 : i1 to i32
    %sign3A_799 = arith.constant 0 : i32
    %sign3A_800 = arith.cmpi slt, %jit3A_784, %sign3A_799 : i32
    %sign3A_801 = arith.extui %sign3A_800 : i1 to i32
    %sign3A_802 = arith.subi %sign3A_798, %sign3A_801 : i32
    %ne3A_803 = vector.broadcast %sign3A_802 : i32 to vector<1x256xi32>
    %ne3A_804 = arith.cmpi ne, %sign3A_795, %ne3A_803 : vector<1x256xi32>
    %rem3A_805 = vector.broadcast %jit3A_784 : i32 to vector<1x256xi32>
    %rem3A_806 = arith.remsi %select_n3A_783, %rem3A_805 : vector<1x256xi32>
    %ne3A_807 = arith.constant 0 : i32
    %ne3A_808 = vector.broadcast %ne3A_807 : i32 to vector<1x256xi32>
    %ne3A_809 = arith.cmpi ne, %rem3A_806, %ne3A_808 : vector<1x256xi32>
    %and3A_810 = arith.andi %ne3A_804, %ne3A_809 : vector<1x256xi1>
    %sub3A_811 = arith.constant 1 : i32
    %sub3A_812 = vector.broadcast %sub3A_811 : i32 to vector<1x256xi32>
    %sub3A_813 = arith.subi %div3A_786, %sub3A_812 : vector<1x256xi32>
    %select_n3A_814 = arith.select %and3A_810, %sub3A_813, %div3A_786 : vector<1x256xi1>, vector<1x256xi32>
    %mul3A_815 = arith.constant 8 : i32
    %mul3A_816 = vector.broadcast %mul3A_815 : i32 to vector<1x256xi32>
    %mul3A_817 = arith.muli %select_n3A_814, %mul3A_816 : vector<1x256xi32>
    %jit3A_818 = arith.constant 16 : i32
    %eq3A_819 = arith.constant 0 : i32
    %eq3A_820 = arith.cmpi eq, %jit3A_818, %eq3A_819 : i32
    %jit3A_821 = arith.constant 1 : i32
    %select_n3A_822 = arith.select %eq3A_820, %jit3A_821, %jit3A_818 : i32
    %rem3A_823 = vector.broadcast %select_n3A_822 : i32 to vector<1x256xi32>
    %rem3A_824 = arith.remsi %iota3A_752, %rem3A_823 : vector<1x256xi32>
    %ne3A_825 = arith.constant 0 : i32
    %ne3A_826 = vector.broadcast %ne3A_825 : i32 to vector<1x256xi32>
    %ne3A_827 = arith.cmpi ne, %rem3A_824, %ne3A_826 : vector<1x256xi32>
    %lt3A_828 = arith.constant 0 : i32
    %lt3A_829 = vector.broadcast %lt3A_828 : i32 to vector<1x256xi32>
    %lt3A_830 = arith.cmpi slt, %rem3A_824, %lt3A_829 : vector<1x256xi32>
    %lt3A_831 = arith.constant 0 : i32
    %lt3A_832 = arith.cmpi slt, %select_n3A_822, %lt3A_831 : i32
    %ne3A_833 = vector.broadcast %lt3A_832 : i1 to vector<1x256xi1>
    %ne3A_834 = vector.broadcast %ne3A_833 : vector<1x256xi1> to vector<1x256xi1>
    %ne3A_835 = arith.xori %lt3A_830, %ne3A_834 : vector<1x256xi1>
    %and3A_836 = arith.andi %ne3A_835, %ne3A_827 : vector<1x256xi1>
    %add3A_837 = vector.broadcast %select_n3A_822 : i32 to vector<1x256xi32>
    %add3A_838 = arith.addi %rem3A_824, %add3A_837 : vector<1x256xi32>
    %select_n3A_839 = arith.select %and3A_836, %add3A_838, %rem3A_824 : vector<1x256xi1>, vector<1x256xi32>
    %jit3A_840 = arith.constant 2 : i32
    %div3A_841 = vector.broadcast %jit3A_840 : i32 to vector<1x256xi32>
    %div3A_842 = arith.divsi %select_n3A_839, %div3A_841 : vector<1x256xi32>
    %sign3A_843 = arith.constant 0 : i32
    %sign3A_844 = vector.broadcast %sign3A_843 : i32 to vector<1x256xi32>
    %sign3A_845 = arith.cmpi sgt, %select_n3A_839, %sign3A_844 : vector<1x256xi32>
    %sign3A_846 = arith.extui %sign3A_845 : vector<1x256xi1> to vector<1x256xi32>
    %sign3A_847 = arith.constant 0 : i32
    %sign3A_848 = vector.broadcast %sign3A_847 : i32 to vector<1x256xi32>
    %sign3A_849 = arith.cmpi slt, %select_n3A_839, %sign3A_848 : vector<1x256xi32>
    %sign3A_850 = arith.extui %sign3A_849 : vector<1x256xi1> to vector<1x256xi32>
    %sign3A_851 = arith.subi %sign3A_846, %sign3A_850 : vector<1x256xi32>
    %sign3A_852 = arith.constant 0 : i32
    %sign3A_853 = arith.cmpi sgt, %jit3A_840, %sign3A_852 : i32
    %sign3A_854 = arith.extui %sign3A_853 : i1 to i32
    %sign3A_855 = arith.constant 0 : i32
    %sign3A_856 = arith.cmpi slt, %jit3A_840, %sign3A_855 : i32
    %sign3A_857 = arith.extui %sign3A_856 : i1 to i32
    %sign3A_858 = arith.subi %sign3A_854, %sign3A_857 : i32
    %ne3A_859 = vector.broadcast %sign3A_858 : i32 to vector<1x256xi32>
    %ne3A_860 = arith.cmpi ne, %sign3A_851, %ne3A_859 : vector<1x256xi32>
    %rem3A_861 = vector.broadcast %jit3A_840 : i32 to vector<1x256xi32>
    %rem3A_862 = arith.remsi %select_n3A_839, %rem3A_861 : vector<1x256xi32>
    %ne3A_863 = arith.constant 0 : i32
    %ne3A_864 = vector.broadcast %ne3A_863 : i32 to vector<1x256xi32>
    %ne3A_865 = arith.cmpi ne, %rem3A_862, %ne3A_864 : vector<1x256xi32>
    %and3A_866 = arith.andi %ne3A_860, %ne3A_865 : vector<1x256xi1>
    %sub3A_867 = arith.constant 1 : i32
    %sub3A_868 = vector.broadcast %sub3A_867 : i32 to vector<1x256xi32>
    %sub3A_869 = arith.subi %div3A_842, %sub3A_868 : vector<1x256xi32>
    %select_n3A_870 = arith.select %and3A_866, %sub3A_869, %div3A_842 : vector<1x256xi1>, vector<1x256xi32>
    %add3A_871 = arith.addi %mul3A_817, %select_n3A_870 : vector<1x256xi32>
    %iota3A_872 = tpu.iota {dimensions = array<i32: 0>} : vector<64x256xi32>
    %eq3A_873 = vector.broadcast %add3A_871 : vector<1x256xi32> to vector<64x256xi32>
    %eq3A_874 = arith.cmpi eq, %iota3A_872, %eq3A_873 : vector<64x256xi32>
    %convert_element_type3A_875 = arith.extui %eq3A_874 : vector<64x256xi1> to vector<64x256xi32>
    %convert_element_type3A_876 = arith.sitofp %convert_element_type3A_875 : vector<64x256xi32> to vector<64x256xf32>
    %concatenate3A_877 = tpu.concatenate %div3A_696, %broadcast_in_dim3A_687 in 0 : vector<1x64xf32>, vector<1x64xf32> -> vector<2x64xf32>
    %dot_general3A_878 = arith.constant dense<0.000000e+00> : vector<2x256xf32>
    %dot_general3A_879 = tpu.matmul %concatenate3A_877, %convert_element_type3A_876, %dot_general3A_878 {dimension_numbers = #tpu.dot_dimension_numbers<[1], [0], [0], [1], [0, 0, 1, 1], [], []>, precision = #tpu.contract_precision<fp32>, transpose_lhs_hint = false} : vector<2x64xf32>, vector<64x256xf32>, vector<2x256xf32> -> vector<2x256xf32>
    %slice3A_880 = vector.extract_strided_slice %dot_general3A_879 {offsets = [0, 0], sizes = [1, 256], strides = [1, 1]} : vector<2x256xf32> to vector<1x256xf32>
    %gt3A_881 = arith.cmpf ogt, %slice3A_880, %div3A_632 : vector<1x256xf32>
    %slice3A_882 = vector.extract_strided_slice %dot_general3A_879 {offsets = [0, 0], sizes = [1, 256], strides = [1, 1]} : vector<2x256xf32> to vector<1x256xf32>
    %select_n3A_883 = arith.select %gt3A_881, %slice3A_882, %div3A_632 : vector<1x256xi1>, vector<1x256xf32>
    %slice3A_884 = vector.extract_strided_slice %dot_general3A_879 {offsets = [1, 0], sizes = [1, 256], strides = [1, 1]} : vector<2x256xf32> to vector<1x256xf32>
    %select_n3A_885 = arith.select %gt3A_881, %slice3A_884, %broadcast_in_dim3A_623 : vector<1x256xi1>, vector<1x256xf32>
    %iota3A_886 = tpu.iota {dimensions = array<i32: 1>} : vector<1x1024xi32>
    %jit3A_887 = arith.constant 32 : i32
    %div3A_888 = vector.broadcast %jit3A_887 : i32 to vector<1x1024xi32>
    %div3A_889 = arith.divsi %iota3A_886, %div3A_888 : vector<1x1024xi32>
    %sign3A_890 = arith.constant 0 : i32
    %sign3A_891 = vector.broadcast %sign3A_890 : i32 to vector<1x1024xi32>
    %sign3A_892 = arith.cmpi sgt, %iota3A_886, %sign3A_891 : vector<1x1024xi32>
    %sign3A_893 = arith.extui %sign3A_892 : vector<1x1024xi1> to vector<1x1024xi32>
    %sign3A_894 = arith.constant 0 : i32
    %sign3A_895 = vector.broadcast %sign3A_894 : i32 to vector<1x1024xi32>
    %sign3A_896 = arith.cmpi slt, %iota3A_886, %sign3A_895 : vector<1x1024xi32>
    %sign3A_897 = arith.extui %sign3A_896 : vector<1x1024xi1> to vector<1x1024xi32>
    %sign3A_898 = arith.subi %sign3A_893, %sign3A_897 : vector<1x1024xi32>
    %sign3A_899 = arith.constant 0 : i32
    %sign3A_900 = arith.cmpi sgt, %jit3A_887, %sign3A_899 : i32
    %sign3A_901 = arith.extui %sign3A_900 : i1 to i32
    %sign3A_902 = arith.constant 0 : i32
    %sign3A_903 = arith.cmpi slt, %jit3A_887, %sign3A_902 : i32
    %sign3A_904 = arith.extui %sign3A_903 : i1 to i32
    %sign3A_905 = arith.subi %sign3A_901, %sign3A_904 : i32
    %ne3A_906 = vector.broadcast %sign3A_905 : i32 to vector<1x1024xi32>
    %ne3A_907 = arith.cmpi ne, %sign3A_898, %ne3A_906 : vector<1x1024xi32>
    %rem3A_908 = vector.broadcast %jit3A_887 : i32 to vector<1x1024xi32>
    %rem3A_909 = arith.remsi %iota3A_886, %rem3A_908 : vector<1x1024xi32>
    %ne3A_910 = arith.constant 0 : i32
    %ne3A_911 = vector.broadcast %ne3A_910 : i32 to vector<1x1024xi32>
    %ne3A_912 = arith.cmpi ne, %rem3A_909, %ne3A_911 : vector<1x1024xi32>
    %and3A_913 = arith.andi %ne3A_907, %ne3A_912 : vector<1x1024xi1>
    %sub3A_914 = arith.constant 1 : i32
    %sub3A_915 = vector.broadcast %sub3A_914 : i32 to vector<1x1024xi32>
    %sub3A_916 = arith.subi %div3A_889, %sub3A_915 : vector<1x1024xi32>
    %select_n3A_917 = arith.select %and3A_913, %sub3A_916, %div3A_889 : vector<1x1024xi1>, vector<1x1024xi32>
    %jit3A_918 = arith.constant 2 : i32
    %div3A_919 = vector.broadcast %jit3A_918 : i32 to vector<1x1024xi32>
    %div3A_920 = arith.divsi %select_n3A_917, %div3A_919 : vector<1x1024xi32>
    %sign3A_921 = arith.constant 0 : i32
    %sign3A_922 = vector.broadcast %sign3A_921 : i32 to vector<1x1024xi32>
    %sign3A_923 = arith.cmpi sgt, %select_n3A_917, %sign3A_922 : vector<1x1024xi32>
    %sign3A_924 = arith.extui %sign3A_923 : vector<1x1024xi1> to vector<1x1024xi32>
    %sign3A_925 = arith.constant 0 : i32
    %sign3A_926 = vector.broadcast %sign3A_925 : i32 to vector<1x1024xi32>
    %sign3A_927 = arith.cmpi slt, %select_n3A_917, %sign3A_926 : vector<1x1024xi32>
    %sign3A_928 = arith.extui %sign3A_927 : vector<1x1024xi1> to vector<1x1024xi32>
    %sign3A_929 = arith.subi %sign3A_924, %sign3A_928 : vector<1x1024xi32>
    %sign3A_930 = arith.constant 0 : i32
    %sign3A_931 = arith.cmpi sgt, %jit3A_918, %sign3A_930 : i32
    %sign3A_932 = arith.extui %sign3A_931 : i1 to i32
    %sign3A_933 = arith.constant 0 : i32
    %sign3A_934 = arith.cmpi slt, %jit3A_918, %sign3A_933 : i32
    %sign3A_935 = arith.extui %sign3A_934 : i1 to i32
    %sign3A_936 = arith.subi %sign3A_932, %sign3A_935 : i32
    %ne3A_937 = vector.broadcast %sign3A_936 : i32 to vector<1x1024xi32>
    %ne3A_938 = arith.cmpi ne, %sign3A_929, %ne3A_937 : vector<1x1024xi32>
    %rem3A_939 = vector.broadcast %jit3A_918 : i32 to vector<1x1024xi32>
    %rem3A_940 = arith.remsi %select_n3A_917, %rem3A_939 : vector<1x1024xi32>
    %ne3A_941 = arith.constant 0 : i32
    %ne3A_942 = vector.broadcast %ne3A_941 : i32 to vector<1x1024xi32>
    %ne3A_943 = arith.cmpi ne, %rem3A_940, %ne3A_942 : vector<1x1024xi32>
    %and3A_944 = arith.andi %ne3A_938, %ne3A_943 : vector<1x1024xi1>
    %sub3A_945 = arith.constant 1 : i32
    %sub3A_946 = vector.broadcast %sub3A_945 : i32 to vector<1x1024xi32>
    %sub3A_947 = arith.subi %div3A_920, %sub3A_946 : vector<1x1024xi32>
    %select_n3A_948 = arith.select %and3A_944, %sub3A_947, %div3A_920 : vector<1x1024xi1>, vector<1x1024xi32>
    %mul3A_949 = arith.constant 16 : i32
    %mul3A_950 = vector.broadcast %mul3A_949 : i32 to vector<1x1024xi32>
    %mul3A_951 = arith.muli %select_n3A_948, %mul3A_950 : vector<1x1024xi32>
    %jit3A_952 = arith.constant 32 : i32
    %eq3A_953 = arith.constant 0 : i32
    %eq3A_954 = arith.cmpi eq, %jit3A_952, %eq3A_953 : i32
    %jit3A_955 = arith.constant 1 : i32
    %select_n3A_956 = arith.select %eq3A_954, %jit3A_955, %jit3A_952 : i32
    %rem3A_957 = vector.broadcast %select_n3A_956 : i32 to vector<1x1024xi32>
    %rem3A_958 = arith.remsi %iota3A_886, %rem3A_957 : vector<1x1024xi32>
    %ne3A_959 = arith.constant 0 : i32
    %ne3A_960 = vector.broadcast %ne3A_959 : i32 to vector<1x1024xi32>
    %ne3A_961 = arith.cmpi ne, %rem3A_958, %ne3A_960 : vector<1x1024xi32>
    %lt3A_962 = arith.constant 0 : i32
    %lt3A_963 = vector.broadcast %lt3A_962 : i32 to vector<1x1024xi32>
    %lt3A_964 = arith.cmpi slt, %rem3A_958, %lt3A_963 : vector<1x1024xi32>
    %lt3A_965 = arith.constant 0 : i32
    %lt3A_966 = arith.cmpi slt, %select_n3A_956, %lt3A_965 : i32
    %ne3A_967 = vector.broadcast %lt3A_966 : i1 to vector<1x1024xi1>
    %ne3A_968 = vector.broadcast %ne3A_967 : vector<1x1024xi1> to vector<1x1024xi1>
    %ne3A_969 = arith.xori %lt3A_964, %ne3A_968 : vector<1x1024xi1>
    %and3A_970 = arith.andi %ne3A_969, %ne3A_961 : vector<1x1024xi1>
    %add3A_971 = vector.broadcast %select_n3A_956 : i32 to vector<1x1024xi32>
    %add3A_972 = arith.addi %rem3A_958, %add3A_971 : vector<1x1024xi32>
    %select_n3A_973 = arith.select %and3A_970, %add3A_972, %rem3A_958 : vector<1x1024xi1>, vector<1x1024xi32>
    %jit3A_974 = arith.constant 2 : i32
    %div3A_975 = vector.broadcast %jit3A_974 : i32 to vector<1x1024xi32>
    %div3A_976 = arith.divsi %select_n3A_973, %div3A_975 : vector<1x1024xi32>
    %sign3A_977 = arith.constant 0 : i32
    %sign3A_978 = vector.broadcast %sign3A_977 : i32 to vector<1x1024xi32>
    %sign3A_979 = arith.cmpi sgt, %select_n3A_973, %sign3A_978 : vector<1x1024xi32>
    %sign3A_980 = arith.extui %sign3A_979 : vector<1x1024xi1> to vector<1x1024xi32>
    %sign3A_981 = arith.constant 0 : i32
    %sign3A_982 = vector.broadcast %sign3A_981 : i32 to vector<1x1024xi32>
    %sign3A_983 = arith.cmpi slt, %select_n3A_973, %sign3A_982 : vector<1x1024xi32>
    %sign3A_984 = arith.extui %sign3A_983 : vector<1x1024xi1> to vector<1x1024xi32>
    %sign3A_985 = arith.subi %sign3A_980, %sign3A_984 : vector<1x1024xi32>
    %sign3A_986 = arith.constant 0 : i32
    %sign3A_987 = arith.cmpi sgt, %jit3A_974, %sign3A_986 : i32
    %sign3A_988 = arith.extui %sign3A_987 : i1 to i32
    %sign3A_989 = arith.constant 0 : i32
    %sign3A_990 = arith.cmpi slt, %jit3A_974, %sign3A_989 : i32
    %sign3A_991 = arith.extui %sign3A_990 : i1 to i32
    %sign3A_992 = arith.subi %sign3A_988, %sign3A_991 : i32
    %ne3A_993 = vector.broadcast %sign3A_992 : i32 to vector<1x1024xi32>
    %ne3A_994 = arith.cmpi ne, %sign3A_985, %ne3A_993 : vector<1x1024xi32>
    %rem3A_995 = vector.broadcast %jit3A_974 : i32 to vector<1x1024xi32>
    %rem3A_996 = arith.remsi %select_n3A_973, %rem3A_995 : vector<1x1024xi32>
    %ne3A_997 = arith.constant 0 : i32
    %ne3A_998 = vector.broadcast %ne3A_997 : i32 to vector<1x1024xi32>
    %ne3A_999 = arith.cmpi ne, %rem3A_996, %ne3A_998 : vector<1x1024xi32>
    %and3A_1000 = arith.andi %ne3A_994, %ne3A_999 : vector<1x1024xi1>
    %sub3A_1001 = arith.constant 1 : i32
    %sub3A_1002 = vector.broadcast %sub3A_1001 : i32 to vector<1x1024xi32>
    %sub3A_1003 = arith.subi %div3A_976, %sub3A_1002 : vector<1x1024xi32>
    %select_n3A_1004 = arith.select %and3A_1000, %sub3A_1003, %div3A_976 : vector<1x1024xi1>, vector<1x1024xi32>
    %add3A_1005 = arith.addi %mul3A_951, %select_n3A_1004 : vector<1x1024xi32>
    %iota3A_1006 = tpu.iota {dimensions = array<i32: 0>} : vector<256x1024xi32>
    %eq3A_1007 = vector.broadcast %add3A_1005 : vector<1x1024xi32> to vector<256x1024xi32>
    %eq3A_1008 = arith.cmpi eq, %iota3A_1006, %eq3A_1007 : vector<256x1024xi32>
    %convert_element_type3A_1009 = arith.extui %eq3A_1008 : vector<256x1024xi1> to vector<256x1024xi32>
    %convert_element_type3A_1010 = arith.sitofp %convert_element_type3A_1009 : vector<256x1024xi32> to vector<256x1024xf32>
    %concatenate3A_1011 = tpu.concatenate %select_n3A_883, %select_n3A_885 in 0 : vector<1x256xf32>, vector<1x256xf32> -> vector<2x256xf32>
    %dot_general3A_1012 = arith.constant dense<0.000000e+00> : vector<2x1024xf32>
    %dot_general3A_1013 = tpu.matmul %concatenate3A_1011, %convert_element_type3A_1010, %dot_general3A_1012 {dimension_numbers = #tpu.dot_dimension_numbers<[1], [0], [0], [1], [0, 0, 1, 1], [], []>, precision = #tpu.contract_precision<fp32>, transpose_lhs_hint = false} : vector<2x256xf32>, vector<256x1024xf32>, vector<2x1024xf32> -> vector<2x1024xf32>
    %slice3A_1014 = vector.extract_strided_slice %dot_general3A_1013 {offsets = [0, 0], sizes = [1, 1024], strides = [1, 1]} : vector<2x1024xf32> to vector<1x1024xf32>
    %gt3A_1015 = arith.cmpf ogt, %slice3A_1014, %div3A_568 : vector<1x1024xf32>
    %slice3A_1016 = vector.extract_strided_slice %dot_general3A_1013 {offsets = [1, 0], sizes = [1, 1024], strides = [1, 1]} : vector<2x1024xf32> to vector<1x1024xf32>
    %select_n3A_1017 = arith.select %gt3A_1015, %slice3A_1016, %broadcast_in_dim3A_559 : vector<1x1024xi1>, vector<1x1024xf32>
    %add3A_1018 = arith.constant 5.000000e-01 : f32
    %add3A_1019 = vector.broadcast %add3A_1018 : f32 to vector<1x1024xf32>
    %add3A_1020 = arith.addf %select_n3A_1017, %add3A_1019 : vector<1x1024xf32>
    %convert_element_type3A_1021 = arith.fptosi %add3A_1020 : vector<1x1024xf32> to vector<1x1024xi32>
    %reshape3A_1022 = vector.shape_cast %convert_element_type3A_1021 : vector<1x1024xi32> to vector<1024xi32>
    %swap3A_1023 = arith.constant 1024 : index
    %swap3A_1024 = vector.load %arg8[%swap3A_1023] : memref<2048xi32, #tpu.memory_space<vmem>>, vector<1024xi32>
    tpu.vector_store %arg8[%swap3A_1023], %reshape3A_1022 {strides = array<i32>} : memref<2048xi32, #tpu.memory_space<vmem>>, vector<1024xi32>,
    %convert_element_type3A_1025 = arith.fptosi %broadcast_in_dim3A_751 : vector<1x1024xf32> to vector<1x1024xi32>
    %reshape3A_1026 = vector.shape_cast %convert_element_type3A_1025 : vector<1x1024xi32> to vector<1024xi32>
    %swap3A_1027 = arith.constant 1024 : index
    %swap3A_1028 = vector.load %arg9[%swap3A_1027] : memref<2048xi32, #tpu.memory_space<vmem>>, vector<1024xi32>
    tpu.vector_store %arg9[%swap3A_1027], %reshape3A_1026 {strides = array<i32>} : memref<2048xi32, #tpu.memory_space<vmem>>, vector<1024xi32>,
    return
  }
  func.func @transform_0(%arg0: i32) -> (i32, i32, i32) {
    %c0_i32 = arith.constant 0 : i32
    %c0_i32_0 = arith.constant 0 : i32
    %c0_i32_1 = arith.constant 0 : i32
    return %arg0, %c0_i32, %c0_i32_0 : i32, i32, i32
  }
  func.func @transform_1(%arg0: i32) -> (i32, i32, i32) {
    %c0_i32 = arith.constant 0 : i32
    %c0_i32_0 = arith.constant 0 : i32
    %c0_i32_1 = arith.constant 0 : i32
    return %arg0, %c0_i32, %c0_i32_0 : i32, i32, i32
  }
  func.func @transform_2(%arg0: i32) -> (i32, i32, i32) {
    %c0_i32 = arith.constant 0 : i32
    %c0_i32_0 = arith.constant 0 : i32
    %c0_i32_1 = arith.constant 0 : i32
    return %arg0, %c0_i32, %c0_i32_0 : i32, i32, i32
  }
  func.func @transform_3(%arg0: i32) -> (i32, i32) {
    %c0_i32 = arith.constant 0 : i32
    %c0_i32_0 = arith.constant 0 : i32
    %c0_i32_1 = arith.constant 0 : i32
    return %c0_i32, %c0_i32_0 : i32, i32
  }
  func.func @transform_4(%arg0: i32) -> (i32, i32) {
    %c0_i32 = arith.constant 0 : i32
    %c0_i32_0 = arith.constant 0 : i32
    %c0_i32_1 = arith.constant 0 : i32
    return %c0_i32, %c0_i32_0 : i32, i32
  }
  func.func @transform_5(%arg0: i32) -> (i32, i32) {
    %c0_i32 = arith.constant 0 : i32
    %c0_i32_0 = arith.constant 0 : i32
    %c0_i32_1 = arith.constant 0 : i32
    return %c0_i32, %c0_i32_0 : i32, i32
  }
  func.func @transform_6(%arg0: i32) -> (i32, i32) {
    %c0_i32 = arith.constant 0 : i32
    %c0_i32_0 = arith.constant 0 : i32
    %c0_i32_1 = arith.constant 0 : i32
    return %c0_i32, %c0_i32_0 : i32, i32
  }
  func.func @transform_7(%arg0: i32) -> i32 {
    %c0_i32 = arith.constant 0 : i32
    return %arg0 : i32
  }
  func.func @transform_8(%arg0: i32) -> i32 {
    %c0_i32 = arith.constant 0 : i32
    return %arg0 : i32
  }
}

</mosaic_0001>

<sc_bundles>
// kernel: kernel.4.cloned.1.call-start
scs
__scs_entry_jumppad:
0x0: {  	(pc) =	sbr.rel $0x88, $3  }
0x1: {  	(tag) =	ssettag $0x0;
	lr =	simm.s32 $0x1  }
0x2: {  	[smem:$0x3F9E] =	sst lr;
	_ =	strace $0xD0000000  }
0x3: {  	_ = 	snop  }
0x4: {  	_ = 	snop  }
0x5: {  	_ = 	snop  }
0x6: {  	_ = 	snop  }
0x7: {  	_ = 	snop  }
__scs_overlays_trampoline_lowered:
0x8: {  	[smem:$0x3FAD] =	sst s0  }
0x9: {  	[smem:$0x3FAE] =	sst s1  }
0xa: {  	[smem:$0x3FAF] =	sst s2  }
0xb: {  	[smem:$0x3FB0] =	sst s3  }
0xc: {  	[smem:$0x3FB1] =	sst s4  }
0xd: {  	[smem:$0x3FB2] =	sst s5  }
0xe: {  	[smem:$0x3FB3] =	sst s6  }
0xf: {  	[smem:$0x3FB4] =	sst s7  }
0x10: {  	[smem:$0x3FB5] =	sst s8  }
0x11: {  	[smem:$0x3FB6] =	sst s9;
	s0 =	simm.s32 @!p0 $0x0  }
0x12: {  	s1 =	sld [smem:$0x3F9C];
	s0 =	simm.s32 @p0 $0x1  }
0x13: {  	[smem:$0x3FB7] =	sst s0;
	s0 =	simm.s32 @!p1 $0x0  }
0x14: {  	s2 =	sld [smem:$0x3F9B];
	s0 =	simm.s32 @p1 $0x1  }
0x15: {  	[smem:$0x3FB8] =	sst s0;
	s0 =	simm.s32 @!p2 $0x0  }
0x16: {  	s3 =	sld [smem:$0x3FDB];
	s0 =	simm.s32 @p2 $0x1  }
0x17: {  	s4 =	simm.s32 $0x1BF5;
	[smem:$0x3FBA] =	sst s0  }
0x18: {  	s0 =	sld [smem:$0x3F9D];
	_ =	swait.ge [sflag:s4], $0x0  }
0x19: {  	s7 =	sld [smem:$0x3F9E]  }
0x1a: {  	s8 =	sadd.s32 $0xFFFFE003, lr  }
0x1b: {  	s9 =	sadd.s32 $0xFFFFFEF7, lr;
	s5 =	simm.s32 $0xFFFFFFFF;
	p2 =	slt.u32 s8, $0xFFFFF086  }
0x1c: {  	p1 =	slt.u32 s9, $0xF7A;
	s5 =	simm.s32 @!p2 $0x0  }
0x1d: {  	s5 =	simm.s32 @p1 $0x1;
	p0 =	seq.s32 s7, s2  }
0x1e: {  	s7 =	smul.u32 @!p0 $0xF7A, s2;
	p2 =	seq.s32 @!p0 s5, $0x0  }
0x1f: {  	s9 =	smul.u32 $0xF7A, s1;
	s8 =	simm.s32 @!p0 $0x1BF5;
	p2 =	por !p2, p0  }
0x20: {  	[sflag:s8] =	ssyncset.s32 @!p0 $0xFFFFF086;
	s6 =	sadd.s32 @!p0 s3, s7;
	s7 =	simm.s32 @!p0 $0x108  }
0x21: {  	s3 =	sadd.s32 s3, s9;
	s6 =	sadd.s32 @!p0 $0x88, s6;
	s7 =	simm.s32 @p2 $0x1082  }
0x22: {  	[simem:s7], [sflag:s8] =	dma.local @!p0 [hbm:s6], $0xF7A  }
0x23: {  	s9 =	sor.u32 $0xD0000000, s2;
	s6 =	simm.s32 $0x108;
	_ =	swait.ge @!p0 [sflag:s8], $0x0  }
0x24: {  	s3 =	sadd.s32 $0x88, s3;
	s6 =	simm.s32 @!p1 $0x1082;
	[sflag:s4] =	ssyncset.s32 $0xFFFFF086  }
0x25: {  	[simem:s6], [sflag:s4] =	dma.local [hbm:s3], $0xF7A  }
0x26: {  	[smem:$0x3F9E] =	sst s1;
	(tag) =	ssettag s2;
	_ =	strace s9  }
0x27: {  	s1 =	sld [smem:$0x3FAE]  }
0x28: {  	s2 =	sld [smem:$0x3FAF]  }
0x29: {  	s4 =	sld [smem:$0x3FB1]  }
0x2a: {  	p0 =	seq.s32 s5, $0x0;
	s5 =	sld [smem:$0x3FB2]  }
0x2b: {  	s6 =	sld [smem:$0x3FB3]  }
0x2c: {  	s7 =	sld [smem:$0x3FB4]  }
0x2d: {  	s3 =	simm.s32 $0x108;
	s8 =	sld [smem:$0x3FB5]  }
0x2e: {  	s3 =	simm.s32 @!p0 $0x1082;
	s9 =	sld [smem:$0x3FB6]  }
0x2f: {  	lr =	sadd.s32 s0, s3;
	s0 =	sld [smem:$0x3FAD]  }
0x30: {  	s3 =	sld [smem:$0x3FB0]  }
0x31: {  	[smem:$0x3FB9] =	sst s10  }
0x32: {  	s10 =	sld [smem:$0x3FB7];
	_ =	sdelay $0x3  }
0x33: {  	p0 =	seq.s32 s10, $0x1;
	s10 =	sld [smem:$0x3FB9];
	_ =	sdelay $0x3  }
0x34: {  	[smem:$0x3FB9] =	sst s10  }
0x35: {  	s10 =	sld [smem:$0x3FB8];
	_ =	sdelay $0x3  }
0x36: {  	p1 =	seq.s32 s10, $0x1;
	s10 =	sld [smem:$0x3FB9];
	_ =	sdelay $0x3  }
0x37: {  	[smem:$0x3FB9] =	sst s10  }
0x38: {  	s10 =	sld [smem:$0x3FBA]  }
0x39: {  	_ = 	snop;
	(pc) =	sbr.ind lr, $3  }
0x3a: {  	_ = 	snop  }
0x3b: {  	_ = 	snop  }
0x3c: {  	p2 =	seq.s32 s10, $0x1;
	s10 =	sld [smem:$0x3FB9]  }
0x3d: {  	_ =	shalt  }
0x3e: {  	_ =	shalt  }
0x3f: {  	_ =	shalt  }
0x40: {  	_ =	shalt  }
0x41: {  	_ =	shalt  }
0x42: {  	_ =	shalt  }
0x43: {  	_ =	shalt  }
0x44: {  	_ =	shalt  }
0x45: {  	_ =	shalt  }
0x46: {  	_ =	shalt  }
0x47: {  	_ =	shalt  }
0x48: {  	_ =	shalt  }
0x49: {  	_ =	shalt  }
0x4a: {  	_ =	shalt  }
0x4b: {  	_ =	shalt  }
0x4c: {  	_ =	shalt  }
0x4d: {  	_ =	shalt  }
0x4e: {  	_ =	shalt  }
0x4f: {  	_ =	shalt  }
0x50: {  	_ =	shalt  }
0x51: {  	_ =	shalt  }
0x52: {  	_ =	shalt  }
0x53: {  	_ =	shalt  }
0x54: {  	_ =	shalt  }
0x55: {  	_ =	shalt  }
0x56: {  	_ =	shalt  }
0x57: {  	_ =	shalt  }
0x58: {  	_ =	shalt  }
0x59: {  	_ =	shalt  }
0x5a: {  	_ =	shalt  }
0x5b: {  	_ =	shalt  }
0x5c: {  	_ =	shalt  }
0x5d: {  	_ =	shalt  }
0x5e: {  	_ =	shalt  }
0x5f: {  	_ =	shalt  }
0x60: {  	_ =	shalt  }
0x61: {  	_ =	shalt  }
0x62: {  	_ =	shalt  }
0x63: {  	_ =	shalt  }
0x64: {  	_ =	shalt  }
0x65: {  	_ =	shalt  }
0x66: {  	_ =	shalt  }
0x67: {  	_ =	shalt  }
0x68: {  	_ =	shalt  }
0x69: {  	_ =	shalt  }
0x6a: {  	_ =	shalt  }
0x6b: {  	_ =	shalt  }
0x6c: {  	_ =	shalt  }
0x6d: {  	_ =	shalt  }
0x6e: {  	_ =	shalt  }
0x6f: {  	_ =	shalt  }
0x70: {  	_ =	shalt  }
0x71: {  	_ =	shalt  }
0x72: {  	_ =	shalt  }
0x73: {  	_ =	shalt  }
0x74: {  	_ =	shalt  }
0x75: {  	_ =	shalt  }
0x76: {  	_ =	shalt  }
0x77: {  	_ =	shalt  }
0x78: {  	_ =	shalt  }
0x79: {  	_ =	shalt  }
0x7a: {  	_ =	shalt  }
0x7b: {  	_ =	shalt  }
0x7c: {  	_ =	shalt  }
0x7d: {  	_ =	shalt  }
0x7e: {  	_ =	shalt  }
0x7f: {  	_ =	shalt  }
0x80: {  	_ =	shalt  }
0x81: {  	_ =	shalt  }
0x82: {  	_ =	shalt  }
0x83: {  	_ =	shalt  }
0x84: {  	_ =	shalt  }
0x85: {  	_ =	shalt  }
0x86: {  	_ =	shalt  }
0x87: {  	_ =	shalt  }
.Lfunc_end0:
.L_simem_size_0:
called_computation_lowered:
.L_overlay_start_0:
0x88: {  	s2 =	sld [smem:$0x3FD9]  }
0x89: {  	s3 =	sld [smem:$0x3FFE];
	_ =	sdelay $0x1  }
0x8a: {  	s1 =	srdreg.scid  }
0x8b: {  	s0 =	sand.u32 $0x1, s1  }
0x8c: {  	s14 =	sshll.u32 s0, $0xA;
	s2 =	sadd.s32 s3, s2  }
0x8d: {  	s2 =	sadd.s32 s2, s14  }
0x8e: {  	[smem:$0x3FC5] =	sst s2  }
0x8f: {  	_ = 	snop  }
0x90: {  	s2 =	sld [smem:$0x3FD0];
	_ =	sdelay $0x1  }
0x91: {  	s15 =	sld [smem:$0x3FC8]  }
0x92: {  	s5 =	simm.s32 $0xA;
	s6 =	simm.s32 $0x10;
	s4 =	sld [smem:$0x3FC7]  }
0x93: {  	[smem:s6], [sflag:s5] =	dma.local [hbm:s2], $0x1  }
0x94: {  	_ =	swait.eq [sflag:s5], $0x1  }
0x95: {  	[sflag:s5] =	ssyncset.done $0x0  }
0x96: {  	s16 =	sld [smem:$0x10];
	[sflag:s5] =	ssyncadd.s32 $0xFFFFFFFF  }
0x97: {  	s17 =	sld [smem:$0x12];
	(tm) =	ssettm $0x1  }
0x98: {  	s18 =	sld [smem:$0x3FFB];
	_ =	sdelay $0x3  }
0x99: {  	_ =	strace s18  }
0x9a: {  	s6 =	sld [smem:$0x3FFC];
	_ =	sdelay $0x3  }
0x9b: {  	_ =	strace s6  }
0x9c: {  	s6 =	sld [smem:$0x3FFD];
	_ =	sdelay $0x3  }
0x9d: {  	_ =	strace s6  }
0x9e: {  	_ =	strace $0x8FFFFFFF  }
0x9f: {  	s19 =	sld [smem:$0x3FDB];
	_ =	sdelay $0x1  }
0xa0: {  	s7 =	simm.s32 $_scs_section_size  }
0xa1: {  	s8 =	simm.s32 $_size__tile_overlayer_lowered;
	s9 =	simm.s32 $_tile_overlayer_lowered  }
0xa2: {  	s22 =	simm.s32 $0x1BFF;
	s21 =	sshll.u32 s9, $0x1;
	s6 =	sadd.s32 s7, s19  }
0xa3: {  	s10 =	simm.s32 $0x0;
	s20 =	sshll.u32 s8, $0x1;
	s8 =	sadd.s32 s21, s6  }
0xa4: {  	[timem:s10], [sflag:s22] =	dma.local [hbm:s8], s20  }
0xa5: {  	_ =	swait.ge [sflag:s22], s20  }
0xa6: {  	s7 =	ssub.s32 $0x0, s20;
	[sflag:s22] =	ssyncset.done $0x0  }
0xa7: {  	[sflag:s22] =	ssyncadd.s32 s7;
	_ =	sdelay $0x1  }
0xa8: {  	s23 =	simm.s32 $0x1B8B  }
0xa9: {  	_ =	swait.ge [sflag:s23], $0x1  }
0xaa: {  	[sflag:s23] =	ssyncset.done $0x0  }
0xab: {  	s25 =	simm.s32 $0x1B8E;
	s24 =	sld [smem:$0x3FFE];
	[sflag:s23] =	ssyncadd.s32 $0xFFFFFFFF  }
0xac: {  	s26 =	simm.s32 $execute0_lowered;
	[smem:$0x3FD2] =	sst s25  }
0xad: {  	s8 =	sshll.u32 s26, $0x1;
	_ =	strace $0x80000046;
	[dreg:$0x1] =	wrdreg $0xFFFFFFFF  }
0xae: {  	s28 =	simm.s32 $_size_execute0_lowered;
	s6 =	sadd.s32 s6, s8;
	[dreg:$0x0] =	wrdreg $0x0  }
0xaf: {  	s8 =	sshll.u32 s28, $0x1;
	[dreg:$0x2] =	wrdreg s6  }
0xb0: {  	[dreg:$0x3] =	wrdreg s8  }
0xb1: {  	[dreg:$0x4] =	wrdreg $0xC0  }
0xb2: {  	_ =	task [dreg:s10], $0x5FFFF  }
0xb3: {  	[dreg:$0x1] =	wrdreg $0xFFFFFFFF  }
0xb4: {  	[dreg:$0x0] =	wrdreg $0x60  }
0xb5: {  	[dreg:$0x2] =	wrdreg s24  }
0xb6: {  	[dreg:$0x3] =	wrdreg s16  }
0xb7: {  	[dreg:$0x4] =	wrdreg s15  }
0xb8: {  	[dreg:$0x5] =	wrdreg s4  }
0xb9: {  	[dreg:$0x6] =	wrdreg s17  }
0xba: {  	[dreg:$0x7] =	wrdreg $0x9  }
0xbb: {  	_ =	task.clear_ibuf [dreg:s10], $0x8FFFF;
	_ =	strace $0x90000046  }
0xbc: {  	s29 =	simm.s32 $0x9;
	_ =	strace $0x80000048  }
0xbd: {  	_ =	swait.ge [sflag:s29], $0x1  }
0xbe: {  	[sflag:s29] =	ssyncadd.s32 $0xFFFFFFFF  }
0xbf: {  	_ =	strace $0x90000048  }
0xc0: {  	_ =	sfence  }
0xc1: {  	s30 =	sld [smem:$0x0];
	_ =	sdelay $0x2  }
0xc2: {  	s31 =	sshll.u32 s1, $0xD;
	s1 =	sshrl.u32 s1, $0x2  }
0xc3: {  	s3 =	sand.u32 $0x4000, s31;
	s1 =	sadd.s32 s1, s30  }
0xc4: {  	s0 =	sor.u32 s3, s0;
	s1 =	sshll.u32 s1, $0x11  }
0xc5: {  	s0 =	sor.u32 s1, s0  }
0xc6: {  	s0 =	sadd.s32 $0x8F2B, s0  }
0xc7: {  	[sflag:s0] =	ssyncadd.remote.s32 $0x1  }
0xc8: {  	_ =	sfence.sel $0xFFFF  }
0xc9: {  	[dreg:$0x0] =	wrdreg $0xFFFFFFFF;
	(pc) =	sbr.abs _section_cstart, $3  }
0xca: {  	[dreg:$0x1] =	wrdreg $0xFFFFFFFF  }
0xcb: {  	_ =	task.clear_ibuf [dreg:s10], $0x2FFFF;
	_ =	strace $0x9FFFFFFF  }
0xcc: {  	(tm) =	ssettm $0x7FFFFFFF  }
0xcd: {  	_ =	shalt  }
tec
execute0_lowered:
.L_overlay_start_1:
0x0: {  	(tag) =	ssettag $0x1  }
0x1: {  	s0 =	rddreg [dreg:$0x0]  }
0x2: {  	s1 =	rddreg [dreg:$0x1]  }
0x3: {  	s2 =	rddreg [dreg:$0x2]  }
0x4: {  	s3 =	rddreg [dreg:$0x3];
	s4 =	srdreg.scid  }
0x5: {  	s7 =	rddreg [dreg:$0x4];
	s6 =	stileid.u32  }
0x6: {  	s10 =	simm.s32 $0x100;
	s28 =	simm.s32 $0x8100;
	s29 =	simm.s32 $0x8900  }
0x7: {  	s30 =	simm.s32 $0x9100;
	s31 =	simm.s32 $0x9900;
	s11 =	simm.s32 $0xB100  }
0x8: {  	s12 =	simm.s32 $0xB900;
	s13 =	simm.s32 $0xC100;
	s14 =	simm.s32 $0xC900  }
0x9: {  	s15 =	simm.s32 $0xD100;
	s16 =	simm.s32 $0xD900;
	s17 =	simm.s32 $0xE100  }
0xa: {  	s18 =	simm.s32 $0xE900;
	s19 =	simm.s32 $0xF100;
	s20 =	simm.s32 $0xF900  }
0xb: {  	s21 =	simm.s32 $0x1;
	s22 =	simm.s32 $0x2;
	s23 =	simm.s32 $0x0  }
0xc: {  	s5 =	sand.u32 $0x1, s4;
	s6 =	sshll.u32 s6, $0x8;
	s4 =	simm.s32 $0x0  }
0xd: {  	s8 =	sshll.u32 s5, $0x7;
	s5 =	ssub.s32 $0x2, s5;
	[smem:$0x7FF] =	sst s4  }
0xe: {  	s8 =	sor.u32 s8, s6;
	s9 =	sshrl.u32 s5, $0x1;
	_ =	strace $0x80000047  }
0xf: {  	s6 =	sshrl.u32 s8, $0x3;
	s9 =	ssub.s32 s5, s9;
	s26 =	sshll.u32 s8, $0x5  }
0x10: {  	v2 =	vlaneseq.u32;
	s0 =	sadd.s32 s6, s0;
	s6 =	sadd.s32 s1, s6;
	s7 =	sadd.s32 s7, s26  }
0x11: {  	vm0 =	vmmov $0xffff;
	v1 =	vshrl.u32 v2, $0x3;
	s8 =	smax.u32 s9, $0x1;
	s9 =	simm.s32 $0x3;
	s26 =	simm.s32 $0x80  }
0x12: {  	v0 =	vand.u32 $0x7, v2;
	v2 =	vor.u32 $0x8, v2;
	v1 =	vmul.u32 $0x8, v1;
	s1 =	simm.s32 $0xA900;
	s5 =	sadd.s32 $0x200, s0;
	s0 =	simm.s32 $0xA100  }
.LBB2_1:
0x13: {  	[tilespmem:s4], [sflag:$0x3] =	stream.linear.gather [hbm4b:s5+s4], $0x80, $0x38;
	[tilespmem:$0x10100] =	vst v63  }
0x14: {  	_ =	swait.ge [sflag:s9], $0x80  }
0x15: {  	[sflag:s9] =	ssyncset.done $0x0  }
0x16: {  	[sflag:s9] =	ssyncadd.s32 $0xFFFFFF80  }
0x17: {  	v3 =	vld [tilespmem:$0x0];
	_ =	sdelay $0x4  }
0x18: {  	v4 =	vshll.u32 v3, $0x1  }
0x19: {  	v3 =	vand.u32 $0x7, v3;
	v4 =	vand.u32 $0xFFFFFFF0, v4  }
0x1a: {  	v3 =	vor.u32 v3, v4  }
0x1b: {  	v4 =	vperm.xlane v3, v0;
	_ =	sdelay $0x1  }
0x1c: {  	v3 =	vperm.xlane v3, v2;
	v4 =	vadd.s32 v1, v4;
	_ =	sdelay $0x1  }
0x1d: {  	v3 =	vadd.s32 v1, v3;
	_ =	sdelay $0x2  }
0x1e: {  	[tilespmem:s10], [sflag:$0x1] =	stream.indirect_vreg.gather [hbm4b:s2+s4], $0x80, v4, vm0, $0xb8;
	[tilespmem:$0x10100] =	vst v63  }
0x1f: {  	s24 =	simm.s32 $0x900  }
0x20: {  	[tilespmem:s24], [sflag:$0x1] =	stream.indirect_vreg.gather [hbm4b:s2+s4], $0x80, v3, vm0, $0xb8;
	[tilespmem:$0x10100] =	vst v63  }
0x21: {  	v3 =	vld [tilespmem:$0x10];
	_ =	sdelay $0x4  }
0x22: {  	v4 =	vshll.u32 v3, $0x1  }
0x23: {  	v3 =	vand.u32 $0x7, v3;
	v4 =	vand.u32 $0xFFFFFFF0, v4  }
0x24: {  	v3 =	vor.u32 v3, v4  }
0x25: {  	v4 =	vperm.xlane v3, v0;
	_ =	sdelay $0x1  }
0x26: {  	v3 =	vperm.xlane v3, v2;
	v4 =	vadd.s32 v1, v4;
	_ =	sdelay $0x1  }
0x27: {  	v3 =	vadd.s32 v1, v3;
	_ =	sdelay $0x1  }
0x28: {  	s25 =	simm.s32 $0x1100  }
0x29: {  	[tilespmem:s25], [sflag:$0x1] =	stream.indirect_vreg.gather [hbm4b:s2+s4], $0x80, v4, vm0, $0xb8;
	[tilespmem:$0x10100] =	vst v63  }
0x2a: {  	s25 =	simm.s32 $0x1900  }
0x2b: {  	[tilespmem:s25], [sflag:$0x1] =	stream.indirect_vreg.gather [hbm4b:s2+s4], $0x80, v3, vm0, $0xb8;
	[tilespmem:$0x10100] =	vst v63  }
0x2c: {  	v3 =	vld [tilespmem:$0x20];
	_ =	sdelay $0x4  }
0x2d: {  	v4 =	vshll.u32 v3, $0x1  }
0x2e: {  	v3 =	vand.u32 $0x7, v3;
	v4 =	vand.u32 $0xFFFFFFF0, v4  }
0x2f: {  	v3 =	vor.u32 v3, v4  }
0x30: {  	v4 =	vperm.xlane v3, v0;
	_ =	sdelay $0x1  }
0x31: {  	v3 =	vperm.xlane v3, v2;
	v4 =	vadd.s32 v1, v4;
	_ =	sdelay $0x1  }
0x32: {  	v3 =	vadd.s32 v1, v3;
	_ =	sdelay $0x1  }
0x33: {  	s25 =	simm.s32 $0x2100  }
0x34: {  	[tilespmem:s25], [sflag:$0x1] =	stream.indirect_vreg.gather [hbm4b:s2+s4], $0x80, v4, vm0, $0xb8;
	[tilespmem:$0x10100] =	vst v63  }
0x35: {  	s25 =	simm.s32 $0x2900  }
0x36: {  	[tilespmem:s25], [sflag:$0x1] =	stream.indirect_vreg.gather [hbm4b:s2+s4], $0x80, v3, vm0, $0xb8;
	[tilespmem:$0x10100] =	vst v63  }
0x37: {  	v3 =	vld [tilespmem:$0x30];
	_ =	sdelay $0x4  }
0x38: {  	v4 =	vshll.u32 v3, $0x1  }
0x39: {  	v3 =	vand.u32 $0x7, v3;
	v4 =	vand.u32 $0xFFFFFFF0, v4  }
0x3a: {  	v3 =	vor.u32 v3, v4  }
0x3b: {  	v4 =	vperm.xlane v3, v0;
	_ =	sdelay $0x1  }
0x3c: {  	v3 =	vperm.xlane v3, v2;
	v4 =	vadd.s32 v1, v4;
	_ =	sdelay $0x1  }
0x3d: {  	v3 =	vadd.s32 v1, v3;
	_ =	sdelay $0x1  }
0x3e: {  	s25 =	simm.s32 $0x3100  }
0x3f: {  	[tilespmem:s25], [sflag:$0x1] =	stream.indirect_vreg.gather [hbm4b:s2+s4], $0x80, v4, vm0, $0xb8;
	[tilespmem:$0x10100] =	vst v63  }
0x40: {  	s25 =	simm.s32 $0x3900  }
0x41: {  	[tilespmem:s25], [sflag:$0x1] =	stream.indirect_vreg.gather [hbm4b:s2+s4], $0x80, v3, vm0, $0xb8;
	[tilespmem:$0x10100] =	vst v63  }
0x42: {  	v3 =	vld [tilespmem:$0x40];
	_ =	sdelay $0x4  }
0x43: {  	v4 =	vshll.u32 v3, $0x1  }
0x44: {  	v3 =	vand.u32 $0x7, v3;
	v4 =	vand.u32 $0xFFFFFFF0, v4  }
0x45: {  	v3 =	vor.u32 v3, v4  }
0x46: {  	v4 =	vperm.xlane v3, v0;
	_ =	sdelay $0x1  }
0x47: {  	v3 =	vperm.xlane v3, v2;
	v4 =	vadd.s32 v1, v4;
	_ =	sdelay $0x1  }
0x48: {  	v3 =	vadd.s32 v1, v3;
	_ =	sdelay $0x1  }
0x49: {  	s25 =	simm.s32 $0x4100  }
0x4a: {  	[tilespmem:s25], [sflag:$0x1] =	stream.indirect_vreg.gather [hbm4b:s2+s4], $0x80, v4, vm0, $0xb8;
	[tilespmem:$0x10100] =	vst v63  }
0x4b: {  	s25 =	simm.s32 $0x4900  }
0x4c: {  	[tilespmem:s25], [sflag:$0x1] =	stream.indirect_vreg.gather [hbm4b:s2+s4], $0x80, v3, vm0, $0xb8;
	[tilespmem:$0x10100] =	vst v63  }
0x4d: {  	v3 =	vld [tilespmem:$0x50];
	_ =	sdelay $0x4  }
0x4e: {  	v4 =	vshll.u32 v3, $0x1  }
0x4f: {  	v3 =	vand.u32 $0x7, v3;
	v4 =	vand.u32 $0xFFFFFFF0, v4  }
0x50: {  	v3 =	vor.u32 v3, v4  }
0x51: {  	v4 =	vperm.xlane v3, v0;
	_ =	sdelay $0x1  }
0x52: {  	v3 =	vperm.xlane v3, v2;
	v4 =	vadd.s32 v1, v4;
	_ =	sdelay $0x1  }
0x53: {  	v3 =	vadd.s32 v1, v3;
	_ =	sdelay $0x1  }
0x54: {  	s25 =	simm.s32 $0x5100  }
0x55: {  	[tilespmem:s25], [sflag:$0x1] =	stream.indirect_vreg.gather [hbm4b:s2+s4], $0x80, v4, vm0, $0xb8;
	[tilespmem:$0x10100] =	vst v63  }
0x56: {  	s25 =	simm.s32 $0x5900  }
0x57: {  	[tilespmem:s25], [sflag:$0x1] =	stream.indirect_vreg.gather [hbm4b:s2+s4], $0x80, v3, vm0, $0xb8;
	[tilespmem:$0x10100] =	vst v63  }
0x58: {  	v3 =	vld [tilespmem:$0x60];
	_ =	sdelay $0x4  }
0x59: {  	v4 =	vshll.u32 v3, $0x1  }
0x5a: {  	v3 =	vand.u32 $0x7, v3;
	v4 =	vand.u32 $0xFFFFFFF0, v4  }
0x5b: {  	v3 =	vor.u32 v3, v4  }
0x5c: {  	v4 =	vperm.xlane v3, v0;
	_ =	sdelay $0x1  }
0x5d: {  	v3 =	vperm.xlane v3, v2;
	v4 =	vadd.s32 v1, v4;
	_ =	sdelay $0x1  }
0x5e: {  	v3 =	vadd.s32 v1, v3;
	_ =	sdelay $0x1  }
0x5f: {  	s25 =	simm.s32 $0x6100  }
0x60: {  	[tilespmem:s25], [sflag:$0x1] =	stream.indirect_vreg.gather [hbm4b:s2+s4], $0x80, v4, vm0, $0xb8;
	[tilespmem:$0x10100] =	vst v63  }
0x61: {  	s25 =	simm.s32 $0x6900  }
0x62: {  	[tilespmem:s25], [sflag:$0x1] =	stream.indirect_vreg.gather [hbm4b:s2+s4], $0x80, v3, vm0, $0xb8;
	[tilespmem:$0x10100] =	vst v63  }
0x63: {  	v3 =	vld [tilespmem:$0x70];
	_ =	sdelay $0x4  }
0x64: {  	v4 =	vshll.u32 v3, $0x1  }
0x65: {  	v3 =	vand.u32 $0x7, v3;
	v4 =	vand.u32 $0xFFFFFFF0, v4  }
0x66: {  	v3 =	vor.u32 v3, v4  }
0x67: {  	v4 =	vperm.xlane v3, v0;
	_ =	sdelay $0x1  }
0x68: {  	v3 =	vperm.xlane v3, v2;
	v4 =	vadd.s32 v1, v4;
	_ =	sdelay $0x1  }
0x69: {  	v3 =	vadd.s32 v1, v3;
	_ =	sdelay $0x1  }
0x6a: {  	s25 =	simm.s32 $0x7100  }
0x6b: {  	[tilespmem:s25], [sflag:$0x1] =	stream.indirect_vreg.gather [hbm4b:s2+s4], $0x80, v4, vm0, $0xb8;
	[tilespmem:$0x10100] =	vst v63  }
0x6c: {  	s25 =	simm.s32 $0x7900  }
0x6d: {  	[tilespmem:s25], [sflag:$0x1] =	stream.indirect_vreg.gather [hbm4b:s2+s4], $0x80, v3, vm0, $0xb8;
	[tilespmem:$0x10100] =	vst v63  }
0x6e: {  	_ = 	snop  }
0x6f: {  	[tilespmem:s26], [sflag:$0x3] =	stream.linear.gather [hbm4b:s6+s4], $0x80, $0x38;
	[tilespmem:$0x10100] =	vst v63  }
0x70: {  	_ =	swait.ge [sflag:s9], $0x80  }
0x71: {  	[sflag:s9] =	ssyncset.done $0x0  }
0x72: {  	[sflag:s9] =	ssyncadd.s32 $0xFFFFFF80  }
0x73: {  	v3 =	vld [tilespmem:$0x80];
	_ =	sdelay $0x4  }
0x74: {  	v4 =	vshll.u32 v3, $0x1  }
0x75: {  	v3 =	vand.u32 $0x7, v3;
	v4 =	vand.u32 $0xFFFFFFF0, v4  }
0x76: {  	v3 =	vor.u32 v3, v4  }
0x77: {  	v4 =	vperm.xlane v3, v0;
	_ =	sdelay $0x1  }
0x78: {  	v3 =	vperm.xlane v3, v2;
	v4 =	vadd.s32 v1, v4;
	_ =	sdelay $0x1  }
0x79: {  	v3 =	vadd.s32 v1, v3;
	_ =	sdelay $0x2  }
0x7a: {  	[tilespmem:s28], [sflag:$0x2] =	stream.indirect_vreg.gather [hbm4b:s3+s4], $0x80, v4, vm0, $0xb8;
	[tilespmem:$0x10100] =	vst v63  }
0x7b: {  	_ = 	snop  }
0x7c: {  	[tilespmem:s29], [sflag:$0x2] =	stream.indirect_vreg.gather [hbm4b:s3+s4], $0x80, v3, vm0, $0xb8;
	[tilespmem:$0x10100] =	vst v63  }
0x7d: {  	v3 =	vld [tilespmem:$0x90];
	_ =	sdelay $0x4  }
0x7e: {  	v4 =	vshll.u32 v3, $0x1  }
0x7f: {  	v3 =	vand.u32 $0x7, v3;
	v4 =	vand.u32 $0xFFFFFFF0, v4  }
0x80: {  	v3 =	vor.u32 v3, v4  }
0x81: {  	v4 =	vperm.xlane v3, v0;
	_ =	sdelay $0x1  }
0x82: {  	v3 =	vperm.xlane v3, v2;
	v4 =	vadd.s32 v1, v4;
	_ =	sdelay $0x1  }
0x83: {  	v3 =	vadd.s32 v1, v3;
	_ =	sdelay $0x2  }
0x84: {  	[tilespmem:s30], [sflag:$0x2] =	stream.indirect_vreg.gather [hbm4b:s3+s4], $0x80, v4, vm0, $0xb8;
	[tilespmem:$0x10100] =	vst v63  }
0x85: {  	_ = 	snop  }
0x86: {  	[tilespmem:s31], [sflag:$0x2] =	stream.indirect_vreg.gather [hbm4b:s3+s4], $0x80, v3, vm0, $0xb8;
	[tilespmem:$0x10100] =	vst v63  }
0x87: {  	v3 =	vld [tilespmem:$0xA0];
	_ =	sdelay $0x4  }
0x88: {  	v4 =	vshll.u32 v3, $0x1  }
0x89: {  	v3 =	vand.u32 $0x7, v3;
	v4 =	vand.u32 $0xFFFFFFF0, v4  }
0x8a: {  	v3 =	vor.u32 v3, v4  }
0x8b: {  	v4 =	vperm.xlane v3, v0;
	_ =	sdelay $0x1  }
0x8c: {  	v3 =	vperm.xlane v3, v2;
	v4 =	vadd.s32 v1, v4;
	_ =	sdelay $0x1  }
0x8d: {  	v3 =	vadd.s32 v1, v3;
	_ =	sdelay $0x2  }
0x8e: {  	[tilespmem:s0], [sflag:$0x2] =	stream.indirect_vreg.gather [hbm4b:s3+s4], $0x80, v4, vm0, $0xb8;
	[tilespmem:$0x10100] =	vst v63  }
0x8f: {  	_ = 	snop  }
0x90: {  	[tilespmem:s1], [sflag:$0x2] =	stream.indirect_vreg.gather [hbm4b:s3+s4], $0x80, v3, vm0, $0xb8;
	[tilespmem:$0x10100] =	vst v63  }
0x91: {  	v3 =	vld [tilespmem:$0xB0];
	_ =	sdelay $0x4  }
0x92: {  	v4 =	vshll.u32 v3, $0x1  }
0x93: {  	v3 =	vand.u32 $0x7, v3;
	v4 =	vand.u32 $0xFFFFFFF0, v4  }
0x94: {  	v3 =	vor.u32 v3, v4  }
0x95: {  	v4 =	vperm.xlane v3, v0;
	_ =	sdelay $0x1  }
0x96: {  	v3 =	vperm.xlane v3, v2;
	v4 =	vadd.s32 v1, v4;
	_ =	sdelay $0x1  }
0x97: {  	v3 =	vadd.s32 v1, v3;
	_ =	sdelay $0x2  }
0x98: {  	[tilespmem:s11], [sflag:$0x2] =	stream.indirect_vreg.gather [hbm4b:s3+s4], $0x80, v4, vm0, $0xb8;
	[tilespmem:$0x10100] =	vst v63  }
0x99: {  	_ = 	snop  }
0x9a: {  	[tilespmem:s12], [sflag:$0x2] =	stream.indirect_vreg.gather [hbm4b:s3+s4], $0x80, v3, vm0, $0xb8;
	[tilespmem:$0x10100] =	vst v63  }
0x9b: {  	v3 =	vld [tilespmem:$0xC0];
	_ =	sdelay $0x4  }
0x9c: {  	v4 =	vshll.u32 v3, $0x1  }
0x9d: {  	v3 =	vand.u32 $0x7, v3;
	v4 =	vand.u32 $0xFFFFFFF0, v4  }
0x9e: {  	v3 =	vor.u32 v3, v4  }
0x9f: {  	v4 =	vperm.xlane v3, v0;
	_ =	sdelay $0x1  }
0xa0: {  	v3 =	vperm.xlane v3, v2;
	v4 =	vadd.s32 v1, v4;
	_ =	sdelay $0x1  }
0xa1: {  	v3 =	vadd.s32 v1, v3;
	_ =	sdelay $0x2  }
0xa2: {  	[tilespmem:s13], [sflag:$0x2] =	stream.indirect_vreg.gather [hbm4b:s3+s4], $0x80, v4, vm0, $0xb8;
	[tilespmem:$0x10100] =	vst v63  }
0xa3: {  	_ = 	snop  }
0xa4: {  	[tilespmem:s14], [sflag:$0x2] =	stream.indirect_vreg.gather [hbm4b:s3+s4], $0x80, v3, vm0, $0xb8;
	[tilespmem:$0x10100] =	vst v63  }
0xa5: {  	v3 =	vld [tilespmem:$0xD0];
	_ =	sdelay $0x4  }
0xa6: {  	v4 =	vshll.u32 v3, $0x1  }
0xa7: {  	v3 =	vand.u32 $0x7, v3;
	v4 =	vand.u32 $0xFFFFFFF0, v4  }
0xa8: {  	v3 =	vor.u32 v3, v4  }
0xa9: {  	v4 =	vperm.xlane v3, v0;
	_ =	sdelay $0x1  }
0xaa: {  	v3 =	vperm.xlane v3, v2;
	v4 =	vadd.s32 v1, v4;
	_ =	sdelay $0x1  }
0xab: {  	v3 =	vadd.s32 v1, v3;
	_ =	sdelay $0x2  }
0xac: {  	[tilespmem:s15], [sflag:$0x2] =	stream.indirect_vreg.gather [hbm4b:s3+s4], $0x80, v4, vm0, $0xb8;
	[tilespmem:$0x10100] =	vst v63  }
0xad: {  	_ = 	snop  }
0xae: {  	[tilespmem:s16], [sflag:$0x2] =	stream.indirect_vreg.gather [hbm4b:s3+s4], $0x80, v3, vm0, $0xb8;
	[tilespmem:$0x10100] =	vst v63  }
0xaf: {  	v3 =	vld [tilespmem:$0xE0];
	_ =	sdelay $0x4  }
0xb0: {  	v4 =	vshll.u32 v3, $0x1  }
0xb1: {  	v3 =	vand.u32 $0x7, v3;
	v4 =	vand.u32 $0xFFFFFFF0, v4  }
0xb2: {  	v3 =	vor.u32 v3, v4  }
0xb3: {  	v4 =	vperm.xlane v3, v0;
	_ =	sdelay $0x1  }
0xb4: {  	v3 =	vperm.xlane v3, v2;
	v4 =	vadd.s32 v1, v4;
	_ =	sdelay $0x1  }
0xb5: {  	v3 =	vadd.s32 v1, v3;
	_ =	sdelay $0x2  }
0xb6: {  	[tilespmem:s17], [sflag:$0x2] =	stream.indirect_vreg.gather [hbm4b:s3+s4], $0x80, v4, vm0, $0xb8;
	[tilespmem:$0x10100] =	vst v63  }
0xb7: {  	_ = 	snop  }
0xb8: {  	[tilespmem:s18], [sflag:$0x2] =	stream.indirect_vreg.gather [hbm4b:s3+s4], $0x80, v3, vm0, $0xb8;
	[tilespmem:$0x10100] =	vst v63  }
0xb9: {  	v3 =	vld [tilespmem:$0xF0];
	_ =	sdelay $0x4  }
0xba: {  	v4 =	vshll.u32 v3, $0x1  }
0xbb: {  	v3 =	vand.u32 $0x7, v3;
	v4 =	vand.u32 $0xFFFFFFF0, v4  }
0xbc: {  	v3 =	vor.u32 v3, v4  }
0xbd: {  	v4 =	vperm.xlane v3, v0;
	_ =	sdelay $0x1  }
0xbe: {  	v3 =	vperm.xlane v3, v2;
	v4 =	vadd.s32 v1, v4;
	_ =	sdelay $0x1  }
0xbf: {  	v3 =	vadd.s32 v1, v3;
	_ =	sdelay $0x2  }
0xc0: {  	[tilespmem:s19], [sflag:$0x2] =	stream.indirect_vreg.gather [hbm4b:s3+s4], $0x80, v4, vm0, $0xb8;
	[tilespmem:$0x10100] =	vst v63  }
0xc1: {  	_ = 	snop  }
0xc2: {  	[tilespmem:s20], [sflag:$0x2] =	stream.indirect_vreg.gather [hbm4b:s3+s4], $0x80, v3, vm0, $0xb8;
	[tilespmem:$0x10100] =	vst v63  }
0xc3: {  	_ =	swait.ge [sflag:s21], $0x8000  }
0xc4: {  	[sflag:s21] =	ssyncset.done $0x0  }
0xc5: {  	[sflag:s21] =	ssyncadd.s32 $0xFFFF8000  }
0xc6: {  	_ =	swait.ge [sflag:s22], $0x8000  }
0xc7: {  	[sflag:s22] =	ssyncset.done $0x0  }
0xc8: {  	s24 =	simm.s32 $0x0;
	[sflag:s22] =	ssyncadd.s32 $0xFFFF8000  }
0xc9: {  	v3 =	vld [tilespmem:s24+$0x8100]  }
0xca: {  	v4 =	vld [tilespmem:s24+$0x110]  }
0xcb: {  	v5 =	vld [tilespmem:s24+$0x8110]  }
0xcc: {  	v6 =	vld [tilespmem:s24+$0x120]  }
0xcd: {  	v7 =	vld [tilespmem:s24+$0x8120]  }
0xce: {  	v8 =	vld [tilespmem:s24+$0x130]  }
0xcf: {  	v9 =	vld [tilespmem:s24+$0x8130]  }
0xd0: {  	v10 =	vld [tilespmem:s24+$0x8140]  }
0xd1: {  	v11 =	vld [tilespmem:s24+$0x150]  }
0xd2: {  	v26 =	vld [tilespmem:s24+$0x8150]  }
0xd3: {  	v27 =	vld [tilespmem:s24+$0x160]  }
0xd4: {  	v28 =	vld [tilespmem:s24+$0x8160]  }
0xd5: {  	v29 =	vld [tilespmem:s24+$0x170]  }
0xd6: {  	v30 =	vld [tilespmem:s24+$0x8170]  }
0xd7: {  	v31 =	vld [tilespmem:s24+$0x8500]  }
0xd8: {  	v32 =	vld [tilespmem:s24+$0x510]  }
0xd9: {  	v33 =	vld [tilespmem:s24+$0x8510]  }
0xda: {  	v34 =	vld [tilespmem:s24+$0x520]  }
0xdb: {  	v35 =	vld [tilespmem:s24+$0x8520]  }
0xdc: {  	v13 =	vld [tilespmem:s24+$0x530]  }
0xdd: {  	v14 =	vld [tilespmem:s24+$0x8530]  }
0xde: {  	v12 =	vld [tilespmem:s24+$0x540]  }
0xdf: {  	v36 =	vld [tilespmem:s24+$0x180]  }
0xe0: {  	v15 =	vld [tilespmem:s24+$0x8180]  }
0xe1: {  	v16 =	vld [tilespmem:s24+$0x190]  }
0xe2: {  	v17 =	vld [tilespmem:s24+$0x8190]  }
0xe3: {  	v18 =	vld [tilespmem:s24+$0x1A0]  }
0xe4: {  	v19 =	vld [tilespmem:s24+$0x81A0]  }
0xe5: {  	v37 =	vld [tilespmem:s24+$0x1B0]  }
0xe6: {  	v21 =	vld [tilespmem:s24+$0x81B0]  }
0xe7: {  	v38 =	vld [tilespmem:s24+$0x1C0]  }
0xe8: {  	v39 =	vld [tilespmem:s24+$0x81C0]  }
0xe9: {  	v22 =	vld [tilespmem:s24+$0x8540]  }
0xea: {  	v41 =	vld [tilespmem:s24+$0x1D0]  }
0xeb: {  	v42 =	vld [tilespmem:s24+$0x81D0]  }
0xec: {  	v20 =	vld [tilespmem:s24+$0x550]  }
0xed: {  	v43 =	vld [tilespmem:s24+$0x1E0]  }
0xee: {  	v45 =	vld [tilespmem:s24+$0x81E0]  }
0xef: {  	v23 =	vld [tilespmem:s24+$0x8550]  }
0xf0: {  	v46 =	vld [tilespmem:s24+$0x1F0]  }
0xf1: {  	v48 =	vld [tilespmem:s24+$0x81F0]  }
0xf2: {  	v24 =	vld [tilespmem:s24+$0x560]  }
0xf3: {  	v50 =	vld [tilespmem:s24+$0x580]  }
0xf4: {  	v52 =	vld [tilespmem:s24+$0x8580]  }
0xf5: {  	v54 =	vld [tilespmem:s24+$0x590]  }
0xf6: {  	v55 =	vld [tilespmem:s24+$0x8590]  }
0xf7: {  	v56 =	vld [tilespmem:s24+$0x5A0]  }
0xf8: {  	v57 =	vld [tilespmem:s24+$0x85A0]  }
0xf9: {  	v58 =	vld [tilespmem:s24+$0x200]  }
0xfa: {  	v59 =	vld [tilespmem:s24+$0x8200]  }
0xfb: {  	v60 =	vld [tilespmem:s24+$0x210]  }
0xfc: {  	v25 =	vld [tilespmem:s24+$0x8210]  }
0xfd: {  	v61 =	vld [tilespmem:s24+$0x8220]  }
0xfe: {  	v63 =	vld [tilespmem:s24+$0x8230]  }
0xff: {  	v4 =	vadd.f32 v5, v4;
	v5 =	vld [tilespmem:s24+$0x140]  }
0x100: {  	v6 =	vadd.f32 v7, v6;
	v7 =	vadd.f32 v26, v11;
	v26 =	vld [tilespmem:s24+$0x220]  }
0x101: {  	v44 =	vadd.f32 v21, v37;
	v37 =	vld [tilespmem:s24+$0x8250]  }
0x102: {  	v47 =	vadd.f32 v39, v38;
	v38 =	vld [tilespmem:s24+$0x260]  }
0x103: {  	v8 =	vadd.f32 v9, v8;
	v9 =	vadd.f32 v48, v46;
	v46 =	vld [tilespmem:s24+$0x600]  }
0x104: {  	v48 =	vld [tilespmem:s24+$0x8600]  }
0x105: {  	v51 =	vadd.f32 v42, v41;
	v41 =	vadd.f32 v55, v54;
	v54 =	vld [tilespmem:s24+$0x2B0]  }
0x106: {  	v55 =	vld [tilespmem:s24+$0x2C0]  }
0x107: {  	v22 =	vadd.f32 v22, v12;
	v12 =	vld [tilespmem:s24+$0x760]  }
0x108: {  	v16 =	vadd.f32 v17, v16;
	v4 =	vmul.f32 $5.000000000e-01, v4;
	v62 =	vmul.f32 $5.000000000e-01, v9;
	v9 =	vld [tilespmem:s24+$0x5D0]  }
0x109: {  	v53 =	vmul.f32 $5.000000000e-01, v51;
	v51 =	vld [tilespmem:s24+$0x8610]  }
0x10a: {  	v40 =	vmul.f32 $5.000000000e-01, v16;
	[tilespmem:s24+$0x110] =	vst v4;
	v4 =	vmul.f32 $5.000000000e-01, v6;
	v6 =	vadd.f32 v28, v27;
	v28 =	vld [tilespmem:s24+$0x8560]  }
0x10b: {  	v27 =	vld [tilespmem:s24+$0x570]  }
0x10c: {  	v49 =	vmul.f32 $5.000000000e-01, v47;
	[tilespmem:s24+$0x190] =	vst v40;
	v40 =	vld [tilespmem:s24+$0x8260]  }
0x10d: {  	[tilespmem:s24+$0x1D0] =	vst v53;
	v53 =	vld [tilespmem:s24+$0x8280]  }
0x10e: {  	[tilespmem:s24+$0x1C0] =	vst v49;
	v49 =	vadd.f32 v57, v56;
	v56 =	vld [tilespmem:s24+$0x82C0]  }
0x10f: {  	v57 =	vld [tilespmem:s24+$0x82D0]  }
0x110: {  	v5 =	vadd.f32 v10, v5;
	v10 =	vadd.f32 v52, v50;
	v52 =	vld [tilespmem:s24+$0x280]  }
0x111: {  	[tilespmem:s24+$0x120] =	vst v4;
	v4 =	vmul.f32 $5.000000000e-01, v8;
	v8 =	vadd.f32 v30, v29;
	v29 =	vld [tilespmem:s24+$0x8570]  }
0x112: {  	v30 =	vld [tilespmem:s24+$0x230];
	v10 =	vmul.f32 $5.000000000e-01, v10  }
0x113: {  	[tilespmem:s24+$0x130] =	vst v4;
	v4 =	vmul.f32 $5.000000000e-01, v5;
	v5 =	vld [tilespmem:s24+$0x500]  }
0x114: {  	[tilespmem:s24+$0x580] =	vst v10;
	v10 =	vld [tilespmem:s24+$0x85D0]  }
0x115: {  	v16 =	vadd.f32 v40, v38;
	v38 =	vld [tilespmem:s24+$0x2A0]  }
0x116: {  	v8 =	vmul.f32 $5.000000000e-01, v8;
	v40 =	vld [tilespmem:s24+$0x82B0]  }
0x117: {  	[tilespmem:s24+$0x140] =	vst v4;
	v4 =	vmul.f32 $5.000000000e-01, v7;
	v7 =	vadd.f32 v33, v32;
	v32 =	vld [tilespmem:s24+$0x240]  }
0x118: {  	v11 =	vadd.f32 v61, v26;
	[tilespmem:s24+$0x170] =	vst v8;
	v8 =	vadd.f32 v15, v36;
	v36 =	vld [tilespmem:s24+$0x250]  }
0x119: {  	v15 =	vld [tilespmem:s24+$0x85E0]  }
0x11a: {  	v11 =	vmul.f32 $5.000000000e-01, v11;
	v33 =	vadd.f32 v25, v60;
	v60 =	vld [tilespmem:s24+$0x82E0]  }
0x11b: {  	v26 =	vadd.f32 v53, v52;
	v52 =	vld [tilespmem:s24+$0x82F0]  }
0x11c: {  	[tilespmem:s24+$0x220] =	vst v11;
	v11 =	vmul.f32 $5.000000000e-01, v41;
	v25 =	vadd.f32 v48, v46;
	v46 =	vld [tilespmem:s24+$0x8300]  }
0x11d: {  	v48 =	vld [tilespmem:s24+$0x8310]  }
0x11e: {  	[tilespmem:s24+$0x590] =	vst v11;
	v11 =	vld [tilespmem:s24+$0x5E0]  }
0x11f: {  	v39 =	vadd.f32 v63, v30;
	v63 =	vld [tilespmem:s24+$0x2F0]  }
0x120: {  	v27 =	vadd.f32 v29, v27;
	v29 =	vld [tilespmem:s24+$0x410]  }
0x121: {  	v16 =	vmul.f32 $5.000000000e-01, v16;
	[tilespmem:s24+$0x150] =	vst v4;
	v4 =	vmul.f32 $5.000000000e-01, v6;
	v6 =	vld [tilespmem:s24+$0x85B0]  }
0x122: {  	v41 =	vmul.f32 $5.000000000e-01, v25;
	v25 =	vld [tilespmem:s24+$0x8640]  }
0x123: {  	[tilespmem:s24+$0x260] =	vst v16;
	v16 =	vld [tilespmem:s24+$0x630]  }
0x124: {  	v8 =	vmul.f32 $5.000000000e-01, v8;
	v42 =	vmul.f32 $5.000000000e-01, v39;
	v39 =	vld [tilespmem:s24+$0x82A0]  }
0x125: {  	v26 =	vmul.f32 $5.000000000e-01, v26;
	[tilespmem:s24+$0x160] =	vst v4;
	v4 =	vld [tilespmem:s24+$0x87B0]  }
0x126: {  	v7 =	vmul.f32 $5.000000000e-01, v7;
	[tilespmem:s24+$0x180] =	vst v8;
	v8 =	vld [tilespmem:s24+$0x85C0]  }
0x127: {  	[tilespmem:s24+$0x280] =	vst v26;
	v26 =	vld [tilespmem:s24+$0x650]  }
0x128: {  	[tilespmem:s24+$0x510] =	vst v7;
	v7 =	vadd.f32 v59, v58;
	v59 =	vld [tilespmem:s24+$0x2E0]  }
0x129: {  	v5 =	vadd.f32 v31, v5;
	v47 =	vadd.f32 v37, v36;
	v36 =	vld [tilespmem:s24+$0x290]  }
0x12a: {  	v37 =	vld [tilespmem:s24+$0x8290]  }
0x12b: {  	v5 =	vmul.f32 $5.000000000e-01, v5;
	[tilespmem:s24+$0x230] =	vst v42;
	v42 =	vld [tilespmem:s24+$0x2D0]  }
0x12c: {  	v31 =	vmul.f32 $5.000000000e-01, v7;
	v7 =	vld [tilespmem:s24+$0x5C0]  }
0x12d: {  	[tilespmem:s24+$0x500] =	vst v5;
	v5 =	vadd.f32 v19, v18;
	v18 =	vld [tilespmem:s24+$0x5F0]  }
0x12e: {  	v13 =	vadd.f32 v14, v13;
	v50 =	vmul.f32 $5.000000000e-01, v47;
	v47 =	vld [tilespmem:s24+$0x310]  }
0x12f: {  	v19 =	vmul.f32 $5.000000000e-01, v49;
	v49 =	vld [tilespmem:s24+$0x320]  }
0x130: {  	v13 =	vmul.f32 $5.000000000e-01, v13;
	[tilespmem:s24+$0x200] =	vst v31;
	v31 =	vadd.f32 v40, v54;
	v40 =	vld [tilespmem:s24+$0x680]  }
0x131: {  	v38 =	vadd.f32 v39, v38;
	v39 =	vld [tilespmem:s24+$0x6D0]  }
0x132: {  	[tilespmem:s24+$0x530] =	vst v13;
	v13 =	vld [tilespmem:s24+$0x8760]  }
0x133: {  	[tilespmem:s24+$0x5A0] =	vst v19;
	v19 =	vld [tilespmem:s24+$0x8630]  }
0x134: {  	[tilespmem:s24+$0x250] =	vst v50;
	v50 =	vld [tilespmem:s24+$0x8330]  }
0x135: {  	[tilespmem:s24+$0x1F0] =	vst v62;
	v62 =	vmul.f32 $5.000000000e-01, v31;
	v31 =	vld [tilespmem:s24+$0x660]  }
0x136: {  	v54 =	vadd.f32 v57, v42;
	v57 =	vld [tilespmem:s24+$0x690]  }
0x137: {  	v36 =	vadd.f32 v37, v36;
	v37 =	vadd.f32 v52, v63;
	v63 =	vld [tilespmem:s24+$0x8340]  }
0x138: {  	v5 =	vmul.f32 $5.000000000e-01, v5;
	v52 =	vld [tilespmem:s24+$0x360]  }
0x139: {  	v58 =	vmul.f32 $5.000000000e-01, v38;
	v42 =	vld [tilespmem:s24+$0x86D0]  }
0x13a: {  	[tilespmem:s24+$0x1A0] =	vst v5;
	v5 =	vmul.f32 $5.000000000e-01, v44;
	v44 =	vld [tilespmem:s24+$0x8270]  }
0x13b: {  	[tilespmem:s24+$0x2A0] =	vst v58;
	v58 =	vadd.f32 v60, v59;
	v60 =	vld [tilespmem:s24+$0x300]  }
0x13c: {  	[tilespmem:s24+$0x2B0] =	vst v62;
	v62 =	vld [tilespmem:s24+$0x330]  }
0x13d: {  	v36 =	vmul.f32 $5.000000000e-01, v36;
	[tilespmem:s24+$0x1B0] =	vst v5;
	v5 =	vadd.f32 v35, v34;
	v34 =	vld [tilespmem:s24+$0x8240]  }
0x13e: {  	v37 =	vmul.f32 $5.000000000e-01, v37;
	v35 =	vmul.f32 $5.000000000e-01, v33;
	v33 =	vld [tilespmem:s24+$0x610]  }
0x13f: {  	[tilespmem:s24+$0x290] =	vst v36;
	v36 =	vld [tilespmem:s24+$0x8670]  }
0x140: {  	v59 =	vmul.f32 $5.000000000e-01, v58;
	[tilespmem:s24+$0x2F0] =	vst v37;
	v37 =	vld [tilespmem:s24+$0x6C0]  }
0x141: {  	v5 =	vmul.f32 $5.000000000e-01, v5;
	[tilespmem:s24+$0x210] =	vst v35;
	v35 =	vld [tilespmem:s24+$0x8620]  }
0x142: {  	[tilespmem:s24+$0x2E0] =	vst v59;
	v59 =	vld [tilespmem:s24+$0x8360]  }
0x143: {  	[tilespmem:s24+$0x520] =	vst v5;
	v5 =	vadd.f32 v45, v43;
	v43 =	vld [tilespmem:s24+$0x270]  }
0x144: {  	v38 =	vadd.f32 v46, v60;
	v46 =	vadd.f32 v50, v62;
	v62 =	vld [tilespmem:s24+$0x370]  }
0x145: {  	v50 =	vld [tilespmem:s24+$0x3B0]  }
0x146: {  	v20 =	vadd.f32 v23, v20;
	v21 =	vadd.f32 v34, v32;
	v34 =	vld [tilespmem:s24+$0x620]  }
0x147: {  	v32 =	vadd.f32 v56, v55;
	v55 =	vld [tilespmem:s24+$0x8680]  }
0x148: {  	v20 =	vmul.f32 $5.000000000e-01, v20;
	v30 =	vadd.f32 v51, v33;
	v51 =	vld [tilespmem:s24+$0x340]  }
0x149: {  	v23 =	vld [tilespmem:s24+$0x100]  }
0x14a: {  	[tilespmem:s24+$0x550] =	vst v20;
	v20 =	vld [tilespmem:s24+$0x7C0]  }
0x14b: {  	v56 =	vmul.f32 $5.000000000e-01, v54;
	v45 =	vmul.f32 $5.000000000e-01, v21;
	v21 =	vld [tilespmem:s24+$0x85F0]  }
0x14c: {  	v5 =	vmul.f32 $5.000000000e-01, v5;
	v61 =	vmul.f32 $5.000000000e-01, v30;
	v30 =	vld [tilespmem:s24+$0x8650]  }
0x14d: {  	v38 =	vmul.f32 $5.000000000e-01, v38;
	[tilespmem:s24+$0x2D0] =	vst v56;
	v56 =	vld [tilespmem:s24+$0x8350]  }
0x14e: {  	[tilespmem:s24+$0x1E0] =	vst v5;
	v5 =	vld [tilespmem:s24+$0x5B0]  }
0x14f: {  	[tilespmem:s24+$0x300] =	vst v38;
	v38 =	vld [tilespmem:s24+$0x86C0]  }
0x150: {  	v59 =	vadd.f32 v59, v52;
	v52 =	vld [tilespmem:s24+$0x8710]  }
0x151: {  	v17 =	vadd.f32 v44, v43;
	v43 =	vld [tilespmem:s24+$0x8690]  }
0x152: {  	v32 =	vmul.f32 $5.000000000e-01, v32;
	v44 =	vld [tilespmem:s24+$0x6A0]  }
0x153: {  	[tilespmem:s24+$0x240] =	vst v45;
	v45 =	vld [tilespmem:s24+$0x86A0]  }
0x154: {  	[tilespmem:s24+$0x2C0] =	vst v32;
	v32 =	vld [tilespmem:s24+$0x6B0]  }
0x155: {  	[tilespmem:s24+$0x610] =	vst v61;
	v61 =	vld [tilespmem:s24+$0x8320]  }
0x156: {  	v53 =	vadd.f32 v35, v34;
	v35 =	vld [tilespmem:s24+$0x8660]  }
0x157: {  	v34 =	vld [tilespmem:s24+$0x670]  }
0x158: {  	v54 =	vadd.f32 v55, v40;
	v40 =	vld [tilespmem:s24+$0x350]  }
0x159: {  	v47 =	vadd.f32 v48, v47;
	v48 =	vadd.f32 v63, v51;
	v63 =	vld [tilespmem:s24+$0x8370]  }
0x15a: {  	v51 =	vld [tilespmem:s24+$0x700]  }
0x15b: {  	v55 =	vmul.f32 $5.000000000e-01, v47;
	v47 =	vld [tilespmem:s24+$0x8700]  }
0x15c: {  	v33 =	vmul.f32 $5.000000000e-01, v53;
	v53 =	vld [tilespmem:s24+$0x710]  }
0x15d: {  	v17 =	vmul.f32 $5.000000000e-01, v17;
	v58 =	vmul.f32 $5.000000000e-01, v54;
	v54 =	vld [tilespmem:s24+$0x720]  }
0x15e: {  	[tilespmem:s24+$0x310] =	vst v55;
	v55 =	vld [tilespmem:s24+$0x8720]  }
0x15f: {  	[tilespmem:s24+$0x270] =	vst v17;
	v17 =	vld [tilespmem:s24+$0x640]  }
0x160: {  	v5 =	vadd.f32 v6, v5;
	v6 =	vld [tilespmem:s24+$0x87F0]  }
0x161: {  	[tilespmem:s24+$0x620] =	vst v33;
	v33 =	vld [tilespmem:s24+$0x86B0]  }
0x162: {  	[tilespmem:s24+$0x680] =	vst v58;
	v58 =	vadd.f32 v45, v44;
	v45 =	vld [tilespmem:s24+$0x86E0]  }
0x163: {  	[tilespmem:s24+$0x600] =	vst v41;
	v41 =	vadd.f32 v61, v49;
	v61 =	vmul.f32 $5.000000000e-01, v46;
	v46 =	vld [tilespmem:s24+$0x6F0]  }
0x164: {  	v44 =	vld [tilespmem:s24+$0x8730]  }
0x165: {  	v60 =	vadd.f32 v43, v57;
	v57 =	vmul.f32 $5.000000000e-01, v48;
	v48 =	vld [tilespmem:s24+$0x86F0]  }
0x166: {  	v40 =	vadd.f32 v56, v40;
	v56 =	vld [tilespmem:s24+$0x390]  }
0x167: {  	v47 =	vadd.f32 v47, v51;
	v51 =	vld [tilespmem:s24+$0x3C0]  }
0x168: {  	v31 =	vadd.f32 v35, v31;
	v35 =	vld [tilespmem:s24+$0x84A0]  }
0x169: {  	[tilespmem:s24+$0x330] =	vst v61;
	v61 =	vadd.f32 v63, v62;
	v63 =	vld [tilespmem:s24+$0x380]  }
0x16a: {  	[tilespmem:s24+$0x340] =	vst v57;
	v43 =	vmul.f32 $5.000000000e-01, v58;
	v57 =	vld [tilespmem:s24+$0x8390]  }
0x16b: {  	v41 =	vmul.f32 $5.000000000e-01, v41;
	v58 =	vld [tilespmem:s24+$0x3A0]  }
0x16c: {  	v40 =	vmul.f32 $5.000000000e-01, v40;
	[tilespmem:s24+$0x6A0] =	vst v43;
	v43 =	vld [tilespmem:s24+$0x730]  }
0x16d: {  	[tilespmem:s24+$0x320] =	vst v41;
	v41 =	vmul.f32 $5.000000000e-01, v60;
	v60 =	vmul.f32 $5.000000000e-01, v59;
	v59 =	vld [tilespmem:s24+$0x83A0]  }
0x16e: {  	v62 =	vmul.f32 $5.000000000e-01, v61;
	v61 =	vmul.f32 $5.000000000e-01, v47;
	v47 =	vld [tilespmem:s24+$0x8740]  }
0x16f: {  	[tilespmem:s24+$0x350] =	vst v40;
	v40 =	vld [tilespmem:s24+$0x740]  }
0x170: {  	v52 =	vadd.f32 v52, v53;
	[tilespmem:s24+$0x690] =	vst v41;
	v41 =	vld [tilespmem:s24+$0x6E0]  }
0x171: {  	[tilespmem:s24+$0x360] =	vst v60;
	v60 =	vld [tilespmem:s24+$0x8380]  }
0x172: {  	v52 =	vmul.f32 $5.000000000e-01, v52;
	[tilespmem:s24+$0x370] =	vst v62;
	v62 =	vld [tilespmem:s24+$0x3D0]  }
0x173: {  	v56 =	vadd.f32 v57, v56;
	v57 =	vld [tilespmem:s24+$0x83C0]  }
0x174: {  	[tilespmem:s24+$0x710] =	vst v52;
	v52 =	vld [tilespmem:s24+$0x83F0]  }
0x175: {  	v56 =	vmul.f32 $5.000000000e-01, v56;
	v58 =	vadd.f32 v59, v58;
	v59 =	vld [tilespmem:s24+$0x83D0]  }
0x176: {  	v49 =	vadd.f32 v60, v63;
	v60 =	vld [tilespmem:s24+$0x83B0]  }
0x177: {  	[tilespmem:s24+$0x390] =	vst v56;
	v56 =	vld [tilespmem:s24+$0x3E0]  }
0x178: {  	v63 =	vadd.f32 v55, v54;
	v54 =	vld [tilespmem:s24+$0x780]  }
0x179: {  	v53 =	vmul.f32 $5.000000000e-01, v58;
	v41 =	vadd.f32 v45, v41;
	v45 =	vld [tilespmem:s24+$0x4F0]  }
0x17a: {  	v51 =	vadd.f32 v57, v51;
	v57 =	vld [tilespmem:s24+$0x8780];
	v49 =	vmul.f32 $5.000000000e-01, v49  }
0x17b: {  	[tilespmem:s24+$0x3A0] =	vst v53;
	v53 =	vld [tilespmem:s24+$0x3F0];
	v14 =	vmul.f32 $5.000000000e-01, v63  }
0x17c: {  	[tilespmem:s24+$0x380] =	vst v49;
	v49 =	vld [tilespmem:s24+$0x750]  }
0x17d: {  	[tilespmem:s24+$0x720] =	vst v14;
	v14 =	vld [tilespmem:s24+$0x770]  }
0x17e: {  	v51 =	vmul.f32 $5.000000000e-01, v51;
	v58 =	vadd.f32 v60, v50;
	v60 =	vld [tilespmem:s24+$0x83E0]  }
0x17f: {  	v50 =	vld [tilespmem:s24+$0x8750]  }
0x180: {  	[tilespmem:s24+$0x3C0] =	vst v51;
	v51 =	vld [tilespmem:s24+$0x8790]  }
0x181: {  	[tilespmem:s24+$0x700] =	vst v61;
	v61 =	vmul.f32 $5.000000000e-01, v58;
	v58 =	vadd.f32 v52, v53;
	v52 =	vld [tilespmem:s24+$0x7A0]  }
0x182: {  	v53 =	vld [tilespmem:s24+$0x87A0]  }
0x183: {  	[tilespmem:s24+$0x3B0] =	vst v61;
	v61 =	vadd.f32 v59, v62;
	v62 =	vadd.f32 v28, v24;
	v28 =	vld [tilespmem:s24+$0x790]  }
0x184: {  	v22 =	vmul.f32 $5.000000000e-01, v22;
	v55 =	vadd.f32 v60, v56;
	v60 =	vmul.f32 $5.000000000e-01, v58;
	v58 =	vld [tilespmem:s24+$0x420]  }
0x185: {  	v59 =	vmul.f32 $5.000000000e-01, v27;
	v63 =	vmul.f32 $5.000000000e-01, v61;
	v61 =	vld [tilespmem:s24+$0x400]  }
0x186: {  	[tilespmem:s24+$0x540] =	vst v22;
	v22 =	vmul.f32 $5.000000000e-01, v62;
	v62 =	vld [tilespmem:s24+$0x8400]  }
0x187: {  	[tilespmem:s24+$0x570] =	vst v59;
	v59 =	vld [tilespmem:s24+$0x8420]  }
0x188: {  	v56 =	vmul.f32 $5.000000000e-01, v55;
	v55 =	vld [tilespmem:s24+$0x7B0]  }
0x189: {  	[tilespmem:s24+$0x3F0] =	vst v60;
	v60 =	vld [tilespmem:s24+$0x430]  }
0x18a: {  	v52 =	vadd.f32 v53, v52;
	v53 =	vld [tilespmem:s24+$0x800]  }
0x18b: {  	[tilespmem:s24+$0x560] =	vst v22;
	v22 =	vld [tilespmem:s24+$0x8770]  }
0x18c: {  	[tilespmem:s24+$0x3D0] =	vst v63;
	v63 =	vadd.f32 v57, v54;
	v57 =	vld [tilespmem:s24+$0x440]  }
0x18d: {  	v54 =	vld [tilespmem:s24+$0x450]  }
0x18e: {  	[tilespmem:s24+$0x3E0] =	vst v56;
	v56 =	vld [tilespmem:s24+$0x8410]  }
0x18f: {  	v27 =	vmul.f32 $5.000000000e-01, v63;
	v24 =	vadd.f32 v62, v61;
	v61 =	vld [tilespmem:s24+$0x8430]  }
0x190: {  	v58 =	vadd.f32 v59, v58;
	v59 =	vld [tilespmem:s24+$0x8450]  }
0x191: {  	[tilespmem:s24+$0x780] =	vst v27;
	v27 =	vld [tilespmem:s24+$0x7D0]  }
0x192: {  	v7 =	vadd.f32 v8, v7;
	v4 =	vadd.f32 v4, v55;
	v55 =	vld [tilespmem:s24+$0x810]  }
0x193: {  	v3 =	vadd.f32 v3, v23;
	v62 =	vmul.f32 $5.000000000e-01, v24;
	v24 =	vld [tilespmem:s24+$0x87C0]  }
0x194: {  	v7 =	vmul.f32 $5.000000000e-01, v7;
	v29 =	vadd.f32 v56, v29;
	v56 =	vld [tilespmem:s24+$0x8440]  }
0x195: {  	v3 =	vmul.f32 $5.000000000e-01, v3;
	v28 =	vadd.f32 v51, v28;
	[tilespmem:s24+$0x400] =	vst v62;
	v62 =	vld [tilespmem:s24+$0x470]  }
0x196: {  	[tilespmem:s24+$0x5C0] =	vst v7;
	v29 =	vmul.f32 $5.000000000e-01, v29;
	v51 =	vadd.f32 v61, v60;
	v60 =	vld [tilespmem:s24+$0x8460]  }
0x197: {  	[tilespmem:s24+$0x100] =	vst v3;
	v52 =	vmul.f32 $5.000000000e-01, v52;
	v61 =	vmul.f32 $5.000000000e-01, v28;
	v28 =	vld [tilespmem:s24+$0x87D0]  }
0x198: {  	v54 =	vadd.f32 v59, v54;
	[tilespmem:s24+$0x410] =	vst v29;
	v29 =	vmul.f32 $5.000000000e-01, v58;
	v58 =	vld [tilespmem:s24+$0x460]  }
0x199: {  	[tilespmem:s24+$0x7A0] =	vst v52;
	v59 =	vld [tilespmem:s24+$0x8820]  }
0x19a: {  	[tilespmem:s24+$0x790] =	vst v61;
	v54 =	vmul.f32 $5.000000000e-01, v54;
	v20 =	vadd.f32 v24, v20;
	v63 =	vadd.f32 v56, v57;
	v56 =	vld [tilespmem:s24+$0x8470]  }
0x19b: {  	v57 =	vld [tilespmem:s24+$0x8800];
	[tilespmem:s24+$0x420] =	vst v29;
	v29 =	vmul.f32 $5.000000000e-01, v51  }
0x19c: {  	[tilespmem:s24+$0x450] =	vst v54;
	v54 =	vld [tilespmem:s24+$0x820];
	v3 =	vmul.f32 $5.000000000e-01, v20  }
0x19d: {  	v51 =	vmul.f32 $5.000000000e-01, v63;
	v63 =	vmul.f32 $5.000000000e-01, v4;
	v4 =	vld [tilespmem:s24+$0x7F0];
	[tilespmem:s24+$0x430] =	vst v29;
	v61 =	vadd.f32 v60, v58  }
0x19e: {  	v9 =	vadd.f32 v10, v9;
	v29 =	vld [tilespmem:s24+$0x7E0];
	[tilespmem:s24+$0x7C0] =	vst v3  }
0x19f: {  	[tilespmem:s24+$0x440] =	vst v51;
	v51 =	vld [tilespmem:s24+$0x87E0];
	v60 =	vadd.f32 v15, v11;
	v52 =	vmul.f32 $5.000000000e-01, v61  }
0x1a0: {  	v58 =	vld [tilespmem:s24+$0x8810];
	[tilespmem:s24+$0x7B0] =	vst v63;
	v63 =	vadd.f32 v21, v18;
	v61 =	vmul.f32 $5.000000000e-01, v9  }
0x1a1: {  	v11 =	vld [tilespmem:s24+$0x480];
	v21 =	vmul.f32 $5.000000000e-01, v60;
	[tilespmem:s24+$0x460] =	vst v52  }
0x1a2: {  	v26 =	vadd.f32 v30, v26;
	v18 =	vld [tilespmem:s24+$0x4A0];
	v60 =	vmul.f32 $5.000000000e-01, v63;
	[tilespmem:s24+$0x5D0] =	vst v61  }
0x1a3: {  	v15 =	vld [tilespmem:s24+$0x8480];
	v52 =	vmul.f32 $5.000000000e-01, v5;
	[tilespmem:s24+$0x5E0] =	vst v21  }
0x1a4: {  	v63 =	vld [tilespmem:s24+$0x8490];
	v3 =	vadd.f32 v6, v4;
	[tilespmem:s24+$0x5F0] =	vst v60;
	v21 =	vmul.f32 $5.000000000e-01, v26  }
0x1a5: {  	v5 =	vld [tilespmem:s24+$0x830];
	v61 =	vadd.f32 v25, v17;
	v26 =	vmul.f32 $5.000000000e-01, v31;
	[tilespmem:s24+$0x5B0] =	vst v52  }
0x1a6: {  	v31 =	vld [tilespmem:s24+$0x84B0];
	v3 =	vmul.f32 $5.000000000e-01, v3;
	v52 =	vadd.f32 v19, v16;
	[tilespmem:s24+$0x650] =	vst v21  }
0x1a7: {  	v60 =	vld [tilespmem:s24+$0x84C0];
	v30 =	vmul.f32 $5.000000000e-01, v61;
	[tilespmem:s24+$0x660] =	vst v26;
	v61 =	vadd.f32 v33, v32;
	v33 =	vadd.f32 v35, v18  }
0x1a8: {  	v16 =	vld [tilespmem:s24+$0x490];
	v35 =	vadd.f32 v42, v39;
	v42 =	vadd.f32 v48, v46;
	v46 =	vmul.f32 $5.000000000e-01, v41;
	[tilespmem:s24+$0x7F0] =	vst v3  }
0x1a9: {  	v21 =	vld [tilespmem:s24+$0x4C0];
	v25 =	vmul.f32 $5.000000000e-01, v52;
	[tilespmem:s24+$0x640] =	vst v30  }
0x1aa: {  	v39 =	vld [tilespmem:s24+$0x84E0];
	v32 =	vmul.f32 $5.000000000e-01, v61;
	[tilespmem:s24+$0x6E0] =	vst v46  }
0x1ab: {  	v48 =	vld [tilespmem:s24+$0x84F0];
	v30 =	vadd.f32 v36, v34;
	v17 =	vmul.f32 $5.000000000e-01, v33;
	[tilespmem:s24+$0x630] =	vst v25  }
0x1ac: {  	v36 =	vadd.f32 v56, v62;
	v62 =	vadd.f32 v38, v37;
	v34 =	vld [tilespmem:s24+$0x84D0];
	v38 =	vmul.f32 $5.000000000e-01, v35;
	[tilespmem:s24+$0x6B0] =	vst v32  }
0x1ad: {  	v37 =	vld [tilespmem:s24+$0x4E0];
	v52 =	vmul.f32 $5.000000000e-01, v30;
	[tilespmem:s24+$0x4A0] =	vst v17  }
0x1ae: {  	v33 =	vld [tilespmem:s24+$0x8890];
	v25 =	vadd.f32 v15, v11;
	v7 =	vmul.f32 $5.000000000e-01, v36;
	[tilespmem:s24+$0x6D0] =	vst v38  }
0x1af: {  	v46 =	vld [tilespmem:s24+$0x870];
	v8 =	vmul.f32 $5.000000000e-01, v62;
	v36 =	vadd.f32 v57, v53;
	[tilespmem:s24+$0x670] =	vst v52  }
0x1b0: {  	v61 =	vadd.f32 v50, v49;
	v50 =	vld [tilespmem:s24+$0x88C0];
	v10 =	vmul.f32 $5.000000000e-01, v25;
	[tilespmem:s24+$0x470] =	vst v7  }
0x1b1: {  	v14 =	vadd.f32 v22, v14;
	v35 =	vadd.f32 v59, v54;
	v54 =	vld [tilespmem:s24+$0x8D0];
	[tilespmem:s24+$0x6C0] =	vst v8;
	v7 =	vmul.f32 $5.000000000e-01, v36  }
0x1b2: {  	v59 =	vld [tilespmem:s24+$0x88E0];
	v56 =	vadd.f32 v63, v16;
	v8 =	vmul.f32 $5.000000000e-01, v42;
	[tilespmem:s24+$0x480] =	vst v10  }
0x1b3: {  	v11 =	vld [tilespmem:s24+$0x4B0];
	v16 =	vadd.f32 v60, v21;
	v52 =	vadd.f32 v44, v43;
	v43 =	vmul.f32 $5.000000000e-01, v14;
	[tilespmem:s24+$0x800] =	vst v7  }
0x1b4: {  	v12 =	vadd.f32 v13, v12;
	v17 =	vld [tilespmem:s24+$0x8840];
	v9 =	vmul.f32 $5.000000000e-01, v56;
	[tilespmem:s24+$0x6F0] =	vst v8  }
0x1b5: {  	v53 =	vadd.f32 v58, v55;
	v55 =	vld [tilespmem:s24+$0x880];
	v38 =	vadd.f32 v48, v45;
	v16 =	vmul.f32 $5.000000000e-01, v16;
	[tilespmem:s24+$0x770] =	vst v43  }
0x1b6: {  	v57 =	vld [tilespmem:s24+$0x8880];
	v15 =	vadd.f32 v39, v37;
	v37 =	vmul.f32 $5.000000000e-01, v12;
	[tilespmem:s24+$0x490] =	vst v9  }
0x1b7: {  	v63 =	vld [tilespmem:s24+$0x4D0];
	v41 =	vmul.f32 $5.000000000e-01, v38;
	[tilespmem:s24+$0x4C0] =	vst v16  }
0x1b8: {  	v62 =	vld [tilespmem:s24+$0x890];
	v56 =	vmul.f32 $5.000000000e-01, v52;
	[tilespmem:s24+$0x760] =	vst v37  }
0x1b9: {  	v58 =	vadd.f32 v47, v40;
	v40 =	vld [tilespmem:s24+$0x8860];
	v7 =	vmul.f32 $5.000000000e-01, v53;
	[tilespmem:s24+$0x4F0] =	vst v41  }
0x1ba: {  	v60 =	vld [tilespmem:s24+$0x8850];
	v8 =	vmul.f32 $5.000000000e-01, v61;
	[tilespmem:s24+$0x730] =	vst v56  }
0x1bb: {  	v45 =	vld [tilespmem:s24+$0x88B0];
	v15 =	vmul.f32 $5.000000000e-01, v15;
	[tilespmem:s24+$0x810] =	vst v7  }
0x1bc: {  	v36 =	vld [tilespmem:s24+$0x8A0];
	v11 =	vadd.f32 v31, v11;
	v18 =	vadd.f32 v34, v63;
	v63 =	vmul.f32 $5.000000000e-01, v58;
	[tilespmem:s24+$0x750] =	vst v8  }
0x1bd: {  	v10 =	vld [tilespmem:s24+$0x8830];
	v52 =	vadd.f32 v51, v29;
	v7 =	vmul.f32 $5.000000000e-01, v35;
	[tilespmem:s24+$0x4E0] =	vst v15  }
0x1be: {  	v39 =	vld [tilespmem:s24+$0x88A0];
	v44 =	vadd.f32 v57, v55;
	v11 =	vmul.f32 $5.000000000e-01, v11;
	[tilespmem:s24+$0x740] =	vst v63  }
0x1bf: {  	v9 =	vld [tilespmem:s24+$0x840];
	v55 =	vmul.f32 $5.000000000e-01, v52;
	[tilespmem:s24+$0x820] =	vst v7  }
0x1c0: {  	v49 =	vadd.f32 v33, v62;
	v14 =	vmul.f32 $5.000000000e-01, v44;
	[tilespmem:s24+$0x4B0] =	vst v11;
	v11 =	vld [tilespmem:s24+$0x850]  }
0x1c1: {  	v47 =	vadd.f32 v28, v27;
	v34 =	vld [tilespmem:s24+$0x860];
	v18 =	vmul.f32 $5.000000000e-01, v18;
	[tilespmem:s24+$0x7E0] =	vst v55  }
0x1c2: {  	v53 =	vld [tilespmem:s24+$0x8870];
	v4 =	vmul.f32 $5.000000000e-01, v49;
	[tilespmem:s24+$0x880] =	vst v14;
	v5 =	vadd.f32 v10, v5  }
0x1c3: {  	v42 =	vld [tilespmem:s24+$0x8B0];
	v7 =	vmul.f32 $5.000000000e-01, v47;
	[tilespmem:s24+$0x4D0] =	vst v18;
	v18 =	vadd.f32 v39, v36  }
0x1c4: {  	v48 =	vld [tilespmem:s24+$0x8C0];
	[tilespmem:s24+$0x890] =	vst v4;
	v4 =	vadd.f32 v17, v9;
	v3 =	vmul.f32 $5.000000000e-01, v5  }
0x1c5: {  	v56 =	vld [tilespmem:s24+$0x88D0];
	[tilespmem:s24+$0x7D0] =	vst v7;
	v57 =	vmul.f32 $5.000000000e-01, v18;
	v5 =	vadd.f32 v60, v11  }
0x1c6: {  	v58 =	vld [tilespmem:s24+$0x8E0];
	v4 =	vmul.f32 $5.000000000e-01, v4;
	[tilespmem:s24+$0x830] =	vst v3;
	v60 =	vadd.f32 v40, v34  }
0x1c7: {  	v61 =	vld [tilespmem:s24+$0x8F0];
	[tilespmem:s24+$0x8A0] =	vst v57;
	v3 =	vmul.f32 $5.000000000e-01, v5;
	v5 =	vadd.f32 v53, v46  }
0x1c8: {  	v62 =	vadd.f32 v45, v42;
	v63 =	vld [tilespmem:s24+$0x88F0];
	[tilespmem:s24+$0x840] =	vst v4;
	v4 =	vmul.f32 $5.000000000e-01, v60  }
0x1c9: {  	[tilespmem:s24+$0x850] =	vst v3;
	v3 =	vadd.f32 v50, v48;
	v5 =	vmul.f32 $5.000000000e-01, v5  }
0x1ca: {  	v6 =	vadd.f32 v56, v54;
	[tilespmem:s24+$0x860] =	vst v4;
	v4 =	vmul.f32 $5.000000000e-01, v62  }
0x1cb: {  	[tilespmem:s24+$0x870] =	vst v5;
	v3 =	vmul.f32 $5.000000000e-01, v3;
	v5 =	vadd.f32 v59, v58  }
0x1cc: {  	[tilespmem:s24+$0x8B0] =	vst v4;
	v4 =	vmul.f32 $5.000000000e-01, v6  }
0x1cd: {  	[tilespmem:s24+$0x8C0] =	vst v3;
	v3 =	vmul.f32 $5.000000000e-01, v5;
	v5 =	vadd.f32 v63, v61  }
0x1ce: {  	[tilespmem:s24+$0x8D0] =	vst v4  }
0x1cf: {  	s25 =	simm.s32 $0x8;
	[tilespmem:s24+$0x8E0] =	vst v3;
	v3 =	vmul.f32 $5.000000000e-01, v5  }
.LBB2_2:
0x1d0: {  	_ = 	snop  }
0x1d1: {  	p0 =	slt.u32 s25, $0x78;
	[tilespmem:s24+$0x8F0] =	vst v3;
	s24 =	sshll.u32 s25, $0x8;
	s25 =	sadd.s32 $0x8, s25  }
0x1d2: {  	v4 =	vld [tilespmem:s24+$0x87B0]  }
0x1d3: {  	v3 =	vld [tilespmem:s24+$0x8100]  }
0x1d4: {  	v5 =	vld [tilespmem:s24+$0x110]  }
0x1d5: {  	v6 =	vld [tilespmem:s24+$0x8110]  }
0x1d6: {  	v7 =	vld [tilespmem:s24+$0x120]  }
0x1d7: {  	v8 =	vld [tilespmem:s24+$0x8120]  }
0x1d8: {  	v9 =	vld [tilespmem:s24+$0x130]  }
0x1d9: {  	v10 =	vld [tilespmem:s24+$0x8130]  }
0x1da: {  	v5 =	vadd.f32 v6, v5;
	v6 =	vld [tilespmem:s24+$0x140]  }
0x1db: {  	v11 =	vld [tilespmem:s24+$0x8140]  }
0x1dc: {  	v5 =	vmul.f32 $5.000000000e-01, v5;
	v7 =	vadd.f32 v8, v7;
	v8 =	vld [tilespmem:s24+$0x150]  }
0x1dd: {  	v12 =	vld [tilespmem:s24+$0x8150]  }
0x1de: {  	[tilespmem:s24+$0x110] =	vst v5;
	v5 =	vmul.f32 $5.000000000e-01, v7;
	v7 =	vadd.f32 v10, v9;
	v9 =	vld [tilespmem:s24+$0x160]  }
0x1df: {  	v10 =	vld [tilespmem:s24+$0x8160]  }
0x1e0: {  	[tilespmem:s24+$0x120] =	vst v5;
	v5 =	vmul.f32 $5.000000000e-01, v7;
	v6 =	vadd.f32 v11, v6;
	v7 =	vld [tilespmem:s24+$0x170]  }
0x1e1: {  	v11 =	vld [tilespmem:s24+$0x8170]  }
0x1e2: {  	[tilespmem:s24+$0x130] =	vst v5;
	v5 =	vmul.f32 $5.000000000e-01, v6;
	v6 =	vadd.f32 v12, v8;
	v8 =	vld [tilespmem:s24+$0x500]  }
0x1e3: {  	v12 =	vld [tilespmem:s24+$0x8500]  }
0x1e4: {  	[tilespmem:s24+$0x140] =	vst v5;
	v5 =	vmul.f32 $5.000000000e-01, v6;
	v6 =	vadd.f32 v10, v9;
	v9 =	vld [tilespmem:s24+$0x510]  }
0x1e5: {  	v10 =	vld [tilespmem:s24+$0x8510]  }
0x1e6: {  	[tilespmem:s24+$0x150] =	vst v5;
	v5 =	vmul.f32 $5.000000000e-01, v6;
	v6 =	vadd.f32 v11, v7;
	v7 =	vld [tilespmem:s24+$0x520]  }
0x1e7: {  	v11 =	vld [tilespmem:s24+$0x8520]  }
0x1e8: {  	[tilespmem:s24+$0x160] =	vst v5;
	v5 =	vmul.f32 $5.000000000e-01, v6;
	v6 =	vadd.f32 v12, v8;
	v8 =	vld [tilespmem:s24+$0x530]  }
0x1e9: {  	v12 =	vld [tilespmem:s24+$0x8530]  }
0x1ea: {  	[tilespmem:s24+$0x170] =	vst v5;
	v5 =	vmul.f32 $5.000000000e-01, v6;
	v6 =	vadd.f32 v10, v9;
	v9 =	vld [tilespmem:s24+$0x540]  }
0x1eb: {  	v10 =	vld [tilespmem:s24+$0x8540]  }
0x1ec: {  	[tilespmem:s24+$0x500] =	vst v5;
	v5 =	vmul.f32 $5.000000000e-01, v6;
	v6 =	vadd.f32 v11, v7;
	v7 =	vld [tilespmem:s24+$0x550]  }
0x1ed: {  	v11 =	vld [tilespmem:s24+$0x8550]  }
0x1ee: {  	[tilespmem:s24+$0x510] =	vst v5;
	v5 =	vmul.f32 $5.000000000e-01, v6;
	v6 =	vadd.f32 v12, v8;
	v8 =	vld [tilespmem:s24+$0x560]  }
0x1ef: {  	v12 =	vld [tilespmem:s24+$0x8560]  }
0x1f0: {  	[tilespmem:s24+$0x520] =	vst v5;
	v5 =	vmul.f32 $5.000000000e-01, v6;
	v6 =	vadd.f32 v10, v9;
	v9 =	vld [tilespmem:s24+$0x570]  }
0x1f1: {  	v10 =	vld [tilespmem:s24+$0x8570]  }
0x1f2: {  	[tilespmem:s24+$0x530] =	vst v5;
	v5 =	vmul.f32 $5.000000000e-01, v6;
	v6 =	vadd.f32 v11, v7;
	v7 =	vld [tilespmem:s24+$0x180]  }
0x1f3: {  	v11 =	vld [tilespmem:s24+$0x8180]  }
0x1f4: {  	[tilespmem:s24+$0x540] =	vst v5;
	v5 =	vmul.f32 $5.000000000e-01, v6;
	v6 =	vadd.f32 v12, v8;
	v8 =	vld [tilespmem:s24+$0x190]  }
0x1f5: {  	v12 =	vld [tilespmem:s24+$0x8190]  }
0x1f6: {  	[tilespmem:s24+$0x550] =	vst v5;
	v5 =	vmul.f32 $5.000000000e-01, v6;
	v6 =	vadd.f32 v10, v9;
	v9 =	vld [tilespmem:s24+$0x1A0]  }
0x1f7: {  	v10 =	vld [tilespmem:s24+$0x81A0]  }
0x1f8: {  	[tilespmem:s24+$0x560] =	vst v5;
	v5 =	vmul.f32 $5.000000000e-01, v6;
	v6 =	vadd.f32 v11, v7;
	v7 =	vld [tilespmem:s24+$0x1B0]  }
0x1f9: {  	v11 =	vld [tilespmem:s24+$0x81B0]  }
0x1fa: {  	[tilespmem:s24+$0x570] =	vst v5;
	v5 =	vmul.f32 $5.000000000e-01, v6;
	v6 =	vadd.f32 v12, v8;
	v8 =	vld [tilespmem:s24+$0x1C0]  }
0x1fb: {  	v12 =	vld [tilespmem:s24+$0x81C0]  }
0x1fc: {  	[tilespmem:s24+$0x180] =	vst v5;
	v5 =	vmul.f32 $5.000000000e-01, v6;
	v6 =	vadd.f32 v10, v9;
	v9 =	vld [tilespmem:s24+$0x1D0]  }
0x1fd: {  	v10 =	vld [tilespmem:s24+$0x81D0]  }
0x1fe: {  	[tilespmem:s24+$0x190] =	vst v5;
	v5 =	vmul.f32 $5.000000000e-01, v6;
	v6 =	vadd.f32 v11, v7;
	v7 =	vld [tilespmem:s24+$0x1E0]  }
0x1ff: {  	v11 =	vld [tilespmem:s24+$0x81E0]  }
0x200: {  	[tilespmem:s24+$0x1A0] =	vst v5;
	v5 =	vmul.f32 $5.000000000e-01, v6;
	v6 =	vadd.f32 v12, v8;
	v8 =	vld [tilespmem:s24+$0x1F0]  }
0x201: {  	v12 =	vld [tilespmem:s24+$0x81F0]  }
0x202: {  	[tilespmem:s24+$0x1B0] =	vst v5;
	v5 =	vmul.f32 $5.000000000e-01, v6;
	v6 =	vadd.f32 v10, v9;
	v9 =	vld [tilespmem:s24+$0x580]  }
0x203: {  	v10 =	vld [tilespmem:s24+$0x8580]  }
0x204: {  	[tilespmem:s24+$0x1C0] =	vst v5;
	v5 =	vmul.f32 $5.000000000e-01, v6;
	v6 =	vadd.f32 v11, v7;
	v7 =	vld [tilespmem:s24+$0x590]  }
0x205: {  	v11 =	vld [tilespmem:s24+$0x8590]  }
0x206: {  	[tilespmem:s24+$0x1D0] =	vst v5;
	v5 =	vmul.f32 $5.000000000e-01, v6;
	v6 =	vadd.f32 v12, v8;
	v8 =	vld [tilespmem:s24+$0x5A0]  }
0x207: {  	v12 =	vld [tilespmem:s24+$0x85A0]  }
0x208: {  	[tilespmem:s24+$0x1E0] =	vst v5;
	v5 =	vmul.f32 $5.000000000e-01, v6;
	v6 =	vadd.f32 v10, v9;
	v9 =	vld [tilespmem:s24+$0x5B0]  }
0x209: {  	v10 =	vld [tilespmem:s24+$0x85B0]  }
0x20a: {  	[tilespmem:s24+$0x1F0] =	vst v5;
	v5 =	vmul.f32 $5.000000000e-01, v6;
	v6 =	vadd.f32 v11, v7;
	v7 =	vld [tilespmem:s24+$0x5C0]  }
0x20b: {  	v11 =	vld [tilespmem:s24+$0x85C0]  }
0x20c: {  	[tilespmem:s24+$0x580] =	vst v5;
	v5 =	vmul.f32 $5.000000000e-01, v6;
	v6 =	vadd.f32 v12, v8;
	v8 =	vld [tilespmem:s24+$0x5D0]  }
0x20d: {  	v12 =	vld [tilespmem:s24+$0x85D0]  }
0x20e: {  	[tilespmem:s24+$0x590] =	vst v5;
	v5 =	vmul.f32 $5.000000000e-01, v6;
	v6 =	vadd.f32 v10, v9;
	v9 =	vld [tilespmem:s24+$0x5E0]  }
0x20f: {  	v10 =	vld [tilespmem:s24+$0x85E0]  }
0x210: {  	[tilespmem:s24+$0x5A0] =	vst v5;
	v5 =	vmul.f32 $5.000000000e-01, v6;
	v6 =	vadd.f32 v11, v7;
	v7 =	vld [tilespmem:s24+$0x5F0]  }
0x211: {  	v11 =	vld [tilespmem:s24+$0x85F0]  }
0x212: {  	[tilespmem:s24+$0x5B0] =	vst v5;
	v5 =	vmul.f32 $5.000000000e-01, v6;
	v6 =	vadd.f32 v12, v8;
	v8 =	vld [tilespmem:s24+$0x200]  }
0x213: {  	v12 =	vld [tilespmem:s24+$0x8200]  }
0x214: {  	[tilespmem:s24+$0x5C0] =	vst v5;
	v5 =	vmul.f32 $5.000000000e-01, v6;
	v6 =	vadd.f32 v10, v9;
	v9 =	vld [tilespmem:s24+$0x210]  }
0x215: {  	v10 =	vld [tilespmem:s24+$0x8210]  }
0x216: {  	[tilespmem:s24+$0x5D0] =	vst v5;
	v5 =	vmul.f32 $5.000000000e-01, v6;
	v6 =	vadd.f32 v11, v7;
	v7 =	vld [tilespmem:s24+$0x220]  }
0x217: {  	v11 =	vld [tilespmem:s24+$0x8220]  }
0x218: {  	[tilespmem:s24+$0x5E0] =	vst v5;
	v5 =	vmul.f32 $5.000000000e-01, v6;
	v6 =	vadd.f32 v12, v8;
	v8 =	vld [tilespmem:s24+$0x230]  }
0x219: {  	v12 =	vld [tilespmem:s24+$0x8230]  }
0x21a: {  	[tilespmem:s24+$0x5F0] =	vst v5;
	v5 =	vmul.f32 $5.000000000e-01, v6;
	v6 =	vadd.f32 v10, v9;
	v9 =	vld [tilespmem:s24+$0x240]  }
0x21b: {  	v10 =	vld [tilespmem:s24+$0x8240]  }
0x21c: {  	[tilespmem:s24+$0x200] =	vst v5;
	v5 =	vmul.f32 $5.000000000e-01, v6;
	v6 =	vadd.f32 v11, v7;
	v7 =	vld [tilespmem:s24+$0x250]  }
0x21d: {  	v11 =	vld [tilespmem:s24+$0x8250]  }
0x21e: {  	[tilespmem:s24+$0x210] =	vst v5;
	v5 =	vmul.f32 $5.000000000e-01, v6;
	v6 =	vadd.f32 v12, v8;
	v8 =	vld [tilespmem:s24+$0x260]  }
0x21f: {  	v12 =	vld [tilespmem:s24+$0x8260]  }
0x220: {  	[tilespmem:s24+$0x220] =	vst v5;
	v5 =	vmul.f32 $5.000000000e-01, v6;
	v6 =	vadd.f32 v10, v9;
	v9 =	vld [tilespmem:s24+$0x270]  }
0x221: {  	v10 =	vld [tilespmem:s24+$0x8270]  }
0x222: {  	[tilespmem:s24+$0x230] =	vst v5;
	v5 =	vmul.f32 $5.000000000e-01, v6;
	v6 =	vadd.f32 v11, v7;
	v7 =	vld [tilespmem:s24+$0x600]  }
0x223: {  	v11 =	vld [tilespmem:s24+$0x8600]  }
0x224: {  	[tilespmem:s24+$0x240] =	vst v5;
	v5 =	vmul.f32 $5.000000000e-01, v6;
	v6 =	vadd.f32 v12, v8;
	v8 =	vld [tilespmem:s24+$0x610]  }
0x225: {  	v12 =	vld [tilespmem:s24+$0x8610]  }
0x226: {  	[tilespmem:s24+$0x250] =	vst v5;
	v5 =	vmul.f32 $5.000000000e-01, v6;
	v6 =	vadd.f32 v10, v9;
	v9 =	vld [tilespmem:s24+$0x620]  }
0x227: {  	v10 =	vld [tilespmem:s24+$0x8620]  }
0x228: {  	[tilespmem:s24+$0x260] =	vst v5;
	v5 =	vmul.f32 $5.000000000e-01, v6;
	v6 =	vadd.f32 v11, v7;
	v7 =	vld [tilespmem:s24+$0x630]  }
0x229: {  	v11 =	vld [tilespmem:s24+$0x8630]  }
0x22a: {  	[tilespmem:s24+$0x270] =	vst v5;
	v5 =	vmul.f32 $5.000000000e-01, v6;
	v6 =	vadd.f32 v12, v8;
	v8 =	vld [tilespmem:s24+$0x640]  }
0x22b: {  	v12 =	vld [tilespmem:s24+$0x8640]  }
0x22c: {  	[tilespmem:s24+$0x600] =	vst v5;
	v5 =	vmul.f32 $5.000000000e-01, v6;
	v6 =	vadd.f32 v10, v9;
	v9 =	vld [tilespmem:s24+$0x650]  }
0x22d: {  	v10 =	vld [tilespmem:s24+$0x8650]  }
0x22e: {  	[tilespmem:s24+$0x610] =	vst v5;
	v5 =	vmul.f32 $5.000000000e-01, v6;
	v6 =	vadd.f32 v11, v7;
	v7 =	vld [tilespmem:s24+$0x660]  }
0x22f: {  	v11 =	vld [tilespmem:s24+$0x8660]  }
0x230: {  	[tilespmem:s24+$0x620] =	vst v5;
	v5 =	vmul.f32 $5.000000000e-01, v6;
	v6 =	vadd.f32 v12, v8;
	v8 =	vld [tilespmem:s24+$0x670]  }
0x231: {  	v12 =	vld [tilespmem:s24+$0x8670]  }
0x232: {  	[tilespmem:s24+$0x630] =	vst v5;
	v5 =	vmul.f32 $5.000000000e-01, v6;
	v6 =	vadd.f32 v10, v9;
	v9 =	vld [tilespmem:s24+$0x280]  }
0x233: {  	v10 =	vld [tilespmem:s24+$0x8280]  }
0x234: {  	[tilespmem:s24+$0x640] =	vst v5;
	v5 =	vmul.f32 $5.000000000e-01, v6;
	v6 =	vadd.f32 v11, v7;
	v7 =	vld [tilespmem:s24+$0x290]  }
0x235: {  	v11 =	vld [tilespmem:s24+$0x8290]  }
0x236: {  	[tilespmem:s24+$0x650] =	vst v5;
	v5 =	vmul.f32 $5.000000000e-01, v6;
	v6 =	vadd.f32 v12, v8;
	v8 =	vld [tilespmem:s24+$0x2A0]  }
0x237: {  	v12 =	vld [tilespmem:s24+$0x82A0]  }
0x238: {  	[tilespmem:s24+$0x660] =	vst v5;
	v5 =	vmul.f32 $5.000000000e-01, v6;
	v6 =	vadd.f32 v10, v9;
	v9 =	vld [tilespmem:s24+$0x2B0]  }
0x239: {  	v10 =	vld [tilespmem:s24+$0x82B0]  }
0x23a: {  	[tilespmem:s24+$0x670] =	vst v5;
	v5 =	vmul.f32 $5.000000000e-01, v6;
	v6 =	vadd.f32 v11, v7;
	v7 =	vld [tilespmem:s24+$0x2C0]  }
0x23b: {  	v11 =	vld [tilespmem:s24+$0x82C0]  }
0x23c: {  	[tilespmem:s24+$0x280] =	vst v5;
	v5 =	vmul.f32 $5.000000000e-01, v6;
	v6 =	vadd.f32 v12, v8;
	v8 =	vld [tilespmem:s24+$0x2D0]  }
0x23d: {  	v12 =	vld [tilespmem:s24+$0x82D0]  }
0x23e: {  	[tilespmem:s24+$0x290] =	vst v5;
	v5 =	vmul.f32 $5.000000000e-01, v6;
	v6 =	vadd.f32 v10, v9;
	v9 =	vld [tilespmem:s24+$0x2E0]  }
0x23f: {  	v10 =	vld [tilespmem:s24+$0x82E0]  }
0x240: {  	[tilespmem:s24+$0x2A0] =	vst v5;
	v5 =	vmul.f32 $5.000000000e-01, v6;
	v6 =	vadd.f32 v11, v7;
	v7 =	vld [tilespmem:s24+$0x2F0]  }
0x241: {  	v11 =	vld [tilespmem:s24+$0x82F0]  }
0x242: {  	[tilespmem:s24+$0x2B0] =	vst v5;
	v5 =	vmul.f32 $5.000000000e-01, v6;
	v6 =	vadd.f32 v12, v8;
	v8 =	vld [tilespmem:s24+$0x680]  }
0x243: {  	v12 =	vld [tilespmem:s24+$0x8680]  }
0x244: {  	[tilespmem:s24+$0x2C0] =	vst v5;
	v5 =	vmul.f32 $5.000000000e-01, v6;
	v6 =	vadd.f32 v10, v9;
	v9 =	vld [tilespmem:s24+$0x690]  }
0x245: {  	v10 =	vld [tilespmem:s24+$0x8690]  }
0x246: {  	[tilespmem:s24+$0x2D0] =	vst v5;
	v5 =	vmul.f32 $5.000000000e-01, v6;
	v6 =	vadd.f32 v11, v7;
	v7 =	vld [tilespmem:s24+$0x6A0]  }
0x247: {  	v11 =	vld [tilespmem:s24+$0x86A0]  }
0x248: {  	[tilespmem:s24+$0x2E0] =	vst v5;
	v5 =	vmul.f32 $5.000000000e-01, v6;
	v6 =	vadd.f32 v12, v8;
	v8 =	vld [tilespmem:s24+$0x6B0]  }
0x249: {  	v12 =	vld [tilespmem:s24+$0x86B0]  }
0x24a: {  	[tilespmem:s24+$0x2F0] =	vst v5;
	v5 =	vmul.f32 $5.000000000e-01, v6;
	v6 =	vadd.f32 v10, v9;
	v9 =	vld [tilespmem:s24+$0x6C0]  }
0x24b: {  	v10 =	vld [tilespmem:s24+$0x86C0]  }
0x24c: {  	[tilespmem:s24+$0x680] =	vst v5;
	v5 =	vmul.f32 $5.000000000e-01, v6;
	v6 =	vadd.f32 v11, v7;
	v7 =	vld [tilespmem:s24+$0x6D0]  }
0x24d: {  	v11 =	vld [tilespmem:s24+$0x86D0]  }
0x24e: {  	[tilespmem:s24+$0x690] =	vst v5;
	v5 =	vmul.f32 $5.000000000e-01, v6;
	v6 =	vadd.f32 v12, v8;
	v8 =	vld [tilespmem:s24+$0x6E0]  }
0x24f: {  	v12 =	vld [tilespmem:s24+$0x86E0]  }
0x250: {  	[tilespmem:s24+$0x6A0] =	vst v5;
	v5 =	vmul.f32 $5.000000000e-01, v6;
	v6 =	vadd.f32 v10, v9;
	v9 =	vld [tilespmem:s24+$0x6F0]  }
0x251: {  	v10 =	vld [tilespmem:s24+$0x86F0]  }
0x252: {  	[tilespmem:s24+$0x6B0] =	vst v5;
	v5 =	vmul.f32 $5.000000000e-01, v6;
	v6 =	vadd.f32 v11, v7;
	v7 =	vld [tilespmem:s24+$0x300]  }
0x253: {  	v11 =	vld [tilespmem:s24+$0x8300]  }
0x254: {  	[tilespmem:s24+$0x6C0] =	vst v5;
	v5 =	vmul.f32 $5.000000000e-01, v6;
	v6 =	vadd.f32 v12, v8;
	v8 =	vld [tilespmem:s24+$0x310]  }
0x255: {  	v12 =	vld [tilespmem:s24+$0x8310]  }
0x256: {  	[tilespmem:s24+$0x6D0] =	vst v5;
	v5 =	vmul.f32 $5.000000000e-01, v6;
	v6 =	vadd.f32 v10, v9;
	v9 =	vld [tilespmem:s24+$0x320]  }
0x257: {  	v10 =	vld [tilespmem:s24+$0x8320]  }
0x258: {  	[tilespmem:s24+$0x6E0] =	vst v5;
	v5 =	vmul.f32 $5.000000000e-01, v6;
	v6 =	vadd.f32 v11, v7;
	v7 =	vld [tilespmem:s24+$0x330]  }
0x259: {  	v11 =	vld [tilespmem:s24+$0x8330]  }
0x25a: {  	[tilespmem:s24+$0x6F0] =	vst v5;
	v5 =	vmul.f32 $5.000000000e-01, v6;
	v6 =	vadd.f32 v12, v8;
	v8 =	vld [tilespmem:s24+$0x340]  }
0x25b: {  	v12 =	vld [tilespmem:s24+$0x8340]  }
0x25c: {  	[tilespmem:s24+$0x300] =	vst v5;
	v5 =	vmul.f32 $5.000000000e-01, v6;
	v6 =	vadd.f32 v10, v9;
	v9 =	vld [tilespmem:s24+$0x350]  }
0x25d: {  	v10 =	vld [tilespmem:s24+$0x8350]  }
0x25e: {  	[tilespmem:s24+$0x310] =	vst v5;
	v5 =	vmul.f32 $5.000000000e-01, v6;
	v6 =	vadd.f32 v11, v7;
	v7 =	vld [tilespmem:s24+$0x360]  }
0x25f: {  	v11 =	vld [tilespmem:s24+$0x8360]  }
0x260: {  	[tilespmem:s24+$0x320] =	vst v5;
	v5 =	vmul.f32 $5.000000000e-01, v6;
	v6 =	vadd.f32 v12, v8;
	v8 =	vld [tilespmem:s24+$0x370]  }
0x261: {  	v12 =	vld [tilespmem:s24+$0x8370]  }
0x262: {  	[tilespmem:s24+$0x330] =	vst v5;
	v5 =	vmul.f32 $5.000000000e-01, v6;
	v6 =	vadd.f32 v10, v9;
	v9 =	vld [tilespmem:s24+$0x700]  }
0x263: {  	v10 =	vld [tilespmem:s24+$0x8700]  }
0x264: {  	[tilespmem:s24+$0x340] =	vst v5;
	v5 =	vmul.f32 $5.000000000e-01, v6;
	v6 =	vadd.f32 v11, v7;
	v7 =	vld [tilespmem:s24+$0x710]  }
0x265: {  	v11 =	vld [tilespmem:s24+$0x8710]  }
0x266: {  	[tilespmem:s24+$0x350] =	vst v5;
	v5 =	vmul.f32 $5.000000000e-01, v6;
	v6 =	vadd.f32 v12, v8;
	v8 =	vld [tilespmem:s24+$0x720]  }
0x267: {  	v12 =	vld [tilespmem:s24+$0x8720]  }
0x268: {  	[tilespmem:s24+$0x360] =	vst v5;
	v5 =	vmul.f32 $5.000000000e-01, v6;
	v6 =	vadd.f32 v10, v9;
	v9 =	vld [tilespmem:s24+$0x730]  }
0x269: {  	v10 =	vld [tilespmem:s24+$0x8730]  }
0x26a: {  	[tilespmem:s24+$0x370] =	vst v5;
	v5 =	vmul.f32 $5.000000000e-01, v6;
	v6 =	vadd.f32 v11, v7;
	v7 =	vld [tilespmem:s24+$0x740]  }
0x26b: {  	v11 =	vld [tilespmem:s24+$0x8740]  }
0x26c: {  	[tilespmem:s24+$0x700] =	vst v5;
	v5 =	vmul.f32 $5.000000000e-01, v6;
	v6 =	vadd.f32 v12, v8;
	v8 =	vld [tilespmem:s24+$0x750]  }
0x26d: {  	v12 =	vld [tilespmem:s24+$0x8750]  }
0x26e: {  	[tilespmem:s24+$0x710] =	vst v5;
	v5 =	vmul.f32 $5.000000000e-01, v6;
	v6 =	vadd.f32 v10, v9;
	v9 =	vld [tilespmem:s24+$0x760]  }
0x26f: {  	v10 =	vld [tilespmem:s24+$0x8760]  }
0x270: {  	[tilespmem:s24+$0x720] =	vst v5;
	v5 =	vmul.f32 $5.000000000e-01, v6;
	v6 =	vadd.f32 v11, v7;
	v7 =	vld [tilespmem:s24+$0x770]  }
0x271: {  	v11 =	vld [tilespmem:s24+$0x8770]  }
0x272: {  	[tilespmem:s24+$0x730] =	vst v5;
	v5 =	vmul.f32 $5.000000000e-01, v6;
	v6 =	vadd.f32 v12, v8;
	v8 =	vld [tilespmem:s24+$0x380]  }
0x273: {  	v12 =	vld [tilespmem:s24+$0x8380]  }
0x274: {  	[tilespmem:s24+$0x740] =	vst v5;
	v5 =	vmul.f32 $5.000000000e-01, v6;
	v6 =	vadd.f32 v10, v9;
	v9 =	vld [tilespmem:s24+$0x390]  }
0x275: {  	v10 =	vld [tilespmem:s24+$0x8390]  }
0x276: {  	[tilespmem:s24+$0x750] =	vst v5;
	v5 =	vmul.f32 $5.000000000e-01, v6;
	v6 =	vadd.f32 v11, v7;
	v7 =	vld [tilespmem:s24+$0x3A0]  }
0x277: {  	v11 =	vld [tilespmem:s24+$0x83A0]  }
0x278: {  	[tilespmem:s24+$0x760] =	vst v5;
	v5 =	vmul.f32 $5.000000000e-01, v6;
	v6 =	vadd.f32 v12, v8;
	v8 =	vld [tilespmem:s24+$0x3B0]  }
0x279: {  	v12 =	vld [tilespmem:s24+$0x83B0]  }
0x27a: {  	[tilespmem:s24+$0x770] =	vst v5;
	v5 =	vmul.f32 $5.000000000e-01, v6;
	v6 =	vadd.f32 v10, v9;
	v9 =	vld [tilespmem:s24+$0x3C0]  }
0x27b: {  	v10 =	vld [tilespmem:s24+$0x83C0]  }
0x27c: {  	[tilespmem:s24+$0x380] =	vst v5;
	v5 =	vmul.f32 $5.000000000e-01, v6;
	v6 =	vadd.f32 v11, v7;
	v7 =	vld [tilespmem:s24+$0x3D0]  }
0x27d: {  	v11 =	vld [tilespmem:s24+$0x83D0]  }
0x27e: {  	[tilespmem:s24+$0x390] =	vst v5;
	v5 =	vmul.f32 $5.000000000e-01, v6;
	v6 =	vadd.f32 v12, v8;
	v8 =	vld [tilespmem:s24+$0x3E0]  }
0x27f: {  	v12 =	vld [tilespmem:s24+$0x83E0]  }
0x280: {  	[tilespmem:s24+$0x3A0] =	vst v5;
	v5 =	vmul.f32 $5.000000000e-01, v6;
	v6 =	vadd.f32 v10, v9;
	v9 =	vld [tilespmem:s24+$0x3F0]  }
0x281: {  	v10 =	vld [tilespmem:s24+$0x83F0]  }
0x282: {  	[tilespmem:s24+$0x3B0] =	vst v5;
	v5 =	vmul.f32 $5.000000000e-01, v6;
	v6 =	vadd.f32 v11, v7;
	v7 =	vld [tilespmem:s24+$0x780]  }
0x283: {  	v11 =	vld [tilespmem:s24+$0x8780]  }
0x284: {  	[tilespmem:s24+$0x3C0] =	vst v5;
	v5 =	vmul.f32 $5.000000000e-01, v6;
	v6 =	vadd.f32 v12, v8;
	v8 =	vld [tilespmem:s24+$0x790]  }
0x285: {  	v12 =	vld [tilespmem:s24+$0x8790]  }
0x286: {  	[tilespmem:s24+$0x3D0] =	vst v5;
	v5 =	vmul.f32 $5.000000000e-01, v6;
	v6 =	vadd.f32 v10, v9;
	v9 =	vld [tilespmem:s24+$0x7A0]  }
0x287: {  	v10 =	vld [tilespmem:s24+$0x87A0]  }
0x288: {  	[tilespmem:s24+$0x3E0] =	vst v5;
	v5 =	vmul.f32 $5.000000000e-01, v6;
	v6 =	vadd.f32 v11, v7;
	v7 =	vld [tilespmem:s24+$0x7B0]  }
0x289: {  	v11 =	vld [tilespmem:s24+$0x100]  }
0x28a: {  	[tilespmem:s24+$0x3F0] =	vst v5;
	v5 =	vmul.f32 $5.000000000e-01, v6;
	v6 =	vadd.f32 v12, v8;
	v8 =	vld [tilespmem:s24+$0x7C0]  }
0x28b: {  	v12 =	vld [tilespmem:s24+$0x87C0]  }
0x28c: {  	[tilespmem:s24+$0x780] =	vst v5;
	v5 =	vmul.f32 $5.000000000e-01, v6;
	v6 =	vadd.f32 v10, v9;
	v9 =	vld [tilespmem:s24+$0x7D0]  }
0x28d: {  	v4 =	vadd.f32 v4, v7;
	v7 =	vld [tilespmem:s24+$0x87D0]  }
0x28e: {  	v3 =	vadd.f32 v3, v11;
	[tilespmem:s24+$0x790] =	vst v5;
	v5 =	vmul.f32 $5.000000000e-01, v6;
	v6 =	vld [tilespmem:s24+$0x7E0]  }
0x28f: {  	v4 =	vmul.f32 $5.000000000e-01, v4;
	v10 =	vld [tilespmem:s24+$0x87E0]  }
0x290: {  	v3 =	vmul.f32 $5.000000000e-01, v3;
	[tilespmem:s24+$0x7A0] =	vst v5;
	v5 =	vadd.f32 v12, v8;
	v8 =	vld [tilespmem:s24+$0x7F0]  }
0x291: {  	[tilespmem:s24+$0x7B0] =	vst v4;
	v4 =	vld [tilespmem:s24+$0x87F0]  }
0x292: {  	[tilespmem:s24+$0x100] =	vst v3;
	v3 =	vmul.f32 $5.000000000e-01, v5;
	v5 =	vadd.f32 v7, v9;
	v7 =	vld [tilespmem:s24+$0x400]  }
0x293: {  	v9 =	vld [tilespmem:s24+$0x8400]  }
0x294: {  	[tilespmem:s24+$0x7C0] =	vst v3;
	v3 =	vmul.f32 $5.000000000e-01, v5;
	v5 =	vadd.f32 v10, v6;
	v6 =	vld [tilespmem:s24+$0x410]  }
0x295: {  	v10 =	vld [tilespmem:s24+$0x8410]  }
0x296: {  	[tilespmem:s24+$0x7D0] =	vst v3;
	v3 =	vmul.f32 $5.000000000e-01, v5;
	v4 =	vadd.f32 v4, v8;
	v5 =	vld [tilespmem:s24+$0x420]  }
0x297: {  	v8 =	vld [tilespmem:s24+$0x8420]  }
0x298: {  	[tilespmem:s24+$0x7E0] =	vst v3;
	v3 =	vmul.f32 $5.000000000e-01, v4;
	v4 =	vadd.f32 v9, v7;
	v7 =	vld [tilespmem:s24+$0x430]  }
0x299: {  	v9 =	vld [tilespmem:s24+$0x8430]  }
0x29a: {  	[tilespmem:s24+$0x7F0] =	vst v3;
	v3 =	vmul.f32 $5.000000000e-01, v4;
	v4 =	vadd.f32 v10, v6;
	v6 =	vld [tilespmem:s24+$0x440]  }
0x29b: {  	v10 =	vld [tilespmem:s24+$0x8440]  }
0x29c: {  	[tilespmem:s24+$0x400] =	vst v3;
	v3 =	vmul.f32 $5.000000000e-01, v4;
	v4 =	vadd.f32 v8, v5;
	v5 =	vld [tilespmem:s24+$0x450]  }
0x29d: {  	v8 =	vld [tilespmem:s24+$0x8450]  }
0x29e: {  	[tilespmem:s24+$0x410] =	vst v3;
	v3 =	vmul.f32 $5.000000000e-01, v4;
	v4 =	vadd.f32 v9, v7;
	v7 =	vld [tilespmem:s24+$0x460]  }
0x29f: {  	v9 =	vld [tilespmem:s24+$0x8460]  }
0x2a0: {  	[tilespmem:s24+$0x420] =	vst v3;
	v3 =	vmul.f32 $5.000000000e-01, v4;
	v4 =	vadd.f32 v10, v6;
	v6 =	vld [tilespmem:s24+$0x470]  }
0x2a1: {  	v10 =	vld [tilespmem:s24+$0x8470]  }
0x2a2: {  	[tilespmem:s24+$0x430] =	vst v3;
	v3 =	vmul.f32 $5.000000000e-01, v4;
	v4 =	vadd.f32 v8, v5;
	v5 =	vld [tilespmem:s24+$0x800]  }
0x2a3: {  	v8 =	vld [tilespmem:s24+$0x8800]  }
0x2a4: {  	[tilespmem:s24+$0x440] =	vst v3;
	v3 =	vmul.f32 $5.000000000e-01, v4;
	v4 =	vadd.f32 v9, v7;
	v7 =	vld [tilespmem:s24+$0x810]  }
0x2a5: {  	v9 =	vld [tilespmem:s24+$0x8810]  }
0x2a6: {  	[tilespmem:s24+$0x450] =	vst v3;
	v3 =	vmul.f32 $5.000000000e-01, v4;
	v4 =	vadd.f32 v10, v6;
	v6 =	vld [tilespmem:s24+$0x820]  }
0x2a7: {  	v10 =	vld [tilespmem:s24+$0x8820]  }
0x2a8: {  	[tilespmem:s24+$0x460] =	vst v3;
	v3 =	vmul.f32 $5.000000000e-01, v4;
	v4 =	vadd.f32 v8, v5;
	v5 =	vld [tilespmem:s24+$0x830]  }
0x2a9: {  	v8 =	vld [tilespmem:s24+$0x8830]  }
0x2aa: {  	[tilespmem:s24+$0x470] =	vst v3;
	v3 =	vmul.f32 $5.000000000e-01, v4;
	v4 =	vadd.f32 v9, v7;
	v7 =	vld [tilespmem:s24+$0x840]  }
0x2ab: {  	v9 =	vld [tilespmem:s24+$0x8840]  }
0x2ac: {  	[tilespmem:s24+$0x800] =	vst v3;
	v3 =	vmul.f32 $5.000000000e-01, v4;
	v4 =	vadd.f32 v10, v6;
	v6 =	vld [tilespmem:s24+$0x850]  }
0x2ad: {  	v10 =	vld [tilespmem:s24+$0x8850]  }
0x2ae: {  	[tilespmem:s24+$0x810] =	vst v3;
	v3 =	vmul.f32 $5.000000000e-01, v4;
	v4 =	vadd.f32 v8, v5;
	v5 =	vld [tilespmem:s24+$0x860]  }
0x2af: {  	v8 =	vld [tilespmem:s24+$0x8860]  }
0x2b0: {  	[tilespmem:s24+$0x820] =	vst v3;
	v3 =	vmul.f32 $5.000000000e-01, v4;
	v4 =	vadd.f32 v9, v7;
	v7 =	vld [tilespmem:s24+$0x870]  }
0x2b1: {  	v9 =	vld [tilespmem:s24+$0x8870]  }
0x2b2: {  	[tilespmem:s24+$0x830] =	vst v3;
	v3 =	vmul.f32 $5.000000000e-01, v4;
	v4 =	vadd.f32 v10, v6;
	v6 =	vld [tilespmem:s24+$0x480]  }
0x2b3: {  	v10 =	vld [tilespmem:s24+$0x8480]  }
0x2b4: {  	[tilespmem:s24+$0x840] =	vst v3;
	v3 =	vmul.f32 $5.000000000e-01, v4;
	v4 =	vadd.f32 v8, v5;
	v5 =	vld [tilespmem:s24+$0x490]  }
0x2b5: {  	v8 =	vld [tilespmem:s24+$0x8490]  }
0x2b6: {  	[tilespmem:s24+$0x850] =	vst v3;
	v3 =	vmul.f32 $5.000000000e-01, v4;
	v4 =	vadd.f32 v9, v7;
	v7 =	vld [tilespmem:s24+$0x4A0]  }
0x2b7: {  	v9 =	vld [tilespmem:s24+$0x84A0]  }
0x2b8: {  	[tilespmem:s24+$0x860] =	vst v3;
	v3 =	vmul.f32 $5.000000000e-01, v4;
	v4 =	vadd.f32 v10, v6;
	v6 =	vld [tilespmem:s24+$0x4B0]  }
0x2b9: {  	v10 =	vld [tilespmem:s24+$0x84B0]  }
0x2ba: {  	[tilespmem:s24+$0x870] =	vst v3;
	v3 =	vmul.f32 $5.000000000e-01, v4;
	v4 =	vadd.f32 v8, v5;
	v5 =	vld [tilespmem:s24+$0x4C0]  }
0x2bb: {  	v8 =	vld [tilespmem:s24+$0x84C0]  }
0x2bc: {  	[tilespmem:s24+$0x480] =	vst v3;
	v3 =	vmul.f32 $5.000000000e-01, v4;
	v4 =	vadd.f32 v9, v7;
	v7 =	vld [tilespmem:s24+$0x4D0]  }
0x2bd: {  	v9 =	vld [tilespmem:s24+$0x84D0]  }
0x2be: {  	[tilespmem:s24+$0x490] =	vst v3;
	v3 =	vmul.f32 $5.000000000e-01, v4;
	v4 =	vadd.f32 v10, v6;
	v6 =	vld [tilespmem:s24+$0x4E0]  }
0x2bf: {  	v10 =	vld [tilespmem:s24+$0x84E0]  }
0x2c0: {  	[tilespmem:s24+$0x4A0] =	vst v3;
	v3 =	vmul.f32 $5.000000000e-01, v4;
	v4 =	vadd.f32 v8, v5;
	v5 =	vld [tilespmem:s24+$0x4F0]  }
0x2c1: {  	v8 =	vld [tilespmem:s24+$0x84F0]  }
0x2c2: {  	[tilespmem:s24+$0x4B0] =	vst v3;
	v3 =	vmul.f32 $5.000000000e-01, v4;
	v4 =	vadd.f32 v9, v7;
	v7 =	vld [tilespmem:s24+$0x880]  }
0x2c3: {  	v9 =	vld [tilespmem:s24+$0x8880]  }
0x2c4: {  	[tilespmem:s24+$0x4C0] =	vst v3;
	v3 =	vmul.f32 $5.000000000e-01, v4;
	v4 =	vadd.f32 v10, v6;
	v6 =	vld [tilespmem:s24+$0x890]  }
0x2c5: {  	v10 =	vld [tilespmem:s24+$0x8890]  }
0x2c6: {  	[tilespmem:s24+$0x4D0] =	vst v3;
	v3 =	vmul.f32 $5.000000000e-01, v4;
	v4 =	vadd.f32 v8, v5;
	v5 =	vld [tilespmem:s24+$0x8A0]  }
0x2c7: {  	v8 =	vld [tilespmem:s24+$0x88A0]  }
0x2c8: {  	[tilespmem:s24+$0x4E0] =	vst v3;
	v3 =	vmul.f32 $5.000000000e-01, v4;
	v4 =	vadd.f32 v9, v7;
	v7 =	vld [tilespmem:s24+$0x8B0]  }
0x2c9: {  	v9 =	vld [tilespmem:s24+$0x88B0]  }
0x2ca: {  	[tilespmem:s24+$0x4F0] =	vst v3;
	v3 =	vmul.f32 $5.000000000e-01, v4;
	v4 =	vadd.f32 v10, v6;
	v6 =	vld [tilespmem:s24+$0x8C0]  }
0x2cb: {  	v10 =	vld [tilespmem:s24+$0x88C0]  }
0x2cc: {  	[tilespmem:s24+$0x880] =	vst v3;
	v3 =	vmul.f32 $5.000000000e-01, v4;
	v4 =	vadd.f32 v8, v5;
	v5 =	vld [tilespmem:s24+$0x8D0]  }
0x2cd: {  	v8 =	vld [tilespmem:s24+$0x88D0]  }
0x2ce: {  	[tilespmem:s24+$0x890] =	vst v3;
	v3 =	vmul.f32 $5.000000000e-01, v4;
	v4 =	vadd.f32 v9, v7;
	v7 =	vld [tilespmem:s24+$0x8E0]  }
0x2cf: {  	v9 =	vld [tilespmem:s24+$0x88E0]  }
0x2d0: {  	[tilespmem:s24+$0x8A0] =	vst v3;
	v3 =	vmul.f32 $5.000000000e-01, v4;
	v4 =	vadd.f32 v10, v6;
	v6 =	vld [tilespmem:s24+$0x8F0]  }
0x2d1: {  	v10 =	vld [tilespmem:s24+$0x88F0]  }
0x2d2: {  	[tilespmem:s24+$0x8B0] =	vst v3;
	v3 =	vmul.f32 $5.000000000e-01, v4;
	v4 =	vadd.f32 v8, v5;
	_ =	sdelay $0x1  }
.Ltmp0:
0x2d3: {  	[tilespmem:s24+$0x8C0] =	vst v3;
	v3 =	vmul.f32 $5.000000000e-01, v4;
	v4 =	vadd.f32 v9, v7;
	(pc) =	sbr.rel @p0 .LBB2_2-.Ltmp0, $3  }
0x2d4: {  	_ = 	snop  }
0x2d5: {  	[tilespmem:s24+$0x8D0] =	vst v3;
	v3 =	vmul.f32 $5.000000000e-01, v4;
	v4 =	vadd.f32 v10, v6;
	_ =	sdelay $0x1  }
0x2d6: {  	[tilespmem:s24+$0x8E0] =	vst v3;
	v3 =	vmul.f32 $5.000000000e-01, v4  }
0x2d7: {  	s23 =	sadd.s32 $0x1, s23  }
0x2d8: {  	p0 =	sne.s32 s23, s8  }
.Ltmp1:
0x2d9: {  	[tilespmem:s24+$0x8F0] =	vst v3;
	(pc) =	sbr.rel @p0 .LBB2_1-.Ltmp1, $4  }
0x2da: {  	[hbm4b:s7+s4] =	stream.linear.scatter [tilespmem:s10], [sflag:$0x3], $0x8000, $0x38;
	[tilespmem:$0x10100] =	vst v63  }
0x2db: {  	_ =	swait.ge [sflag:s9], $0x8000  }
0x2dc: {  	[sflag:s9] =	ssyncset.done $0x0  }
0x2dd: {  	[sflag:s9] =	ssyncadd.s32 $0xFFFF8000  }
0x2de: {  	_ =	sfence.sel $0x180000  }
0x2df: {  	[bflag:$0x0] =	sbarrier.arrive $0xFFFF  }
0x2e0: {  	_ =	strace $0x90000047  }
0x2e1: {  	s0 =	stileid.u32;
	[bflag:$0x2] =	sbarrier.arrive $0xFFFF  }
0x2e2: {  	p0 =	sne.s32 s0, $0x0;
	s0 =	rddreg [dreg:$0x5]  }
0x2e3: {  	s0 =	sadd.s32 @!p0 $0x100000, s0  }
0x2e4: {  	[sflag:s0] =	ssyncadd.tile.s32 @!p0 $0x1;
	_ =	shalt  }
.Lfunc_end2:
_tile_overlayer_lowered:
.L_overlay_start_2:
0x2e5: {  	(tag) =	ssettag $0x2  }
0x2e6: {  	s0 =	rddreg [dreg:$0x0];
	s2 =	stileid.u32  }
0x2e7: {  	s1 =	rddreg [dreg:$0x1];
	p0 =	sne.s32 s2, $0x0  }
0x2e8: {  	s3 =	rddreg [dreg:$0x2];
	[bflag:$0x3] =	sbarrier.arrive $0xFFFF;
	s2 =	simm.s32 @!p0 $0x1C03  }
0x2e9: {  	[timem:s3], [sflag:s2] =	dma.local @!p0 [hbm:s0], s1  }
0x2ea: {  	s0 =	simm.s32 @!p0 $0x3  }
0x2eb: {  	_ =	swait.ge @!p0 [sflag:s0], s1  }
0x2ec: {  	s1 =	ssub.s32 @!p0 $0x0, s1;
	[sflag:s0] =	ssyncset.done @!p0 $0x0  }
0x2ed: {  	[sflag:s0] =	ssyncadd.s32 @!p0 s1  }
0x2ee: {  	[bflag:$0x3] =	sbarrier.arrive $0xFFFF  }
0x2ef: {  	_ =	shalt  }

</sc_bundles>
